<compile_context>
chip_gen: v7x
topology: tpu7x:2x2x1
jax: 0.10.2.dev20260603
libtpu: 0.0.44.dev20260713+nightly
codegen_flags: <defaults>
</compile_context>

<pallas_src>
import functools

import jax
import jax.numpy as jnp
from jax import lax
from jax.experimental import pallas as pl
from jax.experimental.pallas import tpu as pltpu
from jax.experimental.pallas import tpu_sc as plsc

R, C = 16384, 200
V, D = 100, 36
D2 = 2 * D
NP = R * C // 2
G = 128
G2 = 2 * G
NG = NP // G
NC, NS = 2, 16
NW = NC * NS
GPW = NG // NW
K = 4
NCHUNK = GPW // K


def _sc_gather(x2d, ptab):
    mesh = plsc.VectorSubcoreMesh(core_axis_name="c", subcore_axis_name="s")

    @functools.partial(
        pl.kernel,
        mesh=mesh,
        out_type=jax.ShapeDtypeStruct((NG, G, D2), jnp.float32),
        scratch_types=[
            pltpu.VMEM((3, K, G2), jnp.int32),
            pltpu.VMEM((3, K, G), jnp.int32),
            pltpu.VMEM((2, K, G, D2), jnp.float32),
            pltpu.SemaphoreType.DMA,
            pltpu.SemaphoreType.DMA,
            pltpu.SemaphoreType.DMA,
        ],
        compiler_params=pltpu.CompilerParams(
            use_tc_tiling_on_sc=False, needs_layout_passes=False
        ),
    )
    def k(x_hbm, p_hbm, out_hbm, raw_v, idx_v, rows_v, isem, gsem, ssem):
        wid = lax.axis_index("s") * NC + lax.axis_index("c")
        base = wid * GPW
        last = NCHUNK - 1
        lanes = lax.iota(jnp.int32, 16)

        def fire_idx(b, c):
            pltpu.async_copy(x_hbm.at[pl.ds(base + c * K, K)], raw_v.at[b], isem)

        def wait_idx(b, c):
            pltpu.make_async_copy(
                x_hbm.at[pl.ds(base + c * K, K)], raw_v.at[b], isem
            ).wait()

        def make_pairs(b):
            for j in range(K):
                row = raw_v.at[b, j]
                for t in range(G // 16):
                    pos = lanes * 2 + (t * 32)
                    a = plsc.load_gather(row, [pos])
                    bb = plsc.load_gather(row, [pos + 1])
                    idx_v[b, j, pl.ds(t * 16, 16)] = a * V + bb

        def fire_gathers(bi, br):
            for j in range(K):
                pltpu.async_copy(p_hbm.at[idx_v.at[bi, j]], rows_v.at[br, j], gsem)

        def wait_gathers(br, c):
            pltpu.make_async_copy(
                out_hbm.at[pl.ds(base + c * K, K)], rows_v.at[br], gsem
            ).wait()

        def fire_scatter(br, c):
            pltpu.async_copy(rows_v.at[br], out_hbm.at[pl.ds(base + c * K, K)], ssem)

        def wait_scatter(br, c):
            pltpu.make_async_copy(
                rows_v.at[br], out_hbm.at[pl.ds(base + c * K, K)], ssem
            ).wait()

        fire_idx(0, 0)
        fire_idx(1, 1)
        wait_idx(0, 0)
        make_pairs(0)
        fire_gathers(0, 0)

        def body(i, carry):
            b3 = i % 3
            br = i % 2
            brp = (i - 1) % 2
            wait_idx(b3, i)
            make_pairs(b3)

            @pl.when(i >= 2)
            def _():
                wait_scatter(br, i - 2)

            fire_gathers(b3, br)

            @pl.when(i < last)
            def _():
                fire_idx((i + 1) % 3, i + 1)

            wait_gathers(brp, i - 1)
            fire_scatter(brp, i - 1)
            return carry

        lax.fori_loop(1, NCHUNK, body, 0)

        wait_gathers(last % 2, last)
        fire_scatter(last % 2, last)
        wait_scatter((last - 1) % 2, last - 1)
        wait_scatter(last % 2, last)

    return k(x2d, ptab)


def kernel(x, wte):
    x2d = x.reshape(NG, G2).astype(jnp.int32)
    ptab = jnp.concatenate(
        [
            jnp.broadcast_to(wte[:, None, :], (V, V, D)),
            jnp.broadcast_to(wte[None, :, :], (V, V, D)),
        ],
        axis=-1,
    ).reshape(V * V, D2)
    out = _sc_gather(x2d, ptab)
    return out.reshape(R, C, D)

# --- scband reference (transcript-rebuilt; emitter-appended) ---
"""Pipeline reference for scband-m-26044681683273 (READ-ONLY COPY).

The authoritative reference and input builder live on the scoring server;
editing this copy changes nothing except your own understanding.
"""

import jax, jax.numpy as jnp
import numpy as np


def setup_inputs(seed: int = 0) -> dict:
    key = jax.random.key(seed)
    k1, k2 = jax.random.split(key)
    x = jax.random.randint(k1, (16384, 200), 0, 100, dtype=jnp.int64 if jax.config.jax_enable_x64 else jnp.int32)
    wte = jax.random.normal(k2, (100, 36), dtype=jnp.float32)
    return {"x": x, "wte": wte}


def reference(x, wte):
    # nn.Embedding forward: gather rows of the table by index
    return jnp.take(wte, x, axis=0)

if __name__ == "__main__":
    import jax
    _d = setup_inputs()
    print(jax.jit(kernel)(*tuple(_d.values())))

</pallas_src>

<mosaic_0001>
#map = affine_map<(d0, d1) -> (0, 0)>
#map1 = affine_map<(d0, d1) -> (0, 0, 0)>
module attributes {stable_mosaic.version = 14 : i64} {
  func.func @k(%arg0: i32, %arg1: i32, %arg2: memref<12800x256xi32, #tpu.memory_space<hbm>>, %arg3: memref<10000x72xf32, #tpu.memory_space<hbm>>, %arg4: memref<12800x128x72xf32, #tpu.memory_space<hbm>>, %arg5: memref<3x4x256xi32, #tpu.memory_space<vmem>>, %arg6: memref<3x4x128xi32, #tpu.memory_space<vmem>>, %arg7: memref<2x4x128x72xf32, #tpu.memory_space<vmem>>, %arg8: memref<!tpu.dma_semaphore, #tpu.memory_space<semaphore_mem>>, %arg9: memref<!tpu.dma_semaphore, #tpu.memory_space<semaphore_mem>>, %arg10: memref<!tpu.dma_semaphore, #tpu.memory_space<semaphore_mem>>) attributes {dimension_semantics = [#tpu.dimension_semantics<core_parallel>, #tpu.dimension_semantics<subcore_parallel>], iteration_bounds = array<i64: 2, 16>, scalar_prefetch = 0 : i64, scratch_operands = 6 : i64, tpu.core_type = #tpu.core_type<sc_vector_subcore>, window_params = [{transform_indices = #map}, {transform_indices = #map}, {transform_indices = #map1}]} {
    %mul3A = arith.constant 2 : i32
    %mul3A_0 = arith.muli %arg1, %mul3A : i32
    %add3A = arith.addi %mul3A_0, %arg0 : i32
    %mul3A_1 = arith.constant 400 : i32
    %mul3A_2 = arith.muli %add3A, %mul3A_1 : i32
    %iota3A = tpu.iota {dimensions = array<i32: 0>} : vector<16xi32>
    %add3A_3 = arith.constant 0 : i32
    %add3A_4 = arith.addi %mul3A_2, %add3A_3 : i32
    %dma_start3A = arith.constant 0 : i32
    %dma_start3A_5 = arith.constant 0 : i32
    %dma_start3A_6 = arith.constant 0 : i32
    %dma_start3A_7 = tpu.memref_slice %arg5[%dma_start3A, %dma_start3A_5, %dma_start3A_6] : memref<3x4x256xi32, #tpu.memory_space<vmem>> -> memref<1x4x256xi32, #tpu.memory_space<vmem>>
    %dma_start3A_8 = tpu.memref_squeeze %dma_start3A_7 : memref<1x4x256xi32, #tpu.memory_space<vmem>> -> memref<4x256xi32, #tpu.memory_space<vmem>>
    %dma_start3A_9 = arith.constant 0 : i32
    %dma_start3A_10 = tpu.memref_slice %arg2[%add3A_4, %dma_start3A_9] : memref<12800x256xi32, #tpu.memory_space<hbm>> -> memref<4x256xi32, #tpu.memory_space<hbm>>
    %dma_start3A_11 = arith.constant 0 : i32
    %dma_start3A_12 = arith.constant 0 : i32
    %dma_start3A_13 = tpu.memref_slice %arg5[%dma_start3A, %dma_start3A_11, %dma_start3A_12] : memref<3x4x256xi32, #tpu.memory_space<vmem>> -> memref<1x4x256xi32, #tpu.memory_space<vmem>>
    %dma_start3A_14 = tpu.memref_squeeze %dma_start3A_13 : memref<1x4x256xi32, #tpu.memory_space<vmem>> -> memref<4x256xi32, #tpu.memory_space<vmem>>
    %dma_start3A_15 = arith.constant 0 : i32
    %dma_start3A_16 = tpu.memref_slice %arg2[%add3A_4, %dma_start3A_15] : memref<12800x256xi32, #tpu.memory_space<hbm>> -> memref<4x256xi32, #tpu.memory_space<hbm>>
    tpu.enqueue_dma source(%dma_start3A_16 : memref<4x256xi32, #tpu.memory_space<hbm>>) target(%dma_start3A_14 : memref<4x256xi32, #tpu.memory_space<vmem>>) target_semaphore(%arg8 : memref<!tpu.dma_semaphore, #tpu.memory_space<semaphore_mem>>)
    %add3A_17 = arith.constant 4 : i32
    %add3A_18 = arith.addi %mul3A_2, %add3A_17 : i32
    %dma_start3A_19 = arith.constant 1 : i32
    %dma_start3A_20 = arith.constant 0 : i32
    %dma_start3A_21 = arith.constant 0 : i32
    %dma_start3A_22 = tpu.memref_slice %arg5[%dma_start3A_19, %dma_start3A_20, %dma_start3A_21] : memref<3x4x256xi32, #tpu.memory_space<vmem>> -> memref<1x4x256xi32, #tpu.memory_space<vmem>>
    %dma_start3A_23 = tpu.memref_squeeze %dma_start3A_22 : memref<1x4x256xi32, #tpu.memory_space<vmem>> -> memref<4x256xi32, #tpu.memory_space<vmem>>
    %dma_start3A_24 = arith.constant 0 : i32
    %dma_start3A_25 = tpu.memref_slice %arg2[%add3A_18, %dma_start3A_24] : memref<12800x256xi32, #tpu.memory_space<hbm>> -> memref<4x256xi32, #tpu.memory_space<hbm>>
    %dma_start3A_26 = arith.constant 0 : i32
    %dma_start3A_27 = arith.constant 0 : i32
    %dma_start3A_28 = tpu.memref_slice %arg5[%dma_start3A_19, %dma_start3A_26, %dma_start3A_27] : memref<3x4x256xi32, #tpu.memory_space<vmem>> -> memref<1x4x256xi32, #tpu.memory_space<vmem>>
    %dma_start3A_29 = tpu.memref_squeeze %dma_start3A_28 : memref<1x4x256xi32, #tpu.memory_space<vmem>> -> memref<4x256xi32, #tpu.memory_space<vmem>>
    %dma_start3A_30 = arith.constant 0 : i32
    %dma_start3A_31 = tpu.memref_slice %arg2[%add3A_18, %dma_start3A_30] : memref<12800x256xi32, #tpu.memory_space<hbm>> -> memref<4x256xi32, #tpu.memory_space<hbm>>
    tpu.enqueue_dma source(%dma_start3A_31 : memref<4x256xi32, #tpu.memory_space<hbm>>) target(%dma_start3A_29 : memref<4x256xi32, #tpu.memory_space<vmem>>) target_semaphore(%arg8 : memref<!tpu.dma_semaphore, #tpu.memory_space<semaphore_mem>>)
    %add3A_32 = arith.constant 0 : i32
    %add3A_33 = arith.addi %mul3A_2, %add3A_32 : i32
    %dma_wait3A = arith.constant 0 : i32
    %dma_wait3A_34 = arith.constant 0 : i32
    %dma_wait3A_35 = arith.constant 0 : i32
    %dma_wait3A_36 = tpu.memref_slice %arg5[%dma_wait3A, %dma_wait3A_34, %dma_wait3A_35] : memref<3x4x256xi32, #tpu.memory_space<vmem>> -> memref<1x4x256xi32, #tpu.memory_space<vmem>>
    %dma_wait3A_37 = tpu.memref_squeeze %dma_wait3A_36 : memref<1x4x256xi32, #tpu.memory_space<vmem>> -> memref<4x256xi32, #tpu.memory_space<vmem>>
    %dma_wait3A_38 = arith.constant 0 : i32
    %dma_wait3A_39 = tpu.memref_slice %arg2[%add3A_33, %dma_wait3A_38] : memref<12800x256xi32, #tpu.memory_space<hbm>> -> memref<4x256xi32, #tpu.memory_space<hbm>>
    %dma_wait3A_40 = arith.constant 0 : i32
    %dma_wait3A_41 = arith.constant 0 : i32
    %dma_wait3A_42 = tpu.memref_slice %arg5[%dma_wait3A, %dma_wait3A_40, %dma_wait3A_41] : memref<3x4x256xi32, #tpu.memory_space<vmem>> -> memref<1x4x256xi32, #tpu.memory_space<vmem>>
    %dma_wait3A_43 = tpu.memref_squeeze %dma_wait3A_42 : memref<1x4x256xi32, #tpu.memory_space<vmem>> -> memref<4x256xi32, #tpu.memory_space<vmem>>
    %dma_wait3A_44 = arith.constant 0 : i32
    %dma_wait3A_45 = tpu.memref_slice %arg2[%add3A_33, %dma_wait3A_44] : memref<12800x256xi32, #tpu.memory_space<hbm>> -> memref<4x256xi32, #tpu.memory_space<hbm>>
    tpu.wait_dma2 semaphore(%arg8 : memref<!tpu.dma_semaphore, #tpu.memory_space<semaphore_mem>>) src(%dma_wait3A_45 : memref<4x256xi32, #tpu.memory_space<hbm>>) dst(%dma_wait3A_43 : memref<4x256xi32, #tpu.memory_space<vmem>>)
    %mul3A_46 = arith.constant 2 : i32
    %mul3A_47 = vector.broadcast %mul3A_46 : i32 to vector<16xi32>
    %mul3A_48 = arith.muli %iota3A, %mul3A_47 : vector<16xi32>
    %add3A_49 = arith.constant 0 : i32
    %add3A_50 = vector.broadcast %add3A_49 : i32 to vector<16xi32>
    %add3A_51 = arith.addi %mul3A_48, %add3A_50 : vector<16xi32>
    %gather3A = arith.constant 0 : i32
    %gather3A_52 = arith.constant 0 : i32
    %gather3A_53 = arith.constant 0 : i32
    %gather3A_54 = tpu.memref_slice %arg5[%gather3A, %gather3A_52, %gather3A_53] : memref<3x4x256xi32, #tpu.memory_space<vmem>> -> memref<1x1x256xi32, #tpu.memory_space<vmem>>
    %gather3A_55 = tpu.memref_squeeze %gather3A_54 : memref<1x1x256xi32, #tpu.memory_space<vmem>> -> memref<256xi32, #tpu.memory_space<vmem>>
    %gather3A_56 = tpu.vector_load_idx %gather3A_55[%add3A_51] : memref<256xi32, #tpu.memory_space<vmem>>[vector<16xi32>], vector<16xi32>,
    %add3A_57 = arith.constant 1 : i32
    %add3A_58 = vector.broadcast %add3A_57 : i32 to vector<16xi32>
    %add3A_59 = arith.addi %add3A_51, %add3A_58 : vector<16xi32>
    %gather3A_60 = arith.constant 0 : i32
    %gather3A_61 = arith.constant 0 : i32
    %gather3A_62 = arith.constant 0 : i32
    %gather3A_63 = tpu.memref_slice %arg5[%gather3A_60, %gather3A_61, %gather3A_62] : memref<3x4x256xi32, #tpu.memory_space<vmem>> -> memref<1x1x256xi32, #tpu.memory_space<vmem>>
    %gather3A_64 = tpu.memref_squeeze %gather3A_63 : memref<1x1x256xi32, #tpu.memory_space<vmem>> -> memref<256xi32, #tpu.memory_space<vmem>>
    %gather3A_65 = tpu.vector_load_idx %gather3A_64[%add3A_59] : memref<256xi32, #tpu.memory_space<vmem>>[vector<16xi32>], vector<16xi32>,
    %mul3A_66 = arith.constant 100 : i32
    %mul3A_67 = vector.broadcast %mul3A_66 : i32 to vector<16xi32>
    %mul3A_68 = arith.muli %gather3A_56, %mul3A_67 : vector<16xi32>
    %add3A_69 = arith.addi %mul3A_68, %gather3A_65 : vector<16xi32>
    %swap3A = arith.constant 0 : i32
    %swap3A_70 = arith.constant 0 : i32
    %swap3A_71 = arith.index_cast %swap3A : i32 to index
    %swap3A_72 = arith.index_cast %swap3A_70 : i32 to index
    %swap3A_73 = arith.constant 0 : index
    %swap3A_74 = tpu.vector_load %arg6[%swap3A_71, %swap3A_72, %swap3A_73] {strides = array<i32>} : memref<3x4x128xi32, #tpu.memory_space<vmem>>, vector<16xi32>,
    tpu.vector_store %arg6[%swap3A_71, %swap3A_72, %swap3A_73], %add3A_69 {strides = array<i32>} : memref<3x4x128xi32, #tpu.memory_space<vmem>>, vector<16xi32>,
    %mul3A_75 = arith.constant 2 : i32
    %mul3A_76 = vector.broadcast %mul3A_75 : i32 to vector<16xi32>
    %mul3A_77 = arith.muli %iota3A, %mul3A_76 : vector<16xi32>
    %add3A_78 = arith.constant 32 : i32
    %add3A_79 = vector.broadcast %add3A_78 : i32 to vector<16xi32>
    %add3A_80 = arith.addi %mul3A_77, %add3A_79 : vector<16xi32>
    %gather3A_81 = arith.constant 0 : i32
    %gather3A_82 = arith.constant 0 : i32
    %gather3A_83 = arith.constant 0 : i32
    %gather3A_84 = tpu.memref_slice %arg5[%gather3A_81, %gather3A_82, %gather3A_83] : memref<3x4x256xi32, #tpu.memory_space<vmem>> -> memref<1x1x256xi32, #tpu.memory_space<vmem>>
    %gather3A_85 = tpu.memref_squeeze %gather3A_84 : memref<1x1x256xi32, #tpu.memory_space<vmem>> -> memref<256xi32, #tpu.memory_space<vmem>>
    %gather3A_86 = tpu.vector_load_idx %gather3A_85[%add3A_80] : memref<256xi32, #tpu.memory_space<vmem>>[vector<16xi32>], vector<16xi32>,
    %add3A_87 = arith.constant 1 : i32
    %add3A_88 = vector.broadcast %add3A_87 : i32 to vector<16xi32>
    %add3A_89 = arith.addi %add3A_80, %add3A_88 : vector<16xi32>
    %gather3A_90 = arith.constant 0 : i32
    %gather3A_91 = arith.constant 0 : i32
    %gather3A_92 = arith.constant 0 : i32
    %gather3A_93 = tpu.memref_slice %arg5[%gather3A_90, %gather3A_91, %gather3A_92] : memref<3x4x256xi32, #tpu.memory_space<vmem>> -> memref<1x1x256xi32, #tpu.memory_space<vmem>>
    %gather3A_94 = tpu.memref_squeeze %gather3A_93 : memref<1x1x256xi32, #tpu.memory_space<vmem>> -> memref<256xi32, #tpu.memory_space<vmem>>
    %gather3A_95 = tpu.vector_load_idx %gather3A_94[%add3A_89] : memref<256xi32, #tpu.memory_space<vmem>>[vector<16xi32>], vector<16xi32>,
    %mul3A_96 = arith.constant 100 : i32
    %mul3A_97 = vector.broadcast %mul3A_96 : i32 to vector<16xi32>
    %mul3A_98 = arith.muli %gather3A_86, %mul3A_97 : vector<16xi32>
    %add3A_99 = arith.addi %mul3A_98, %gather3A_95 : vector<16xi32>
    %swap3A_100 = arith.constant 0 : i32
    %swap3A_101 = arith.constant 0 : i32
    %swap3A_102 = arith.index_cast %swap3A_100 : i32 to index
    %swap3A_103 = arith.index_cast %swap3A_101 : i32 to index
    %swap3A_104 = arith.constant 16 : index
    %swap3A_105 = tpu.vector_load %arg6[%swap3A_102, %swap3A_103, %swap3A_104] {strides = array<i32>} : memref<3x4x128xi32, #tpu.memory_space<vmem>>, vector<16xi32>,
    tpu.vector_store %arg6[%swap3A_102, %swap3A_103, %swap3A_104], %add3A_99 {strides = array<i32>} : memref<3x4x128xi32, #tpu.memory_space<vmem>>, vector<16xi32>,
    %mul3A_106 = arith.constant 2 : i32
    %mul3A_107 = vector.broadcast %mul3A_106 : i32 to vector<16xi32>
    %mul3A_108 = arith.muli %iota3A, %mul3A_107 : vector<16xi32>
    %add3A_109 = arith.constant 64 : i32
    %add3A_110 = vector.broadcast %add3A_109 : i32 to vector<16xi32>
    %add3A_111 = arith.addi %mul3A_108, %add3A_110 : vector<16xi32>
    %gather3A_112 = arith.constant 0 : i32
    %gather3A_113 = arith.constant 0 : i32
    %gather3A_114 = arith.constant 0 : i32
    %gather3A_115 = tpu.memref_slice %arg5[%gather3A_112, %gather3A_113, %gather3A_114] : memref<3x4x256xi32, #tpu.memory_space<vmem>> -> memref<1x1x256xi32, #tpu.memory_space<vmem>>
    %gather3A_116 = tpu.memref_squeeze %gather3A_115 : memref<1x1x256xi32, #tpu.memory_space<vmem>> -> memref<256xi32, #tpu.memory_space<vmem>>
    %gather3A_117 = tpu.vector_load_idx %gather3A_116[%add3A_111] : memref<256xi32, #tpu.memory_space<vmem>>[vector<16xi32>], vector<16xi32>,
    %add3A_118 = arith.constant 1 : i32
    %add3A_119 = vector.broadcast %add3A_118 : i32 to vector<16xi32>
    %add3A_120 = arith.addi %add3A_111, %add3A_119 : vector<16xi32>
    %gather3A_121 = arith.constant 0 : i32
    %gather3A_122 = arith.constant 0 : i32
    %gather3A_123 = arith.constant 0 : i32
    %gather3A_124 = tpu.memref_slice %arg5[%gather3A_121, %gather3A_122, %gather3A_123] : memref<3x4x256xi32, #tpu.memory_space<vmem>> -> memref<1x1x256xi32, #tpu.memory_space<vmem>>
    %gather3A_125 = tpu.memref_squeeze %gather3A_124 : memref<1x1x256xi32, #tpu.memory_space<vmem>> -> memref<256xi32, #tpu.memory_space<vmem>>
    %gather3A_126 = tpu.vector_load_idx %gather3A_125[%add3A_120] : memref<256xi32, #tpu.memory_space<vmem>>[vector<16xi32>], vector<16xi32>,
    %mul3A_127 = arith.constant 100 : i32
    %mul3A_128 = vector.broadcast %mul3A_127 : i32 to vector<16xi32>
    %mul3A_129 = arith.muli %gather3A_117, %mul3A_128 : vector<16xi32>
    %add3A_130 = arith.addi %mul3A_129, %gather3A_126 : vector<16xi32>
    %swap3A_131 = arith.constant 0 : i32
    %swap3A_132 = arith.constant 0 : i32
    %swap3A_133 = arith.index_cast %swap3A_131 : i32 to index
    %swap3A_134 = arith.index_cast %swap3A_132 : i32 to index
    %swap3A_135 = arith.constant 32 : index
    %swap3A_136 = tpu.vector_load %arg6[%swap3A_133, %swap3A_134, %swap3A_135] {strides = array<i32>} : memref<3x4x128xi32, #tpu.memory_space<vmem>>, vector<16xi32>,
    tpu.vector_store %arg6[%swap3A_133, %swap3A_134, %swap3A_135], %add3A_130 {strides = array<i32>} : memref<3x4x128xi32, #tpu.memory_space<vmem>>, vector<16xi32>,
    %mul3A_137 = arith.constant 2 : i32
    %mul3A_138 = vector.broadcast %mul3A_137 : i32 to vector<16xi32>
    %mul3A_139 = arith.muli %iota3A, %mul3A_138 : vector<16xi32>
    %add3A_140 = arith.constant 96 : i32
    %add3A_141 = vector.broadcast %add3A_140 : i32 to vector<16xi32>
    %add3A_142 = arith.addi %mul3A_139, %add3A_141 : vector<16xi32>
    %gather3A_143 = arith.constant 0 : i32
    %gather3A_144 = arith.constant 0 : i32
    %gather3A_145 = arith.constant 0 : i32
    %gather3A_146 = tpu.memref_slice %arg5[%gather3A_143, %gather3A_144, %gather3A_145] : memref<3x4x256xi32, #tpu.memory_space<vmem>> -> memref<1x1x256xi32, #tpu.memory_space<vmem>>
    %gather3A_147 = tpu.memref_squeeze %gather3A_146 : memref<1x1x256xi32, #tpu.memory_space<vmem>> -> memref<256xi32, #tpu.memory_space<vmem>>
    %gather3A_148 = tpu.vector_load_idx %gather3A_147[%add3A_142] : memref<256xi32, #tpu.memory_space<vmem>>[vector<16xi32>], vector<16xi32>,
    %add3A_149 = arith.constant 1 : i32
    %add3A_150 = vector.broadcast %add3A_149 : i32 to vector<16xi32>
    %add3A_151 = arith.addi %add3A_142, %add3A_150 : vector<16xi32>
    %gather3A_152 = arith.constant 0 : i32
    %gather3A_153 = arith.constant 0 : i32
    %gather3A_154 = arith.constant 0 : i32
    %gather3A_155 = tpu.memref_slice %arg5[%gather3A_152, %gather3A_153, %gather3A_154] : memref<3x4x256xi32, #tpu.memory_space<vmem>> -> memref<1x1x256xi32, #tpu.memory_space<vmem>>
    %gather3A_156 = tpu.memref_squeeze %gather3A_155 : memref<1x1x256xi32, #tpu.memory_space<vmem>> -> memref<256xi32, #tpu.memory_space<vmem>>
    %gather3A_157 = tpu.vector_load_idx %gather3A_156[%add3A_151] : memref<256xi32, #tpu.memory_space<vmem>>[vector<16xi32>], vector<16xi32>,
    %mul3A_158 = arith.constant 100 : i32
    %mul3A_159 = vector.broadcast %mul3A_158 : i32 to vector<16xi32>
    %mul3A_160 = arith.muli %gather3A_148, %mul3A_159 : vector<16xi32>
    %add3A_161 = arith.addi %mul3A_160, %gather3A_157 : vector<16xi32>
    %swap3A_162 = arith.constant 0 : i32
    %swap3A_163 = arith.constant 0 : i32
    %swap3A_164 = arith.index_cast %swap3A_162 : i32 to index
    %swap3A_165 = arith.index_cast %swap3A_163 : i32 to index
    %swap3A_166 = arith.constant 48 : index
    %swap3A_167 = tpu.vector_load %arg6[%swap3A_164, %swap3A_165, %swap3A_166] {strides = array<i32>} : memref<3x4x128xi32, #tpu.memory_space<vmem>>, vector<16xi32>,
    tpu.vector_store %arg6[%swap3A_164, %swap3A_165, %swap3A_166], %add3A_161 {strides = array<i32>} : memref<3x4x128xi32, #tpu.memory_space<vmem>>, vector<16xi32>,
    %mul3A_168 = arith.constant 2 : i32
    %mul3A_169 = vector.broadcast %mul3A_168 : i32 to vector<16xi32>
    %mul3A_170 = arith.muli %iota3A, %mul3A_169 : vector<16xi32>
    %add3A_171 = arith.constant 128 : i32
    %add3A_172 = vector.broadcast %add3A_171 : i32 to vector<16xi32>
    %add3A_173 = arith.addi %mul3A_170, %add3A_172 : vector<16xi32>
    %gather3A_174 = arith.constant 0 : i32
    %gather3A_175 = arith.constant 0 : i32
    %gather3A_176 = arith.constant 0 : i32
    %gather3A_177 = tpu.memref_slice %arg5[%gather3A_174, %gather3A_175, %gather3A_176] : memref<3x4x256xi32, #tpu.memory_space<vmem>> -> memref<1x1x256xi32, #tpu.memory_space<vmem>>
    %gather3A_178 = tpu.memref_squeeze %gather3A_177 : memref<1x1x256xi32, #tpu.memory_space<vmem>> -> memref<256xi32, #tpu.memory_space<vmem>>
    %gather3A_179 = tpu.vector_load_idx %gather3A_178[%add3A_173] : memref<256xi32, #tpu.memory_space<vmem>>[vector<16xi32>], vector<16xi32>,
    %add3A_180 = arith.constant 1 : i32
    %add3A_181 = vector.broadcast %add3A_180 : i32 to vector<16xi32>
    %add3A_182 = arith.addi %add3A_173, %add3A_181 : vector<16xi32>
    %gather3A_183 = arith.constant 0 : i32
    %gather3A_184 = arith.constant 0 : i32
    %gather3A_185 = arith.constant 0 : i32
    %gather3A_186 = tpu.memref_slice %arg5[%gather3A_183, %gather3A_184, %gather3A_185] : memref<3x4x256xi32, #tpu.memory_space<vmem>> -> memref<1x1x256xi32, #tpu.memory_space<vmem>>
    %gather3A_187 = tpu.memref_squeeze %gather3A_186 : memref<1x1x256xi32, #tpu.memory_space<vmem>> -> memref<256xi32, #tpu.memory_space<vmem>>
    %gather3A_188 = tpu.vector_load_idx %gather3A_187[%add3A_182] : memref<256xi32, #tpu.memory_space<vmem>>[vector<16xi32>], vector<16xi32>,
    %mul3A_189 = arith.constant 100 : i32
    %mul3A_190 = vector.broadcast %mul3A_189 : i32 to vector<16xi32>
    %mul3A_191 = arith.muli %gather3A_179, %mul3A_190 : vector<16xi32>
    %add3A_192 = arith.addi %mul3A_191, %gather3A_188 : vector<16xi32>
    %swap3A_193 = arith.constant 0 : i32
    %swap3A_194 = arith.constant 0 : i32
    %swap3A_195 = arith.index_cast %swap3A_193 : i32 to index
    %swap3A_196 = arith.index_cast %swap3A_194 : i32 to index
    %swap3A_197 = arith.constant 64 : index
    %swap3A_198 = tpu.vector_load %arg6[%swap3A_195, %swap3A_196, %swap3A_197] {strides = array<i32>} : memref<3x4x128xi32, #tpu.memory_space<vmem>>, vector<16xi32>,
    tpu.vector_store %arg6[%swap3A_195, %swap3A_196, %swap3A_197], %add3A_192 {strides = array<i32>} : memref<3x4x128xi32, #tpu.memory_space<vmem>>, vector<16xi32>,
    %mul3A_199 = arith.constant 2 : i32
    %mul3A_200 = vector.broadcast %mul3A_199 : i32 to vector<16xi32>
    %mul3A_201 = arith.muli %iota3A, %mul3A_200 : vector<16xi32>
    %add3A_202 = arith.constant 160 : i32
    %add3A_203 = vector.broadcast %add3A_202 : i32 to vector<16xi32>
    %add3A_204 = arith.addi %mul3A_201, %add3A_203 : vector<16xi32>
    %gather3A_205 = arith.constant 0 : i32
    %gather3A_206 = arith.constant 0 : i32
    %gather3A_207 = arith.constant 0 : i32
    %gather3A_208 = tpu.memref_slice %arg5[%gather3A_205, %gather3A_206, %gather3A_207] : memref<3x4x256xi32, #tpu.memory_space<vmem>> -> memref<1x1x256xi32, #tpu.memory_space<vmem>>
    %gather3A_209 = tpu.memref_squeeze %gather3A_208 : memref<1x1x256xi32, #tpu.memory_space<vmem>> -> memref<256xi32, #tpu.memory_space<vmem>>
    %gather3A_210 = tpu.vector_load_idx %gather3A_209[%add3A_204] : memref<256xi32, #tpu.memory_space<vmem>>[vector<16xi32>], vector<16xi32>,
    %add3A_211 = arith.constant 1 : i32
    %add3A_212 = vector.broadcast %add3A_211 : i32 to vector<16xi32>
    %add3A_213 = arith.addi %add3A_204, %add3A_212 : vector<16xi32>
    %gather3A_214 = arith.constant 0 : i32
    %gather3A_215 = arith.constant 0 : i32
    %gather3A_216 = arith.constant 0 : i32
    %gather3A_217 = tpu.memref_slice %arg5[%gather3A_214, %gather3A_215, %gather3A_216] : memref<3x4x256xi32, #tpu.memory_space<vmem>> -> memref<1x1x256xi32, #tpu.memory_space<vmem>>
    %gather3A_218 = tpu.memref_squeeze %gather3A_217 : memref<1x1x256xi32, #tpu.memory_space<vmem>> -> memref<256xi32, #tpu.memory_space<vmem>>
    %gather3A_219 = tpu.vector_load_idx %gather3A_218[%add3A_213] : memref<256xi32, #tpu.memory_space<vmem>>[vector<16xi32>], vector<16xi32>,
    %mul3A_220 = arith.constant 100 : i32
    %mul3A_221 = vector.broadcast %mul3A_220 : i32 to vector<16xi32>
    %mul3A_222 = arith.muli %gather3A_210, %mul3A_221 : vector<16xi32>
    %add3A_223 = arith.addi %mul3A_222, %gather3A_219 : vector<16xi32>
    %swap3A_224 = arith.constant 0 : i32
    %swap3A_225 = arith.constant 0 : i32
    %swap3A_226 = arith.index_cast %swap3A_224 : i32 to index
    %swap3A_227 = arith.index_cast %swap3A_225 : i32 to index
    %swap3A_228 = arith.constant 80 : index
    %swap3A_229 = tpu.vector_load %arg6[%swap3A_226, %swap3A_227, %swap3A_228] {strides = array<i32>} : memref<3x4x128xi32, #tpu.memory_space<vmem>>, vector<16xi32>,
    tpu.vector_store %arg6[%swap3A_226, %swap3A_227, %swap3A_228], %add3A_223 {strides = array<i32>} : memref<3x4x128xi32, #tpu.memory_space<vmem>>, vector<16xi32>,
    %mul3A_230 = arith.constant 2 : i32
    %mul3A_231 = vector.broadcast %mul3A_230 : i32 to vector<16xi32>
    %mul3A_232 = arith.muli %iota3A, %mul3A_231 : vector<16xi32>
    %add3A_233 = arith.constant 192 : i32
    %add3A_234 = vector.broadcast %add3A_233 : i32 to vector<16xi32>
    %add3A_235 = arith.addi %mul3A_232, %add3A_234 : vector<16xi32>
    %gather3A_236 = arith.constant 0 : i32
    %gather3A_237 = arith.constant 0 : i32
    %gather3A_238 = arith.constant 0 : i32
    %gather3A_239 = tpu.memref_slice %arg5[%gather3A_236, %gather3A_237, %gather3A_238] : memref<3x4x256xi32, #tpu.memory_space<vmem>> -> memref<1x1x256xi32, #tpu.memory_space<vmem>>
    %gather3A_240 = tpu.memref_squeeze %gather3A_239 : memref<1x1x256xi32, #tpu.memory_space<vmem>> -> memref<256xi32, #tpu.memory_space<vmem>>
    %gather3A_241 = tpu.vector_load_idx %gather3A_240[%add3A_235] : memref<256xi32, #tpu.memory_space<vmem>>[vector<16xi32>], vector<16xi32>,
    %add3A_242 = arith.constant 1 : i32
    %add3A_243 = vector.broadcast %add3A_242 : i32 to vector<16xi32>
    %add3A_244 = arith.addi %add3A_235, %add3A_243 : vector<16xi32>
    %gather3A_245 = arith.constant 0 : i32
    %gather3A_246 = arith.constant 0 : i32
    %gather3A_247 = arith.constant 0 : i32
    %gather3A_248 = tpu.memref_slice %arg5[%gather3A_245, %gather3A_246, %gather3A_247] : memref<3x4x256xi32, #tpu.memory_space<vmem>> -> memref<1x1x256xi32, #tpu.memory_space<vmem>>
    %gather3A_249 = tpu.memref_squeeze %gather3A_248 : memref<1x1x256xi32, #tpu.memory_space<vmem>> -> memref<256xi32, #tpu.memory_space<vmem>>
    %gather3A_250 = tpu.vector_load_idx %gather3A_249[%add3A_244] : memref<256xi32, #tpu.memory_space<vmem>>[vector<16xi32>], vector<16xi32>,
    %mul3A_251 = arith.constant 100 : i32
    %mul3A_252 = vector.broadcast %mul3A_251 : i32 to vector<16xi32>
    %mul3A_253 = arith.muli %gather3A_241, %mul3A_252 : vector<16xi32>
    %add3A_254 = arith.addi %mul3A_253, %gather3A_250 : vector<16xi32>
    %swap3A_255 = arith.constant 0 : i32
    %swap3A_256 = arith.constant 0 : i32
    %swap3A_257 = arith.index_cast %swap3A_255 : i32 to index
    %swap3A_258 = arith.index_cast %swap3A_256 : i32 to index
    %swap3A_259 = arith.constant 96 : index
    %swap3A_260 = tpu.vector_load %arg6[%swap3A_257, %swap3A_258, %swap3A_259] {strides = array<i32>} : memref<3x4x128xi32, #tpu.memory_space<vmem>>, vector<16xi32>,
    tpu.vector_store %arg6[%swap3A_257, %swap3A_258, %swap3A_259], %add3A_254 {strides = array<i32>} : memref<3x4x128xi32, #tpu.memory_space<vmem>>, vector<16xi32>,
    %mul3A_261 = arith.constant 2 : i32
    %mul3A_262 = vector.broadcast %mul3A_261 : i32 to vector<16xi32>
    %mul3A_263 = arith.muli %iota3A, %mul3A_262 : vector<16xi32>
    %add3A_264 = arith.constant 224 : i32
    %add3A_265 = vector.broadcast %add3A_264 : i32 to vector<16xi32>
    %add3A_266 = arith.addi %mul3A_263, %add3A_265 : vector<16xi32>
    %gather3A_267 = arith.constant 0 : i32
    %gather3A_268 = arith.constant 0 : i32
    %gather3A_269 = arith.constant 0 : i32
    %gather3A_270 = tpu.memref_slice %arg5[%gather3A_267, %gather3A_268, %gather3A_269] : memref<3x4x256xi32, #tpu.memory_space<vmem>> -> memref<1x1x256xi32, #tpu.memory_space<vmem>>
    %gather3A_271 = tpu.memref_squeeze %gather3A_270 : memref<1x1x256xi32, #tpu.memory_space<vmem>> -> memref<256xi32, #tpu.memory_space<vmem>>
    %gather3A_272 = tpu.vector_load_idx %gather3A_271[%add3A_266] : memref<256xi32, #tpu.memory_space<vmem>>[vector<16xi32>], vector<16xi32>,
    %add3A_273 = arith.constant 1 : i32
    %add3A_274 = vector.broadcast %add3A_273 : i32 to vector<16xi32>
    %add3A_275 = arith.addi %add3A_266, %add3A_274 : vector<16xi32>
    %gather3A_276 = arith.constant 0 : i32
    %gather3A_277 = arith.constant 0 : i32
    %gather3A_278 = arith.constant 0 : i32
    %gather3A_279 = tpu.memref_slice %arg5[%gather3A_276, %gather3A_277, %gather3A_278] : memref<3x4x256xi32, #tpu.memory_space<vmem>> -> memref<1x1x256xi32, #tpu.memory_space<vmem>>
    %gather3A_280 = tpu.memref_squeeze %gather3A_279 : memref<1x1x256xi32, #tpu.memory_space<vmem>> -> memref<256xi32, #tpu.memory_space<vmem>>
    %gather3A_281 = tpu.vector_load_idx %gather3A_280[%add3A_275] : memref<256xi32, #tpu.memory_space<vmem>>[vector<16xi32>], vector<16xi32>,
    %mul3A_282 = arith.constant 100 : i32
    %mul3A_283 = vector.broadcast %mul3A_282 : i32 to vector<16xi32>
    %mul3A_284 = arith.muli %gather3A_272, %mul3A_283 : vector<16xi32>
    %add3A_285 = arith.addi %mul3A_284, %gather3A_281 : vector<16xi32>
    %swap3A_286 = arith.constant 0 : i32
    %swap3A_287 = arith.constant 0 : i32
    %swap3A_288 = arith.index_cast %swap3A_286 : i32 to index
    %swap3A_289 = arith.index_cast %swap3A_287 : i32 to index
    %swap3A_290 = arith.constant 112 : index
    %swap3A_291 = tpu.vector_load %arg6[%swap3A_288, %swap3A_289, %swap3A_290] {strides = array<i32>} : memref<3x4x128xi32, #tpu.memory_space<vmem>>, vector<16xi32>,
    tpu.vector_store %arg6[%swap3A_288, %swap3A_289, %swap3A_290], %add3A_285 {strides = array<i32>} : memref<3x4x128xi32, #tpu.memory_space<vmem>>, vector<16xi32>,
    %mul3A_292 = arith.constant 2 : i32
    %mul3A_293 = vector.broadcast %mul3A_292 : i32 to vector<16xi32>
    %mul3A_294 = arith.muli %iota3A, %mul3A_293 : vector<16xi32>
    %add3A_295 = arith.constant 0 : i32
    %add3A_296 = vector.broadcast %add3A_295 : i32 to vector<16xi32>
    %add3A_297 = arith.addi %mul3A_294, %add3A_296 : vector<16xi32>
    %gather3A_298 = arith.constant 0 : i32
    %gather3A_299 = arith.constant 1 : i32
    %gather3A_300 = arith.constant 0 : i32
    %gather3A_301 = tpu.memref_slice %arg5[%gather3A_298, %gather3A_299, %gather3A_300] : memref<3x4x256xi32, #tpu.memory_space<vmem>> -> memref<1x1x256xi32, #tpu.memory_space<vmem>>
    %gather3A_302 = tpu.memref_squeeze %gather3A_301 : memref<1x1x256xi32, #tpu.memory_space<vmem>> -> memref<256xi32, #tpu.memory_space<vmem>>
    %gather3A_303 = tpu.vector_load_idx %gather3A_302[%add3A_297] : memref<256xi32, #tpu.memory_space<vmem>>[vector<16xi32>], vector<16xi32>,
    %add3A_304 = arith.constant 1 : i32
    %add3A_305 = vector.broadcast %add3A_304 : i32 to vector<16xi32>
    %add3A_306 = arith.addi %add3A_297, %add3A_305 : vector<16xi32>
    %gather3A_307 = arith.constant 0 : i32
    %gather3A_308 = arith.constant 1 : i32
    %gather3A_309 = arith.constant 0 : i32
    %gather3A_310 = tpu.memref_slice %arg5[%gather3A_307, %gather3A_308, %gather3A_309] : memref<3x4x256xi32, #tpu.memory_space<vmem>> -> memref<1x1x256xi32, #tpu.memory_space<vmem>>
    %gather3A_311 = tpu.memref_squeeze %gather3A_310 : memref<1x1x256xi32, #tpu.memory_space<vmem>> -> memref<256xi32, #tpu.memory_space<vmem>>
    %gather3A_312 = tpu.vector_load_idx %gather3A_311[%add3A_306] : memref<256xi32, #tpu.memory_space<vmem>>[vector<16xi32>], vector<16xi32>,
    %mul3A_313 = arith.constant 100 : i32
    %mul3A_314 = vector.broadcast %mul3A_313 : i32 to vector<16xi32>
    %mul3A_315 = arith.muli %gather3A_303, %mul3A_314 : vector<16xi32>
    %add3A_316 = arith.addi %mul3A_315, %gather3A_312 : vector<16xi32>
    %swap3A_317 = arith.constant 0 : i32
    %swap3A_318 = arith.constant 1 : i32
    %swap3A_319 = arith.index_cast %swap3A_317 : i32 to index
    %swap3A_320 = arith.index_cast %swap3A_318 : i32 to index
    %swap3A_321 = arith.constant 0 : index
    %swap3A_322 = tpu.vector_load %arg6[%swap3A_319, %swap3A_320, %swap3A_321] {strides = array<i32>} : memref<3x4x128xi32, #tpu.memory_space<vmem>>, vector<16xi32>,
    tpu.vector_store %arg6[%swap3A_319, %swap3A_320, %swap3A_321], %add3A_316 {strides = array<i32>} : memref<3x4x128xi32, #tpu.memory_space<vmem>>, vector<16xi32>,
    %mul3A_323 = arith.constant 2 : i32
    %mul3A_324 = vector.broadcast %mul3A_323 : i32 to vector<16xi32>
    %mul3A_325 = arith.muli %iota3A, %mul3A_324 : vector<16xi32>
    %add3A_326 = arith.constant 32 : i32
    %add3A_327 = vector.broadcast %add3A_326 : i32 to vector<16xi32>
    %add3A_328 = arith.addi %mul3A_325, %add3A_327 : vector<16xi32>
    %gather3A_329 = arith.constant 0 : i32
    %gather3A_330 = arith.constant 1 : i32
    %gather3A_331 = arith.constant 0 : i32
    %gather3A_332 = tpu.memref_slice %arg5[%gather3A_329, %gather3A_330, %gather3A_331] : memref<3x4x256xi32, #tpu.memory_space<vmem>> -> memref<1x1x256xi32, #tpu.memory_space<vmem>>
    %gather3A_333 = tpu.memref_squeeze %gather3A_332 : memref<1x1x256xi32, #tpu.memory_space<vmem>> -> memref<256xi32, #tpu.memory_space<vmem>>
    %gather3A_334 = tpu.vector_load_idx %gather3A_333[%add3A_328] : memref<256xi32, #tpu.memory_space<vmem>>[vector<16xi32>], vector<16xi32>,
    %add3A_335 = arith.constant 1 : i32
    %add3A_336 = vector.broadcast %add3A_335 : i32 to vector<16xi32>
    %add3A_337 = arith.addi %add3A_328, %add3A_336 : vector<16xi32>
    %gather3A_338 = arith.constant 0 : i32
    %gather3A_339 = arith.constant 1 : i32
    %gather3A_340 = arith.constant 0 : i32
    %gather3A_341 = tpu.memref_slice %arg5[%gather3A_338, %gather3A_339, %gather3A_340] : memref<3x4x256xi32, #tpu.memory_space<vmem>> -> memref<1x1x256xi32, #tpu.memory_space<vmem>>
    %gather3A_342 = tpu.memref_squeeze %gather3A_341 : memref<1x1x256xi32, #tpu.memory_space<vmem>> -> memref<256xi32, #tpu.memory_space<vmem>>
    %gather3A_343 = tpu.vector_load_idx %gather3A_342[%add3A_337] : memref<256xi32, #tpu.memory_space<vmem>>[vector<16xi32>], vector<16xi32>,
    %mul3A_344 = arith.constant 100 : i32
    %mul3A_345 = vector.broadcast %mul3A_344 : i32 to vector<16xi32>
    %mul3A_346 = arith.muli %gather3A_334, %mul3A_345 : vector<16xi32>
    %add3A_347 = arith.addi %mul3A_346, %gather3A_343 : vector<16xi32>
    %swap3A_348 = arith.constant 0 : i32
    %swap3A_349 = arith.constant 1 : i32
    %swap3A_350 = arith.index_cast %swap3A_348 : i32 to index
    %swap3A_351 = arith.index_cast %swap3A_349 : i32 to index
    %swap3A_352 = arith.constant 16 : index
    %swap3A_353 = tpu.vector_load %arg6[%swap3A_350, %swap3A_351, %swap3A_352] {strides = array<i32>} : memref<3x4x128xi32, #tpu.memory_space<vmem>>, vector<16xi32>,
    tpu.vector_store %arg6[%swap3A_350, %swap3A_351, %swap3A_352], %add3A_347 {strides = array<i32>} : memref<3x4x128xi32, #tpu.memory_space<vmem>>, vector<16xi32>,
    %mul3A_354 = arith.constant 2 : i32
    %mul3A_355 = vector.broadcast %mul3A_354 : i32 to vector<16xi32>
    %mul3A_356 = arith.muli %iota3A, %mul3A_355 : vector<16xi32>
    %add3A_357 = arith.constant 64 : i32
    %add3A_358 = vector.broadcast %add3A_357 : i32 to vector<16xi32>
    %add3A_359 = arith.addi %mul3A_356, %add3A_358 : vector<16xi32>
    %gather3A_360 = arith.constant 0 : i32
    %gather3A_361 = arith.constant 1 : i32
    %gather3A_362 = arith.constant 0 : i32
    %gather3A_363 = tpu.memref_slice %arg5[%gather3A_360, %gather3A_361, %gather3A_362] : memref<3x4x256xi32, #tpu.memory_space<vmem>> -> memref<1x1x256xi32, #tpu.memory_space<vmem>>
    %gather3A_364 = tpu.memref_squeeze %gather3A_363 : memref<1x1x256xi32, #tpu.memory_space<vmem>> -> memref<256xi32, #tpu.memory_space<vmem>>
    %gather3A_365 = tpu.vector_load_idx %gather3A_364[%add3A_359] : memref<256xi32, #tpu.memory_space<vmem>>[vector<16xi32>], vector<16xi32>,
    %add3A_366 = arith.constant 1 : i32
    %add3A_367 = vector.broadcast %add3A_366 : i32 to vector<16xi32>
    %add3A_368 = arith.addi %add3A_359, %add3A_367 : vector<16xi32>
    %gather3A_369 = arith.constant 0 : i32
    %gather3A_370 = arith.constant 1 : i32
    %gather3A_371 = arith.constant 0 : i32
    %gather3A_372 = tpu.memref_slice %arg5[%gather3A_369, %gather3A_370, %gather3A_371] : memref<3x4x256xi32, #tpu.memory_space<vmem>> -> memref<1x1x256xi32, #tpu.memory_space<vmem>>
    %gather3A_373 = tpu.memref_squeeze %gather3A_372 : memref<1x1x256xi32, #tpu.memory_space<vmem>> -> memref<256xi32, #tpu.memory_space<vmem>>
    %gather3A_374 = tpu.vector_load_idx %gather3A_373[%add3A_368] : memref<256xi32, #tpu.memory_space<vmem>>[vector<16xi32>], vector<16xi32>,
    %mul3A_375 = arith.constant 100 : i32
    %mul3A_376 = vector.broadcast %mul3A_375 : i32 to vector<16xi32>
    %mul3A_377 = arith.muli %gather3A_365, %mul3A_376 : vector<16xi32>
    %add3A_378 = arith.addi %mul3A_377, %gather3A_374 : vector<16xi32>
    %swap3A_379 = arith.constant 0 : i32
    %swap3A_380 = arith.constant 1 : i32
    %swap3A_381 = arith.index_cast %swap3A_379 : i32 to index
    %swap3A_382 = arith.index_cast %swap3A_380 : i32 to index
    %swap3A_383 = arith.constant 32 : index
    %swap3A_384 = tpu.vector_load %arg6[%swap3A_381, %swap3A_382, %swap3A_383] {strides = array<i32>} : memref<3x4x128xi32, #tpu.memory_space<vmem>>, vector<16xi32>,
    tpu.vector_store %arg6[%swap3A_381, %swap3A_382, %swap3A_383], %add3A_378 {strides = array<i32>} : memref<3x4x128xi32, #tpu.memory_space<vmem>>, vector<16xi32>,
    %mul3A_385 = arith.constant 2 : i32
    %mul3A_386 = vector.broadcast %mul3A_385 : i32 to vector<16xi32>
    %mul3A_387 = arith.muli %iota3A, %mul3A_386 : vector<16xi32>
    %add3A_388 = arith.constant 96 : i32
    %add3A_389 = vector.broadcast %add3A_388 : i32 to vector<16xi32>
    %add3A_390 = arith.addi %mul3A_387, %add3A_389 : vector<16xi32>
    %gather3A_391 = arith.constant 0 : i32
    %gather3A_392 = arith.constant 1 : i32
    %gather3A_393 = arith.constant 0 : i32
    %gather3A_394 = tpu.memref_slice %arg5[%gather3A_391, %gather3A_392, %gather3A_393] : memref<3x4x256xi32, #tpu.memory_space<vmem>> -> memref<1x1x256xi32, #tpu.memory_space<vmem>>
    %gather3A_395 = tpu.memref_squeeze %gather3A_394 : memref<1x1x256xi32, #tpu.memory_space<vmem>> -> memref<256xi32, #tpu.memory_space<vmem>>
    %gather3A_396 = tpu.vector_load_idx %gather3A_395[%add3A_390] : memref<256xi32, #tpu.memory_space<vmem>>[vector<16xi32>], vector<16xi32>,
    %add3A_397 = arith.constant 1 : i32
    %add3A_398 = vector.broadcast %add3A_397 : i32 to vector<16xi32>
    %add3A_399 = arith.addi %add3A_390, %add3A_398 : vector<16xi32>
    %gather3A_400 = arith.constant 0 : i32
    %gather3A_401 = arith.constant 1 : i32
    %gather3A_402 = arith.constant 0 : i32
    %gather3A_403 = tpu.memref_slice %arg5[%gather3A_400, %gather3A_401, %gather3A_402] : memref<3x4x256xi32, #tpu.memory_space<vmem>> -> memref<1x1x256xi32, #tpu.memory_space<vmem>>
    %gather3A_404 = tpu.memref_squeeze %gather3A_403 : memref<1x1x256xi32, #tpu.memory_space<vmem>> -> memref<256xi32, #tpu.memory_space<vmem>>
    %gather3A_405 = tpu.vector_load_idx %gather3A_404[%add3A_399] : memref<256xi32, #tpu.memory_space<vmem>>[vector<16xi32>], vector<16xi32>,
    %mul3A_406 = arith.constant 100 : i32
    %mul3A_407 = vector.broadcast %mul3A_406 : i32 to vector<16xi32>
    %mul3A_408 = arith.muli %gather3A_396, %mul3A_407 : vector<16xi32>
    %add3A_409 = arith.addi %mul3A_408, %gather3A_405 : vector<16xi32>
    %swap3A_410 = arith.constant 0 : i32
    %swap3A_411 = arith.constant 1 : i32
    %swap3A_412 = arith.index_cast %swap3A_410 : i32 to index
    %swap3A_413 = arith.index_cast %swap3A_411 : i32 to index
    %swap3A_414 = arith.constant 48 : index
    %swap3A_415 = tpu.vector_load %arg6[%swap3A_412, %swap3A_413, %swap3A_414] {strides = array<i32>} : memref<3x4x128xi32, #tpu.memory_space<vmem>>, vector<16xi32>,
    tpu.vector_store %arg6[%swap3A_412, %swap3A_413, %swap3A_414], %add3A_409 {strides = array<i32>} : memref<3x4x128xi32, #tpu.memory_space<vmem>>, vector<16xi32>,
    %mul3A_416 = arith.constant 2 : i32
    %mul3A_417 = vector.broadcast %mul3A_416 : i32 to vector<16xi32>
    %mul3A_418 = arith.muli %iota3A, %mul3A_417 : vector<16xi32>
    %add3A_419 = arith.constant 128 : i32
    %add3A_420 = vector.broadcast %add3A_419 : i32 to vector<16xi32>
    %add3A_421 = arith.addi %mul3A_418, %add3A_420 : vector<16xi32>
    %gather3A_422 = arith.constant 0 : i32
    %gather3A_423 = arith.constant 1 : i32
    %gather3A_424 = arith.constant 0 : i32
    %gather3A_425 = tpu.memref_slice %arg5[%gather3A_422, %gather3A_423, %gather3A_424] : memref<3x4x256xi32, #tpu.memory_space<vmem>> -> memref<1x1x256xi32, #tpu.memory_space<vmem>>
    %gather3A_426 = tpu.memref_squeeze %gather3A_425 : memref<1x1x256xi32, #tpu.memory_space<vmem>> -> memref<256xi32, #tpu.memory_space<vmem>>
    %gather3A_427 = tpu.vector_load_idx %gather3A_426[%add3A_421] : memref<256xi32, #tpu.memory_space<vmem>>[vector<16xi32>], vector<16xi32>,
    %add3A_428 = arith.constant 1 : i32
    %add3A_429 = vector.broadcast %add3A_428 : i32 to vector<16xi32>
    %add3A_430 = arith.addi %add3A_421, %add3A_429 : vector<16xi32>
    %gather3A_431 = arith.constant 0 : i32
    %gather3A_432 = arith.constant 1 : i32
    %gather3A_433 = arith.constant 0 : i32
    %gather3A_434 = tpu.memref_slice %arg5[%gather3A_431, %gather3A_432, %gather3A_433] : memref<3x4x256xi32, #tpu.memory_space<vmem>> -> memref<1x1x256xi32, #tpu.memory_space<vmem>>
    %gather3A_435 = tpu.memref_squeeze %gather3A_434 : memref<1x1x256xi32, #tpu.memory_space<vmem>> -> memref<256xi32, #tpu.memory_space<vmem>>
    %gather3A_436 = tpu.vector_load_idx %gather3A_435[%add3A_430] : memref<256xi32, #tpu.memory_space<vmem>>[vector<16xi32>], vector<16xi32>,
    %mul3A_437 = arith.constant 100 : i32
    %mul3A_438 = vector.broadcast %mul3A_437 : i32 to vector<16xi32>
    %mul3A_439 = arith.muli %gather3A_427, %mul3A_438 : vector<16xi32>
    %add3A_440 = arith.addi %mul3A_439, %gather3A_436 : vector<16xi32>
    %swap3A_441 = arith.constant 0 : i32
    %swap3A_442 = arith.constant 1 : i32
    %swap3A_443 = arith.index_cast %swap3A_441 : i32 to index
    %swap3A_444 = arith.index_cast %swap3A_442 : i32 to index
    %swap3A_445 = arith.constant 64 : index
    %swap3A_446 = tpu.vector_load %arg6[%swap3A_443, %swap3A_444, %swap3A_445] {strides = array<i32>} : memref<3x4x128xi32, #tpu.memory_space<vmem>>, vector<16xi32>,
    tpu.vector_store %arg6[%swap3A_443, %swap3A_444, %swap3A_445], %add3A_440 {strides = array<i32>} : memref<3x4x128xi32, #tpu.memory_space<vmem>>, vector<16xi32>,
    %mul3A_447 = arith.constant 2 : i32
    %mul3A_448 = vector.broadcast %mul3A_447 : i32 to vector<16xi32>
    %mul3A_449 = arith.muli %iota3A, %mul3A_448 : vector<16xi32>
    %add3A_450 = arith.constant 160 : i32
    %add3A_451 = vector.broadcast %add3A_450 : i32 to vector<16xi32>
    %add3A_452 = arith.addi %mul3A_449, %add3A_451 : vector<16xi32>
    %gather3A_453 = arith.constant 0 : i32
    %gather3A_454 = arith.constant 1 : i32
    %gather3A_455 = arith.constant 0 : i32
    %gather3A_456 = tpu.memref_slice %arg5[%gather3A_453, %gather3A_454, %gather3A_455] : memref<3x4x256xi32, #tpu.memory_space<vmem>> -> memref<1x1x256xi32, #tpu.memory_space<vmem>>
    %gather3A_457 = tpu.memref_squeeze %gather3A_456 : memref<1x1x256xi32, #tpu.memory_space<vmem>> -> memref<256xi32, #tpu.memory_space<vmem>>
    %gather3A_458 = tpu.vector_load_idx %gather3A_457[%add3A_452] : memref<256xi32, #tpu.memory_space<vmem>>[vector<16xi32>], vector<16xi32>,
    %add3A_459 = arith.constant 1 : i32
    %add3A_460 = vector.broadcast %add3A_459 : i32 to vector<16xi32>
    %add3A_461 = arith.addi %add3A_452, %add3A_460 : vector<16xi32>
    %gather3A_462 = arith.constant 0 : i32
    %gather3A_463 = arith.constant 1 : i32
    %gather3A_464 = arith.constant 0 : i32
    %gather3A_465 = tpu.memref_slice %arg5[%gather3A_462, %gather3A_463, %gather3A_464] : memref<3x4x256xi32, #tpu.memory_space<vmem>> -> memref<1x1x256xi32, #tpu.memory_space<vmem>>
    %gather3A_466 = tpu.memref_squeeze %gather3A_465 : memref<1x1x256xi32, #tpu.memory_space<vmem>> -> memref<256xi32, #tpu.memory_space<vmem>>
    %gather3A_467 = tpu.vector_load_idx %gather3A_466[%add3A_461] : memref<256xi32, #tpu.memory_space<vmem>>[vector<16xi32>], vector<16xi32>,
    %mul3A_468 = arith.constant 100 : i32
    %mul3A_469 = vector.broadcast %mul3A_468 : i32 to vector<16xi32>
    %mul3A_470 = arith.muli %gather3A_458, %mul3A_469 : vector<16xi32>
    %add3A_471 = arith.addi %mul3A_470, %gather3A_467 : vector<16xi32>
    %swap3A_472 = arith.constant 0 : i32
    %swap3A_473 = arith.constant 1 : i32
    %swap3A_474 = arith.index_cast %swap3A_472 : i32 to index
    %swap3A_475 = arith.index_cast %swap3A_473 : i32 to index
    %swap3A_476 = arith.constant 80 : index
    %swap3A_477 = tpu.vector_load %arg6[%swap3A_474, %swap3A_475, %swap3A_476] {strides = array<i32>} : memref<3x4x128xi32, #tpu.memory_space<vmem>>, vector<16xi32>,
    tpu.vector_store %arg6[%swap3A_474, %swap3A_475, %swap3A_476], %add3A_471 {strides = array<i32>} : memref<3x4x128xi32, #tpu.memory_space<vmem>>, vector<16xi32>,
    %mul3A_478 = arith.constant 2 : i32
    %mul3A_479 = vector.broadcast %mul3A_478 : i32 to vector<16xi32>
    %mul3A_480 = arith.muli %iota3A, %mul3A_479 : vector<16xi32>
    %add3A_481 = arith.constant 192 : i32
    %add3A_482 = vector.broadcast %add3A_481 : i32 to vector<16xi32>
    %add3A_483 = arith.addi %mul3A_480, %add3A_482 : vector<16xi32>
    %gather3A_484 = arith.constant 0 : i32
    %gather3A_485 = arith.constant 1 : i32
    %gather3A_486 = arith.constant 0 : i32
    %gather3A_487 = tpu.memref_slice %arg5[%gather3A_484, %gather3A_485, %gather3A_486] : memref<3x4x256xi32, #tpu.memory_space<vmem>> -> memref<1x1x256xi32, #tpu.memory_space<vmem>>
    %gather3A_488 = tpu.memref_squeeze %gather3A_487 : memref<1x1x256xi32, #tpu.memory_space<vmem>> -> memref<256xi32, #tpu.memory_space<vmem>>
    %gather3A_489 = tpu.vector_load_idx %gather3A_488[%add3A_483] : memref<256xi32, #tpu.memory_space<vmem>>[vector<16xi32>], vector<16xi32>,
    %add3A_490 = arith.constant 1 : i32
    %add3A_491 = vector.broadcast %add3A_490 : i32 to vector<16xi32>
    %add3A_492 = arith.addi %add3A_483, %add3A_491 : vector<16xi32>
    %gather3A_493 = arith.constant 0 : i32
    %gather3A_494 = arith.constant 1 : i32
    %gather3A_495 = arith.constant 0 : i32
    %gather3A_496 = tpu.memref_slice %arg5[%gather3A_493, %gather3A_494, %gather3A_495] : memref<3x4x256xi32, #tpu.memory_space<vmem>> -> memref<1x1x256xi32, #tpu.memory_space<vmem>>
    %gather3A_497 = tpu.memref_squeeze %gather3A_496 : memref<1x1x256xi32, #tpu.memory_space<vmem>> -> memref<256xi32, #tpu.memory_space<vmem>>
    %gather3A_498 = tpu.vector_load_idx %gather3A_497[%add3A_492] : memref<256xi32, #tpu.memory_space<vmem>>[vector<16xi32>], vector<16xi32>,
    %mul3A_499 = arith.constant 100 : i32
    %mul3A_500 = vector.broadcast %mul3A_499 : i32 to vector<16xi32>
    %mul3A_501 = arith.muli %gather3A_489, %mul3A_500 : vector<16xi32>
    %add3A_502 = arith.addi %mul3A_501, %gather3A_498 : vector<16xi32>
    %swap3A_503 = arith.constant 0 : i32
    %swap3A_504 = arith.constant 1 : i32
    %swap3A_505 = arith.index_cast %swap3A_503 : i32 to index
    %swap3A_506 = arith.index_cast %swap3A_504 : i32 to index
    %swap3A_507 = arith.constant 96 : index
    %swap3A_508 = tpu.vector_load %arg6[%swap3A_505, %swap3A_506, %swap3A_507] {strides = array<i32>} : memref<3x4x128xi32, #tpu.memory_space<vmem>>, vector<16xi32>,
    tpu.vector_store %arg6[%swap3A_505, %swap3A_506, %swap3A_507], %add3A_502 {strides = array<i32>} : memref<3x4x128xi32, #tpu.memory_space<vmem>>, vector<16xi32>,
    %mul3A_509 = arith.constant 2 : i32
    %mul3A_510 = vector.broadcast %mul3A_509 : i32 to vector<16xi32>
    %mul3A_511 = arith.muli %iota3A, %mul3A_510 : vector<16xi32>
    %add3A_512 = arith.constant 224 : i32
    %add3A_513 = vector.broadcast %add3A_512 : i32 to vector<16xi32>
    %add3A_514 = arith.addi %mul3A_511, %add3A_513 : vector<16xi32>
    %gather3A_515 = arith.constant 0 : i32
    %gather3A_516 = arith.constant 1 : i32
    %gather3A_517 = arith.constant 0 : i32
    %gather3A_518 = tpu.memref_slice %arg5[%gather3A_515, %gather3A_516, %gather3A_517] : memref<3x4x256xi32, #tpu.memory_space<vmem>> -> memref<1x1x256xi32, #tpu.memory_space<vmem>>
    %gather3A_519 = tpu.memref_squeeze %gather3A_518 : memref<1x1x256xi32, #tpu.memory_space<vmem>> -> memref<256xi32, #tpu.memory_space<vmem>>
    %gather3A_520 = tpu.vector_load_idx %gather3A_519[%add3A_514] : memref<256xi32, #tpu.memory_space<vmem>>[vector<16xi32>], vector<16xi32>,
    %add3A_521 = arith.constant 1 : i32
    %add3A_522 = vector.broadcast %add3A_521 : i32 to vector<16xi32>
    %add3A_523 = arith.addi %add3A_514, %add3A_522 : vector<16xi32>
    %gather3A_524 = arith.constant 0 : i32
    %gather3A_525 = arith.constant 1 : i32
    %gather3A_526 = arith.constant 0 : i32
    %gather3A_527 = tpu.memref_slice %arg5[%gather3A_524, %gather3A_525, %gather3A_526] : memref<3x4x256xi32, #tpu.memory_space<vmem>> -> memref<1x1x256xi32, #tpu.memory_space<vmem>>
    %gather3A_528 = tpu.memref_squeeze %gather3A_527 : memref<1x1x256xi32, #tpu.memory_space<vmem>> -> memref<256xi32, #tpu.memory_space<vmem>>
    %gather3A_529 = tpu.vector_load_idx %gather3A_528[%add3A_523] : memref<256xi32, #tpu.memory_space<vmem>>[vector<16xi32>], vector<16xi32>,
    %mul3A_530 = arith.constant 100 : i32
    %mul3A_531 = vector.broadcast %mul3A_530 : i32 to vector<16xi32>
    %mul3A_532 = arith.muli %gather3A_520, %mul3A_531 : vector<16xi32>
    %add3A_533 = arith.addi %mul3A_532, %gather3A_529 : vector<16xi32>
    %swap3A_534 = arith.constant 0 : i32
    %swap3A_535 = arith.constant 1 : i32
    %swap3A_536 = arith.index_cast %swap3A_534 : i32 to index
    %swap3A_537 = arith.index_cast %swap3A_535 : i32 to index
    %swap3A_538 = arith.constant 112 : index
    %swap3A_539 = tpu.vector_load %arg6[%swap3A_536, %swap3A_537, %swap3A_538] {strides = array<i32>} : memref<3x4x128xi32, #tpu.memory_space<vmem>>, vector<16xi32>,
    tpu.vector_store %arg6[%swap3A_536, %swap3A_537, %swap3A_538], %add3A_533 {strides = array<i32>} : memref<3x4x128xi32, #tpu.memory_space<vmem>>, vector<16xi32>,
    %mul3A_540 = arith.constant 2 : i32
    %mul3A_541 = vector.broadcast %mul3A_540 : i32 to vector<16xi32>
    %mul3A_542 = arith.muli %iota3A, %mul3A_541 : vector<16xi32>
    %add3A_543 = arith.constant 0 : i32
    %add3A_544 = vector.broadcast %add3A_543 : i32 to vector<16xi32>
    %add3A_545 = arith.addi %mul3A_542, %add3A_544 : vector<16xi32>
    %gather3A_546 = arith.constant 0 : i32
    %gather3A_547 = arith.constant 2 : i32
    %gather3A_548 = arith.constant 0 : i32
    %gather3A_549 = tpu.memref_slice %arg5[%gather3A_546, %gather3A_547, %gather3A_548] : memref<3x4x256xi32, #tpu.memory_space<vmem>> -> memref<1x1x256xi32, #tpu.memory_space<vmem>>
    %gather3A_550 = tpu.memref_squeeze %gather3A_549 : memref<1x1x256xi32, #tpu.memory_space<vmem>> -> memref<256xi32, #tpu.memory_space<vmem>>
    %gather3A_551 = tpu.vector_load_idx %gather3A_550[%add3A_545] : memref<256xi32, #tpu.memory_space<vmem>>[vector<16xi32>], vector<16xi32>,
    %add3A_552 = arith.constant 1 : i32
    %add3A_553 = vector.broadcast %add3A_552 : i32 to vector<16xi32>
    %add3A_554 = arith.addi %add3A_545, %add3A_553 : vector<16xi32>
    %gather3A_555 = arith.constant 0 : i32
    %gather3A_556 = arith.constant 2 : i32
    %gather3A_557 = arith.constant 0 : i32
    %gather3A_558 = tpu.memref_slice %arg5[%gather3A_555, %gather3A_556, %gather3A_557] : memref<3x4x256xi32, #tpu.memory_space<vmem>> -> memref<1x1x256xi32, #tpu.memory_space<vmem>>
    %gather3A_559 = tpu.memref_squeeze %gather3A_558 : memref<1x1x256xi32, #tpu.memory_space<vmem>> -> memref<256xi32, #tpu.memory_space<vmem>>
    %gather3A_560 = tpu.vector_load_idx %gather3A_559[%add3A_554] : memref<256xi32, #tpu.memory_space<vmem>>[vector<16xi32>], vector<16xi32>,
    %mul3A_561 = arith.constant 100 : i32
    %mul3A_562 = vector.broadcast %mul3A_561 : i32 to vector<16xi32>
    %mul3A_563 = arith.muli %gather3A_551, %mul3A_562 : vector<16xi32>
    %add3A_564 = arith.addi %mul3A_563, %gather3A_560 : vector<16xi32>
    %swap3A_565 = arith.constant 0 : i32
    %swap3A_566 = arith.constant 2 : i32
    %swap3A_567 = arith.index_cast %swap3A_565 : i32 to index
    %swap3A_568 = arith.index_cast %swap3A_566 : i32 to index
    %swap3A_569 = arith.constant 0 : index
    %swap3A_570 = tpu.vector_load %arg6[%swap3A_567, %swap3A_568, %swap3A_569] {strides = array<i32>} : memref<3x4x128xi32, #tpu.memory_space<vmem>>, vector<16xi32>,
    tpu.vector_store %arg6[%swap3A_567, %swap3A_568, %swap3A_569], %add3A_564 {strides = array<i32>} : memref<3x4x128xi32, #tpu.memory_space<vmem>>, vector<16xi32>,
    %mul3A_571 = arith.constant 2 : i32
    %mul3A_572 = vector.broadcast %mul3A_571 : i32 to vector<16xi32>
    %mul3A_573 = arith.muli %iota3A, %mul3A_572 : vector<16xi32>
    %add3A_574 = arith.constant 32 : i32
    %add3A_575 = vector.broadcast %add3A_574 : i32 to vector<16xi32>
    %add3A_576 = arith.addi %mul3A_573, %add3A_575 : vector<16xi32>
    %gather3A_577 = arith.constant 0 : i32
    %gather3A_578 = arith.constant 2 : i32
    %gather3A_579 = arith.constant 0 : i32
    %gather3A_580 = tpu.memref_slice %arg5[%gather3A_577, %gather3A_578, %gather3A_579] : memref<3x4x256xi32, #tpu.memory_space<vmem>> -> memref<1x1x256xi32, #tpu.memory_space<vmem>>
    %gather3A_581 = tpu.memref_squeeze %gather3A_580 : memref<1x1x256xi32, #tpu.memory_space<vmem>> -> memref<256xi32, #tpu.memory_space<vmem>>
    %gather3A_582 = tpu.vector_load_idx %gather3A_581[%add3A_576] : memref<256xi32, #tpu.memory_space<vmem>>[vector<16xi32>], vector<16xi32>,
    %add3A_583 = arith.constant 1 : i32
    %add3A_584 = vector.broadcast %add3A_583 : i32 to vector<16xi32>
    %add3A_585 = arith.addi %add3A_576, %add3A_584 : vector<16xi32>
    %gather3A_586 = arith.constant 0 : i32
    %gather3A_587 = arith.constant 2 : i32
    %gather3A_588 = arith.constant 0 : i32
    %gather3A_589 = tpu.memref_slice %arg5[%gather3A_586, %gather3A_587, %gather3A_588] : memref<3x4x256xi32, #tpu.memory_space<vmem>> -> memref<1x1x256xi32, #tpu.memory_space<vmem>>
    %gather3A_590 = tpu.memref_squeeze %gather3A_589 : memref<1x1x256xi32, #tpu.memory_space<vmem>> -> memref<256xi32, #tpu.memory_space<vmem>>
    %gather3A_591 = tpu.vector_load_idx %gather3A_590[%add3A_585] : memref<256xi32, #tpu.memory_space<vmem>>[vector<16xi32>], vector<16xi32>,
    %mul3A_592 = arith.constant 100 : i32
    %mul3A_593 = vector.broadcast %mul3A_592 : i32 to vector<16xi32>
    %mul3A_594 = arith.muli %gather3A_582, %mul3A_593 : vector<16xi32>
    %add3A_595 = arith.addi %mul3A_594, %gather3A_591 : vector<16xi32>
    %swap3A_596 = arith.constant 0 : i32
    %swap3A_597 = arith.constant 2 : i32
    %swap3A_598 = arith.index_cast %swap3A_596 : i32 to index
    %swap3A_599 = arith.index_cast %swap3A_597 : i32 to index
    %swap3A_600 = arith.constant 16 : index
    %swap3A_601 = tpu.vector_load %arg6[%swap3A_598, %swap3A_599, %swap3A_600] {strides = array<i32>} : memref<3x4x128xi32, #tpu.memory_space<vmem>>, vector<16xi32>,
    tpu.vector_store %arg6[%swap3A_598, %swap3A_599, %swap3A_600], %add3A_595 {strides = array<i32>} : memref<3x4x128xi32, #tpu.memory_space<vmem>>, vector<16xi32>,
    %mul3A_602 = arith.constant 2 : i32
    %mul3A_603 = vector.broadcast %mul3A_602 : i32 to vector<16xi32>
    %mul3A_604 = arith.muli %iota3A, %mul3A_603 : vector<16xi32>
    %add3A_605 = arith.constant 64 : i32
    %add3A_606 = vector.broadcast %add3A_605 : i32 to vector<16xi32>
    %add3A_607 = arith.addi %mul3A_604, %add3A_606 : vector<16xi32>
    %gather3A_608 = arith.constant 0 : i32
    %gather3A_609 = arith.constant 2 : i32
    %gather3A_610 = arith.constant 0 : i32
    %gather3A_611 = tpu.memref_slice %arg5[%gather3A_608, %gather3A_609, %gather3A_610] : memref<3x4x256xi32, #tpu.memory_space<vmem>> -> memref<1x1x256xi32, #tpu.memory_space<vmem>>
    %gather3A_612 = tpu.memref_squeeze %gather3A_611 : memref<1x1x256xi32, #tpu.memory_space<vmem>> -> memref<256xi32, #tpu.memory_space<vmem>>
    %gather3A_613 = tpu.vector_load_idx %gather3A_612[%add3A_607] : memref<256xi32, #tpu.memory_space<vmem>>[vector<16xi32>], vector<16xi32>,
    %add3A_614 = arith.constant 1 : i32
    %add3A_615 = vector.broadcast %add3A_614 : i32 to vector<16xi32>
    %add3A_616 = arith.addi %add3A_607, %add3A_615 : vector<16xi32>
    %gather3A_617 = arith.constant 0 : i32
    %gather3A_618 = arith.constant 2 : i32
    %gather3A_619 = arith.constant 0 : i32
    %gather3A_620 = tpu.memref_slice %arg5[%gather3A_617, %gather3A_618, %gather3A_619] : memref<3x4x256xi32, #tpu.memory_space<vmem>> -> memref<1x1x256xi32, #tpu.memory_space<vmem>>
    %gather3A_621 = tpu.memref_squeeze %gather3A_620 : memref<1x1x256xi32, #tpu.memory_space<vmem>> -> memref<256xi32, #tpu.memory_space<vmem>>
    %gather3A_622 = tpu.vector_load_idx %gather3A_621[%add3A_616] : memref<256xi32, #tpu.memory_space<vmem>>[vector<16xi32>], vector<16xi32>,
    %mul3A_623 = arith.constant 100 : i32
    %mul3A_624 = vector.broadcast %mul3A_623 : i32 to vector<16xi32>
    %mul3A_625 = arith.muli %gather3A_613, %mul3A_624 : vector<16xi32>
    %add3A_626 = arith.addi %mul3A_625, %gather3A_622 : vector<16xi32>
    %swap3A_627 = arith.constant 0 : i32
    %swap3A_628 = arith.constant 2 : i32
    %swap3A_629 = arith.index_cast %swap3A_627 : i32 to index
    %swap3A_630 = arith.index_cast %swap3A_628 : i32 to index
    %swap3A_631 = arith.constant 32 : index
    %swap3A_632 = tpu.vector_load %arg6[%swap3A_629, %swap3A_630, %swap3A_631] {strides = array<i32>} : memref<3x4x128xi32, #tpu.memory_space<vmem>>, vector<16xi32>,
    tpu.vector_store %arg6[%swap3A_629, %swap3A_630, %swap3A_631], %add3A_626 {strides = array<i32>} : memref<3x4x128xi32, #tpu.memory_space<vmem>>, vector<16xi32>,
    %mul3A_633 = arith.constant 2 : i32
    %mul3A_634 = vector.broadcast %mul3A_633 : i32 to vector<16xi32>
    %mul3A_635 = arith.muli %iota3A, %mul3A_634 : vector<16xi32>
    %add3A_636 = arith.constant 96 : i32
    %add3A_637 = vector.broadcast %add3A_636 : i32 to vector<16xi32>
    %add3A_638 = arith.addi %mul3A_635, %add3A_637 : vector<16xi32>
    %gather3A_639 = arith.constant 0 : i32
    %gather3A_640 = arith.constant 2 : i32
    %gather3A_641 = arith.constant 0 : i32
    %gather3A_642 = tpu.memref_slice %arg5[%gather3A_639, %gather3A_640, %gather3A_641] : memref<3x4x256xi32, #tpu.memory_space<vmem>> -> memref<1x1x256xi32, #tpu.memory_space<vmem>>
    %gather3A_643 = tpu.memref_squeeze %gather3A_642 : memref<1x1x256xi32, #tpu.memory_space<vmem>> -> memref<256xi32, #tpu.memory_space<vmem>>
    %gather3A_644 = tpu.vector_load_idx %gather3A_643[%add3A_638] : memref<256xi32, #tpu.memory_space<vmem>>[vector<16xi32>], vector<16xi32>,
    %add3A_645 = arith.constant 1 : i32
    %add3A_646 = vector.broadcast %add3A_645 : i32 to vector<16xi32>
    %add3A_647 = arith.addi %add3A_638, %add3A_646 : vector<16xi32>
    %gather3A_648 = arith.constant 0 : i32
    %gather3A_649 = arith.constant 2 : i32
    %gather3A_650 = arith.constant 0 : i32
    %gather3A_651 = tpu.memref_slice %arg5[%gather3A_648, %gather3A_649, %gather3A_650] : memref<3x4x256xi32, #tpu.memory_space<vmem>> -> memref<1x1x256xi32, #tpu.memory_space<vmem>>
    %gather3A_652 = tpu.memref_squeeze %gather3A_651 : memref<1x1x256xi32, #tpu.memory_space<vmem>> -> memref<256xi32, #tpu.memory_space<vmem>>
    %gather3A_653 = tpu.vector_load_idx %gather3A_652[%add3A_647] : memref<256xi32, #tpu.memory_space<vmem>>[vector<16xi32>], vector<16xi32>,
    %mul3A_654 = arith.constant 100 : i32
    %mul3A_655 = vector.broadcast %mul3A_654 : i32 to vector<16xi32>
    %mul3A_656 = arith.muli %gather3A_644, %mul3A_655 : vector<16xi32>
    %add3A_657 = arith.addi %mul3A_656, %gather3A_653 : vector<16xi32>
    %swap3A_658 = arith.constant 0 : i32
    %swap3A_659 = arith.constant 2 : i32
    %swap3A_660 = arith.index_cast %swap3A_658 : i32 to index
    %swap3A_661 = arith.index_cast %swap3A_659 : i32 to index
    %swap3A_662 = arith.constant 48 : index
    %swap3A_663 = tpu.vector_load %arg6[%swap3A_660, %swap3A_661, %swap3A_662] {strides = array<i32>} : memref<3x4x128xi32, #tpu.memory_space<vmem>>, vector<16xi32>,
    tpu.vector_store %arg6[%swap3A_660, %swap3A_661, %swap3A_662], %add3A_657 {strides = array<i32>} : memref<3x4x128xi32, #tpu.memory_space<vmem>>, vector<16xi32>,
    %mul3A_664 = arith.constant 2 : i32
    %mul3A_665 = vector.broadcast %mul3A_664 : i32 to vector<16xi32>
    %mul3A_666 = arith.muli %iota3A, %mul3A_665 : vector<16xi32>
    %add3A_667 = arith.constant 128 : i32
    %add3A_668 = vector.broadcast %add3A_667 : i32 to vector<16xi32>
    %add3A_669 = arith.addi %mul3A_666, %add3A_668 : vector<16xi32>
    %gather3A_670 = arith.constant 0 : i32
    %gather3A_671 = arith.constant 2 : i32
    %gather3A_672 = arith.constant 0 : i32
    %gather3A_673 = tpu.memref_slice %arg5[%gather3A_670, %gather3A_671, %gather3A_672] : memref<3x4x256xi32, #tpu.memory_space<vmem>> -> memref<1x1x256xi32, #tpu.memory_space<vmem>>
    %gather3A_674 = tpu.memref_squeeze %gather3A_673 : memref<1x1x256xi32, #tpu.memory_space<vmem>> -> memref<256xi32, #tpu.memory_space<vmem>>
    %gather3A_675 = tpu.vector_load_idx %gather3A_674[%add3A_669] : memref<256xi32, #tpu.memory_space<vmem>>[vector<16xi32>], vector<16xi32>,
    %add3A_676 = arith.constant 1 : i32
    %add3A_677 = vector.broadcast %add3A_676 : i32 to vector<16xi32>
    %add3A_678 = arith.addi %add3A_669, %add3A_677 : vector<16xi32>
    %gather3A_679 = arith.constant 0 : i32
    %gather3A_680 = arith.constant 2 : i32
    %gather3A_681 = arith.constant 0 : i32
    %gather3A_682 = tpu.memref_slice %arg5[%gather3A_679, %gather3A_680, %gather3A_681] : memref<3x4x256xi32, #tpu.memory_space<vmem>> -> memref<1x1x256xi32, #tpu.memory_space<vmem>>
    %gather3A_683 = tpu.memref_squeeze %gather3A_682 : memref<1x1x256xi32, #tpu.memory_space<vmem>> -> memref<256xi32, #tpu.memory_space<vmem>>
    %gather3A_684 = tpu.vector_load_idx %gather3A_683[%add3A_678] : memref<256xi32, #tpu.memory_space<vmem>>[vector<16xi32>], vector<16xi32>,
    %mul3A_685 = arith.constant 100 : i32
    %mul3A_686 = vector.broadcast %mul3A_685 : i32 to vector<16xi32>
    %mul3A_687 = arith.muli %gather3A_675, %mul3A_686 : vector<16xi32>
    %add3A_688 = arith.addi %mul3A_687, %gather3A_684 : vector<16xi32>
    %swap3A_689 = arith.constant 0 : i32
    %swap3A_690 = arith.constant 2 : i32
    %swap3A_691 = arith.index_cast %swap3A_689 : i32 to index
    %swap3A_692 = arith.index_cast %swap3A_690 : i32 to index
    %swap3A_693 = arith.constant 64 : index
    %swap3A_694 = tpu.vector_load %arg6[%swap3A_691, %swap3A_692, %swap3A_693] {strides = array<i32>} : memref<3x4x128xi32, #tpu.memory_space<vmem>>, vector<16xi32>,
    tpu.vector_store %arg6[%swap3A_691, %swap3A_692, %swap3A_693], %add3A_688 {strides = array<i32>} : memref<3x4x128xi32, #tpu.memory_space<vmem>>, vector<16xi32>,
    %mul3A_695 = arith.constant 2 : i32
    %mul3A_696 = vector.broadcast %mul3A_695 : i32 to vector<16xi32>
    %mul3A_697 = arith.muli %iota3A, %mul3A_696 : vector<16xi32>
    %add3A_698 = arith.constant 160 : i32
    %add3A_699 = vector.broadcast %add3A_698 : i32 to vector<16xi32>
    %add3A_700 = arith.addi %mul3A_697, %add3A_699 : vector<16xi32>
    %gather3A_701 = arith.constant 0 : i32
    %gather3A_702 = arith.constant 2 : i32
    %gather3A_703 = arith.constant 0 : i32
    %gather3A_704 = tpu.memref_slice %arg5[%gather3A_701, %gather3A_702, %gather3A_703] : memref<3x4x256xi32, #tpu.memory_space<vmem>> -> memref<1x1x256xi32, #tpu.memory_space<vmem>>
    %gather3A_705 = tpu.memref_squeeze %gather3A_704 : memref<1x1x256xi32, #tpu.memory_space<vmem>> -> memref<256xi32, #tpu.memory_space<vmem>>
    %gather3A_706 = tpu.vector_load_idx %gather3A_705[%add3A_700] : memref<256xi32, #tpu.memory_space<vmem>>[vector<16xi32>], vector<16xi32>,
    %add3A_707 = arith.constant 1 : i32
    %add3A_708 = vector.broadcast %add3A_707 : i32 to vector<16xi32>
    %add3A_709 = arith.addi %add3A_700, %add3A_708 : vector<16xi32>
    %gather3A_710 = arith.constant 0 : i32
    %gather3A_711 = arith.constant 2 : i32
    %gather3A_712 = arith.constant 0 : i32
    %gather3A_713 = tpu.memref_slice %arg5[%gather3A_710, %gather3A_711, %gather3A_712] : memref<3x4x256xi32, #tpu.memory_space<vmem>> -> memref<1x1x256xi32, #tpu.memory_space<vmem>>
    %gather3A_714 = tpu.memref_squeeze %gather3A_713 : memref<1x1x256xi32, #tpu.memory_space<vmem>> -> memref<256xi32, #tpu.memory_space<vmem>>
    %gather3A_715 = tpu.vector_load_idx %gather3A_714[%add3A_709] : memref<256xi32, #tpu.memory_space<vmem>>[vector<16xi32>], vector<16xi32>,
    %mul3A_716 = arith.constant 100 : i32
    %mul3A_717 = vector.broadcast %mul3A_716 : i32 to vector<16xi32>
    %mul3A_718 = arith.muli %gather3A_706, %mul3A_717 : vector<16xi32>
    %add3A_719 = arith.addi %mul3A_718, %gather3A_715 : vector<16xi32>
    %swap3A_720 = arith.constant 0 : i32
    %swap3A_721 = arith.constant 2 : i32
    %swap3A_722 = arith.index_cast %swap3A_720 : i32 to index
    %swap3A_723 = arith.index_cast %swap3A_721 : i32 to index
    %swap3A_724 = arith.constant 80 : index
    %swap3A_725 = tpu.vector_load %arg6[%swap3A_722, %swap3A_723, %swap3A_724] {strides = array<i32>} : memref<3x4x128xi32, #tpu.memory_space<vmem>>, vector<16xi32>,
    tpu.vector_store %arg6[%swap3A_722, %swap3A_723, %swap3A_724], %add3A_719 {strides = array<i32>} : memref<3x4x128xi32, #tpu.memory_space<vmem>>, vector<16xi32>,
    %mul3A_726 = arith.constant 2 : i32
    %mul3A_727 = vector.broadcast %mul3A_726 : i32 to vector<16xi32>
    %mul3A_728 = arith.muli %iota3A, %mul3A_727 : vector<16xi32>
    %add3A_729 = arith.constant 192 : i32
    %add3A_730 = vector.broadcast %add3A_729 : i32 to vector<16xi32>
    %add3A_731 = arith.addi %mul3A_728, %add3A_730 : vector<16xi32>
    %gather3A_732 = arith.constant 0 : i32
    %gather3A_733 = arith.constant 2 : i32
    %gather3A_734 = arith.constant 0 : i32
    %gather3A_735 = tpu.memref_slice %arg5[%gather3A_732, %gather3A_733, %gather3A_734] : memref<3x4x256xi32, #tpu.memory_space<vmem>> -> memref<1x1x256xi32, #tpu.memory_space<vmem>>
    %gather3A_736 = tpu.memref_squeeze %gather3A_735 : memref<1x1x256xi32, #tpu.memory_space<vmem>> -> memref<256xi32, #tpu.memory_space<vmem>>
    %gather3A_737 = tpu.vector_load_idx %gather3A_736[%add3A_731] : memref<256xi32, #tpu.memory_space<vmem>>[vector<16xi32>], vector<16xi32>,
    %add3A_738 = arith.constant 1 : i32
    %add3A_739 = vector.broadcast %add3A_738 : i32 to vector<16xi32>
    %add3A_740 = arith.addi %add3A_731, %add3A_739 : vector<16xi32>
    %gather3A_741 = arith.constant 0 : i32
    %gather3A_742 = arith.constant 2 : i32
    %gather3A_743 = arith.constant 0 : i32
    %gather3A_744 = tpu.memref_slice %arg5[%gather3A_741, %gather3A_742, %gather3A_743] : memref<3x4x256xi32, #tpu.memory_space<vmem>> -> memref<1x1x256xi32, #tpu.memory_space<vmem>>
    %gather3A_745 = tpu.memref_squeeze %gather3A_744 : memref<1x1x256xi32, #tpu.memory_space<vmem>> -> memref<256xi32, #tpu.memory_space<vmem>>
    %gather3A_746 = tpu.vector_load_idx %gather3A_745[%add3A_740] : memref<256xi32, #tpu.memory_space<vmem>>[vector<16xi32>], vector<16xi32>,
    %mul3A_747 = arith.constant 100 : i32
    %mul3A_748 = vector.broadcast %mul3A_747 : i32 to vector<16xi32>
    %mul3A_749 = arith.muli %gather3A_737, %mul3A_748 : vector<16xi32>
    %add3A_750 = arith.addi %mul3A_749, %gather3A_746 : vector<16xi32>
    %swap3A_751 = arith.constant 0 : i32
    %swap3A_752 = arith.constant 2 : i32
    %swap3A_753 = arith.index_cast %swap3A_751 : i32 to index
    %swap3A_754 = arith.index_cast %swap3A_752 : i32 to index
    %swap3A_755 = arith.constant 96 : index
    %swap3A_756 = tpu.vector_load %arg6[%swap3A_753, %swap3A_754, %swap3A_755] {strides = array<i32>} : memref<3x4x128xi32, #tpu.memory_space<vmem>>, vector<16xi32>,
    tpu.vector_store %arg6[%swap3A_753, %swap3A_754, %swap3A_755], %add3A_750 {strides = array<i32>} : memref<3x4x128xi32, #tpu.memory_space<vmem>>, vector<16xi32>,
    %mul3A_757 = arith.constant 2 : i32
    %mul3A_758 = vector.broadcast %mul3A_757 : i32 to vector<16xi32>
    %mul3A_759 = arith.muli %iota3A, %mul3A_758 : vector<16xi32>
    %add3A_760 = arith.constant 224 : i32
    %add3A_761 = vector.broadcast %add3A_760 : i32 to vector<16xi32>
    %add3A_762 = arith.addi %mul3A_759, %add3A_761 : vector<16xi32>
    %gather3A_763 = arith.constant 0 : i32
    %gather3A_764 = arith.constant 2 : i32
    %gather3A_765 = arith.constant 0 : i32
    %gather3A_766 = tpu.memref_slice %arg5[%gather3A_763, %gather3A_764, %gather3A_765] : memref<3x4x256xi32, #tpu.memory_space<vmem>> -> memref<1x1x256xi32, #tpu.memory_space<vmem>>
    %gather3A_767 = tpu.memref_squeeze %gather3A_766 : memref<1x1x256xi32, #tpu.memory_space<vmem>> -> memref<256xi32, #tpu.memory_space<vmem>>
    %gather3A_768 = tpu.vector_load_idx %gather3A_767[%add3A_762] : memref<256xi32, #tpu.memory_space<vmem>>[vector<16xi32>], vector<16xi32>,
    %add3A_769 = arith.constant 1 : i32
    %add3A_770 = vector.broadcast %add3A_769 : i32 to vector<16xi32>
    %add3A_771 = arith.addi %add3A_762, %add3A_770 : vector<16xi32>
    %gather3A_772 = arith.constant 0 : i32
    %gather3A_773 = arith.constant 2 : i32
    %gather3A_774 = arith.constant 0 : i32
    %gather3A_775 = tpu.memref_slice %arg5[%gather3A_772, %gather3A_773, %gather3A_774] : memref<3x4x256xi32, #tpu.memory_space<vmem>> -> memref<1x1x256xi32, #tpu.memory_space<vmem>>
    %gather3A_776 = tpu.memref_squeeze %gather3A_775 : memref<1x1x256xi32, #tpu.memory_space<vmem>> -> memref<256xi32, #tpu.memory_space<vmem>>
    %gather3A_777 = tpu.vector_load_idx %gather3A_776[%add3A_771] : memref<256xi32, #tpu.memory_space<vmem>>[vector<16xi32>], vector<16xi32>,
    %mul3A_778 = arith.constant 100 : i32
    %mul3A_779 = vector.broadcast %mul3A_778 : i32 to vector<16xi32>
    %mul3A_780 = arith.muli %gather3A_768, %mul3A_779 : vector<16xi32>
    %add3A_781 = arith.addi %mul3A_780, %gather3A_777 : vector<16xi32>
    %swap3A_782 = arith.constant 0 : i32
    %swap3A_783 = arith.constant 2 : i32
    %swap3A_784 = arith.index_cast %swap3A_782 : i32 to index
    %swap3A_785 = arith.index_cast %swap3A_783 : i32 to index
    %swap3A_786 = arith.constant 112 : index
    %swap3A_787 = tpu.vector_load %arg6[%swap3A_784, %swap3A_785, %swap3A_786] {strides = array<i32>} : memref<3x4x128xi32, #tpu.memory_space<vmem>>, vector<16xi32>,
    tpu.vector_store %arg6[%swap3A_784, %swap3A_785, %swap3A_786], %add3A_781 {strides = array<i32>} : memref<3x4x128xi32, #tpu.memory_space<vmem>>, vector<16xi32>,
    %mul3A_788 = arith.constant 2 : i32
    %mul3A_789 = vector.broadcast %mul3A_788 : i32 to vector<16xi32>
    %mul3A_790 = arith.muli %iota3A, %mul3A_789 : vector<16xi32>
    %add3A_791 = arith.constant 0 : i32
    %add3A_792 = vector.broadcast %add3A_791 : i32 to vector<16xi32>
    %add3A_793 = arith.addi %mul3A_790, %add3A_792 : vector<16xi32>
    %gather3A_794 = arith.constant 0 : i32
    %gather3A_795 = arith.constant 3 : i32
    %gather3A_796 = arith.constant 0 : i32
    %gather3A_797 = tpu.memref_slice %arg5[%gather3A_794, %gather3A_795, %gather3A_796] : memref<3x4x256xi32, #tpu.memory_space<vmem>> -> memref<1x1x256xi32, #tpu.memory_space<vmem>>
    %gather3A_798 = tpu.memref_squeeze %gather3A_797 : memref<1x1x256xi32, #tpu.memory_space<vmem>> -> memref<256xi32, #tpu.memory_space<vmem>>
    %gather3A_799 = tpu.vector_load_idx %gather3A_798[%add3A_793] : memref<256xi32, #tpu.memory_space<vmem>>[vector<16xi32>], vector<16xi32>,
    %add3A_800 = arith.constant 1 : i32
    %add3A_801 = vector.broadcast %add3A_800 : i32 to vector<16xi32>
    %add3A_802 = arith.addi %add3A_793, %add3A_801 : vector<16xi32>
    %gather3A_803 = arith.constant 0 : i32
    %gather3A_804 = arith.constant 3 : i32
    %gather3A_805 = arith.constant 0 : i32
    %gather3A_806 = tpu.memref_slice %arg5[%gather3A_803, %gather3A_804, %gather3A_805] : memref<3x4x256xi32, #tpu.memory_space<vmem>> -> memref<1x1x256xi32, #tpu.memory_space<vmem>>
    %gather3A_807 = tpu.memref_squeeze %gather3A_806 : memref<1x1x256xi32, #tpu.memory_space<vmem>> -> memref<256xi32, #tpu.memory_space<vmem>>
    %gather3A_808 = tpu.vector_load_idx %gather3A_807[%add3A_802] : memref<256xi32, #tpu.memory_space<vmem>>[vector<16xi32>], vector<16xi32>,
    %mul3A_809 = arith.constant 100 : i32
    %mul3A_810 = vector.broadcast %mul3A_809 : i32 to vector<16xi32>
    %mul3A_811 = arith.muli %gather3A_799, %mul3A_810 : vector<16xi32>
    %add3A_812 = arith.addi %mul3A_811, %gather3A_808 : vector<16xi32>
    %swap3A_813 = arith.constant 0 : i32
    %swap3A_814 = arith.constant 3 : i32
    %swap3A_815 = arith.index_cast %swap3A_813 : i32 to index
    %swap3A_816 = arith.index_cast %swap3A_814 : i32 to index
    %swap3A_817 = arith.constant 0 : index
    %swap3A_818 = tpu.vector_load %arg6[%swap3A_815, %swap3A_816, %swap3A_817] {strides = array<i32>} : memref<3x4x128xi32, #tpu.memory_space<vmem>>, vector<16xi32>,
    tpu.vector_store %arg6[%swap3A_815, %swap3A_816, %swap3A_817], %add3A_812 {strides = array<i32>} : memref<3x4x128xi32, #tpu.memory_space<vmem>>, vector<16xi32>,
    %mul3A_819 = arith.constant 2 : i32
    %mul3A_820 = vector.broadcast %mul3A_819 : i32 to vector<16xi32>
    %mul3A_821 = arith.muli %iota3A, %mul3A_820 : vector<16xi32>
    %add3A_822 = arith.constant 32 : i32
    %add3A_823 = vector.broadcast %add3A_822 : i32 to vector<16xi32>
    %add3A_824 = arith.addi %mul3A_821, %add3A_823 : vector<16xi32>
    %gather3A_825 = arith.constant 0 : i32
    %gather3A_826 = arith.constant 3 : i32
    %gather3A_827 = arith.constant 0 : i32
    %gather3A_828 = tpu.memref_slice %arg5[%gather3A_825, %gather3A_826, %gather3A_827] : memref<3x4x256xi32, #tpu.memory_space<vmem>> -> memref<1x1x256xi32, #tpu.memory_space<vmem>>
    %gather3A_829 = tpu.memref_squeeze %gather3A_828 : memref<1x1x256xi32, #tpu.memory_space<vmem>> -> memref<256xi32, #tpu.memory_space<vmem>>
    %gather3A_830 = tpu.vector_load_idx %gather3A_829[%add3A_824] : memref<256xi32, #tpu.memory_space<vmem>>[vector<16xi32>], vector<16xi32>,
    %add3A_831 = arith.constant 1 : i32
    %add3A_832 = vector.broadcast %add3A_831 : i32 to vector<16xi32>
    %add3A_833 = arith.addi %add3A_824, %add3A_832 : vector<16xi32>
    %gather3A_834 = arith.constant 0 : i32
    %gather3A_835 = arith.constant 3 : i32
    %gather3A_836 = arith.constant 0 : i32
    %gather3A_837 = tpu.memref_slice %arg5[%gather3A_834, %gather3A_835, %gather3A_836] : memref<3x4x256xi32, #tpu.memory_space<vmem>> -> memref<1x1x256xi32, #tpu.memory_space<vmem>>
    %gather3A_838 = tpu.memref_squeeze %gather3A_837 : memref<1x1x256xi32, #tpu.memory_space<vmem>> -> memref<256xi32, #tpu.memory_space<vmem>>
    %gather3A_839 = tpu.vector_load_idx %gather3A_838[%add3A_833] : memref<256xi32, #tpu.memory_space<vmem>>[vector<16xi32>], vector<16xi32>,
    %mul3A_840 = arith.constant 100 : i32
    %mul3A_841 = vector.broadcast %mul3A_840 : i32 to vector<16xi32>
    %mul3A_842 = arith.muli %gather3A_830, %mul3A_841 : vector<16xi32>
    %add3A_843 = arith.addi %mul3A_842, %gather3A_839 : vector<16xi32>
    %swap3A_844 = arith.constant 0 : i32
    %swap3A_845 = arith.constant 3 : i32
    %swap3A_846 = arith.index_cast %swap3A_844 : i32 to index
    %swap3A_847 = arith.index_cast %swap3A_845 : i32 to index
    %swap3A_848 = arith.constant 16 : index
    %swap3A_849 = tpu.vector_load %arg6[%swap3A_846, %swap3A_847, %swap3A_848] {strides = array<i32>} : memref<3x4x128xi32, #tpu.memory_space<vmem>>, vector<16xi32>,
    tpu.vector_store %arg6[%swap3A_846, %swap3A_847, %swap3A_848], %add3A_843 {strides = array<i32>} : memref<3x4x128xi32, #tpu.memory_space<vmem>>, vector<16xi32>,
    %mul3A_850 = arith.constant 2 : i32
    %mul3A_851 = vector.broadcast %mul3A_850 : i32 to vector<16xi32>
    %mul3A_852 = arith.muli %iota3A, %mul3A_851 : vector<16xi32>
    %add3A_853 = arith.constant 64 : i32
    %add3A_854 = vector.broadcast %add3A_853 : i32 to vector<16xi32>
    %add3A_855 = arith.addi %mul3A_852, %add3A_854 : vector<16xi32>
    %gather3A_856 = arith.constant 0 : i32
    %gather3A_857 = arith.constant 3 : i32
    %gather3A_858 = arith.constant 0 : i32
    %gather3A_859 = tpu.memref_slice %arg5[%gather3A_856, %gather3A_857, %gather3A_858] : memref<3x4x256xi32, #tpu.memory_space<vmem>> -> memref<1x1x256xi32, #tpu.memory_space<vmem>>
    %gather3A_860 = tpu.memref_squeeze %gather3A_859 : memref<1x1x256xi32, #tpu.memory_space<vmem>> -> memref<256xi32, #tpu.memory_space<vmem>>
    %gather3A_861 = tpu.vector_load_idx %gather3A_860[%add3A_855] : memref<256xi32, #tpu.memory_space<vmem>>[vector<16xi32>], vector<16xi32>,
    %add3A_862 = arith.constant 1 : i32
    %add3A_863 = vector.broadcast %add3A_862 : i32 to vector<16xi32>
    %add3A_864 = arith.addi %add3A_855, %add3A_863 : vector<16xi32>
    %gather3A_865 = arith.constant 0 : i32
    %gather3A_866 = arith.constant 3 : i32
    %gather3A_867 = arith.constant 0 : i32
    %gather3A_868 = tpu.memref_slice %arg5[%gather3A_865, %gather3A_866, %gather3A_867] : memref<3x4x256xi32, #tpu.memory_space<vmem>> -> memref<1x1x256xi32, #tpu.memory_space<vmem>>
    %gather3A_869 = tpu.memref_squeeze %gather3A_868 : memref<1x1x256xi32, #tpu.memory_space<vmem>> -> memref<256xi32, #tpu.memory_space<vmem>>
    %gather3A_870 = tpu.vector_load_idx %gather3A_869[%add3A_864] : memref<256xi32, #tpu.memory_space<vmem>>[vector<16xi32>], vector<16xi32>,
    %mul3A_871 = arith.constant 100 : i32
    %mul3A_872 = vector.broadcast %mul3A_871 : i32 to vector<16xi32>
    %mul3A_873 = arith.muli %gather3A_861, %mul3A_872 : vector<16xi32>
    %add3A_874 = arith.addi %mul3A_873, %gather3A_870 : vector<16xi32>
    %swap3A_875 = arith.constant 0 : i32
    %swap3A_876 = arith.constant 3 : i32
    %swap3A_877 = arith.index_cast %swap3A_875 : i32 to index
    %swap3A_878 = arith.index_cast %swap3A_876 : i32 to index
    %swap3A_879 = arith.constant 32 : index
    %swap3A_880 = tpu.vector_load %arg6[%swap3A_877, %swap3A_878, %swap3A_879] {strides = array<i32>} : memref<3x4x128xi32, #tpu.memory_space<vmem>>, vector<16xi32>,
    tpu.vector_store %arg6[%swap3A_877, %swap3A_878, %swap3A_879], %add3A_874 {strides = array<i32>} : memref<3x4x128xi32, #tpu.memory_space<vmem>>, vector<16xi32>,
    %mul3A_881 = arith.constant 2 : i32
    %mul3A_882 = vector.broadcast %mul3A_881 : i32 to vector<16xi32>
    %mul3A_883 = arith.muli %iota3A, %mul3A_882 : vector<16xi32>
    %add3A_884 = arith.constant 96 : i32
    %add3A_885 = vector.broadcast %add3A_884 : i32 to vector<16xi32>
    %add3A_886 = arith.addi %mul3A_883, %add3A_885 : vector<16xi32>
    %gather3A_887 = arith.constant 0 : i32
    %gather3A_888 = arith.constant 3 : i32
    %gather3A_889 = arith.constant 0 : i32
    %gather3A_890 = tpu.memref_slice %arg5[%gather3A_887, %gather3A_888, %gather3A_889] : memref<3x4x256xi32, #tpu.memory_space<vmem>> -> memref<1x1x256xi32, #tpu.memory_space<vmem>>
    %gather3A_891 = tpu.memref_squeeze %gather3A_890 : memref<1x1x256xi32, #tpu.memory_space<vmem>> -> memref<256xi32, #tpu.memory_space<vmem>>
    %gather3A_892 = tpu.vector_load_idx %gather3A_891[%add3A_886] : memref<256xi32, #tpu.memory_space<vmem>>[vector<16xi32>], vector<16xi32>,
    %add3A_893 = arith.constant 1 : i32
    %add3A_894 = vector.broadcast %add3A_893 : i32 to vector<16xi32>
    %add3A_895 = arith.addi %add3A_886, %add3A_894 : vector<16xi32>
    %gather3A_896 = arith.constant 0 : i32
    %gather3A_897 = arith.constant 3 : i32
    %gather3A_898 = arith.constant 0 : i32
    %gather3A_899 = tpu.memref_slice %arg5[%gather3A_896, %gather3A_897, %gather3A_898] : memref<3x4x256xi32, #tpu.memory_space<vmem>> -> memref<1x1x256xi32, #tpu.memory_space<vmem>>
    %gather3A_900 = tpu.memref_squeeze %gather3A_899 : memref<1x1x256xi32, #tpu.memory_space<vmem>> -> memref<256xi32, #tpu.memory_space<vmem>>
    %gather3A_901 = tpu.vector_load_idx %gather3A_900[%add3A_895] : memref<256xi32, #tpu.memory_space<vmem>>[vector<16xi32>], vector<16xi32>,
    %mul3A_902 = arith.constant 100 : i32
    %mul3A_903 = vector.broadcast %mul3A_902 : i32 to vector<16xi32>
    %mul3A_904 = arith.muli %gather3A_892, %mul3A_903 : vector<16xi32>
    %add3A_905 = arith.addi %mul3A_904, %gather3A_901 : vector<16xi32>
    %swap3A_906 = arith.constant 0 : i32
    %swap3A_907 = arith.constant 3 : i32
    %swap3A_908 = arith.index_cast %swap3A_906 : i32 to index
    %swap3A_909 = arith.index_cast %swap3A_907 : i32 to index
    %swap3A_910 = arith.constant 48 : index
    %swap3A_911 = tpu.vector_load %arg6[%swap3A_908, %swap3A_909, %swap3A_910] {strides = array<i32>} : memref<3x4x128xi32, #tpu.memory_space<vmem>>, vector<16xi32>,
    tpu.vector_store %arg6[%swap3A_908, %swap3A_909, %swap3A_910], %add3A_905 {strides = array<i32>} : memref<3x4x128xi32, #tpu.memory_space<vmem>>, vector<16xi32>,
    %mul3A_912 = arith.constant 2 : i32
    %mul3A_913 = vector.broadcast %mul3A_912 : i32 to vector<16xi32>
    %mul3A_914 = arith.muli %iota3A, %mul3A_913 : vector<16xi32>
    %add3A_915 = arith.constant 128 : i32
    %add3A_916 = vector.broadcast %add3A_915 : i32 to vector<16xi32>
    %add3A_917 = arith.addi %mul3A_914, %add3A_916 : vector<16xi32>
    %gather3A_918 = arith.constant 0 : i32
    %gather3A_919 = arith.constant 3 : i32
    %gather3A_920 = arith.constant 0 : i32
    %gather3A_921 = tpu.memref_slice %arg5[%gather3A_918, %gather3A_919, %gather3A_920] : memref<3x4x256xi32, #tpu.memory_space<vmem>> -> memref<1x1x256xi32, #tpu.memory_space<vmem>>
    %gather3A_922 = tpu.memref_squeeze %gather3A_921 : memref<1x1x256xi32, #tpu.memory_space<vmem>> -> memref<256xi32, #tpu.memory_space<vmem>>
    %gather3A_923 = tpu.vector_load_idx %gather3A_922[%add3A_917] : memref<256xi32, #tpu.memory_space<vmem>>[vector<16xi32>], vector<16xi32>,
    %add3A_924 = arith.constant 1 : i32
    %add3A_925 = vector.broadcast %add3A_924 : i32 to vector<16xi32>
    %add3A_926 = arith.addi %add3A_917, %add3A_925 : vector<16xi32>
    %gather3A_927 = arith.constant 0 : i32
    %gather3A_928 = arith.constant 3 : i32
    %gather3A_929 = arith.constant 0 : i32
    %gather3A_930 = tpu.memref_slice %arg5[%gather3A_927, %gather3A_928, %gather3A_929] : memref<3x4x256xi32, #tpu.memory_space<vmem>> -> memref<1x1x256xi32, #tpu.memory_space<vmem>>
    %gather3A_931 = tpu.memref_squeeze %gather3A_930 : memref<1x1x256xi32, #tpu.memory_space<vmem>> -> memref<256xi32, #tpu.memory_space<vmem>>
    %gather3A_932 = tpu.vector_load_idx %gather3A_931[%add3A_926] : memref<256xi32, #tpu.memory_space<vmem>>[vector<16xi32>], vector<16xi32>,
    %mul3A_933 = arith.constant 100 : i32
    %mul3A_934 = vector.broadcast %mul3A_933 : i32 to vector<16xi32>
    %mul3A_935 = arith.muli %gather3A_923, %mul3A_934 : vector<16xi32>
    %add3A_936 = arith.addi %mul3A_935, %gather3A_932 : vector<16xi32>
    %swap3A_937 = arith.constant 0 : i32
    %swap3A_938 = arith.constant 3 : i32
    %swap3A_939 = arith.index_cast %swap3A_937 : i32 to index
    %swap3A_940 = arith.index_cast %swap3A_938 : i32 to index
    %swap3A_941 = arith.constant 64 : index
    %swap3A_942 = tpu.vector_load %arg6[%swap3A_939, %swap3A_940, %swap3A_941] {strides = array<i32>} : memref<3x4x128xi32, #tpu.memory_space<vmem>>, vector<16xi32>,
    tpu.vector_store %arg6[%swap3A_939, %swap3A_940, %swap3A_941], %add3A_936 {strides = array<i32>} : memref<3x4x128xi32, #tpu.memory_space<vmem>>, vector<16xi32>,
    %mul3A_943 = arith.constant 2 : i32
    %mul3A_944 = vector.broadcast %mul3A_943 : i32 to vector<16xi32>
    %mul3A_945 = arith.muli %iota3A, %mul3A_944 : vector<16xi32>
    %add3A_946 = arith.constant 160 : i32
    %add3A_947 = vector.broadcast %add3A_946 : i32 to vector<16xi32>
    %add3A_948 = arith.addi %mul3A_945, %add3A_947 : vector<16xi32>
    %gather3A_949 = arith.constant 0 : i32
    %gather3A_950 = arith.constant 3 : i32
    %gather3A_951 = arith.constant 0 : i32
    %gather3A_952 = tpu.memref_slice %arg5[%gather3A_949, %gather3A_950, %gather3A_951] : memref<3x4x256xi32, #tpu.memory_space<vmem>> -> memref<1x1x256xi32, #tpu.memory_space<vmem>>
    %gather3A_953 = tpu.memref_squeeze %gather3A_952 : memref<1x1x256xi32, #tpu.memory_space<vmem>> -> memref<256xi32, #tpu.memory_space<vmem>>
    %gather3A_954 = tpu.vector_load_idx %gather3A_953[%add3A_948] : memref<256xi32, #tpu.memory_space<vmem>>[vector<16xi32>], vector<16xi32>,
    %add3A_955 = arith.constant 1 : i32
    %add3A_956 = vector.broadcast %add3A_955 : i32 to vector<16xi32>
    %add3A_957 = arith.addi %add3A_948, %add3A_956 : vector<16xi32>
    %gather3A_958 = arith.constant 0 : i32
    %gather3A_959 = arith.constant 3 : i32
    %gather3A_960 = arith.constant 0 : i32
    %gather3A_961 = tpu.memref_slice %arg5[%gather3A_958, %gather3A_959, %gather3A_960] : memref<3x4x256xi32, #tpu.memory_space<vmem>> -> memref<1x1x256xi32, #tpu.memory_space<vmem>>
    %gather3A_962 = tpu.memref_squeeze %gather3A_961 : memref<1x1x256xi32, #tpu.memory_space<vmem>> -> memref<256xi32, #tpu.memory_space<vmem>>
    %gather3A_963 = tpu.vector_load_idx %gather3A_962[%add3A_957] : memref<256xi32, #tpu.memory_space<vmem>>[vector<16xi32>], vector<16xi32>,
    %mul3A_964 = arith.constant 100 : i32
    %mul3A_965 = vector.broadcast %mul3A_964 : i32 to vector<16xi32>
    %mul3A_966 = arith.muli %gather3A_954, %mul3A_965 : vector<16xi32>
    %add3A_967 = arith.addi %mul3A_966, %gather3A_963 : vector<16xi32>
    %swap3A_968 = arith.constant 0 : i32
    %swap3A_969 = arith.constant 3 : i32
    %swap3A_970 = arith.index_cast %swap3A_968 : i32 to index
    %swap3A_971 = arith.index_cast %swap3A_969 : i32 to index
    %swap3A_972 = arith.constant 80 : index
    %swap3A_973 = tpu.vector_load %arg6[%swap3A_970, %swap3A_971, %swap3A_972] {strides = array<i32>} : memref<3x4x128xi32, #tpu.memory_space<vmem>>, vector<16xi32>,
    tpu.vector_store %arg6[%swap3A_970, %swap3A_971, %swap3A_972], %add3A_967 {strides = array<i32>} : memref<3x4x128xi32, #tpu.memory_space<vmem>>, vector<16xi32>,
    %mul3A_974 = arith.constant 2 : i32
    %mul3A_975 = vector.broadcast %mul3A_974 : i32 to vector<16xi32>
    %mul3A_976 = arith.muli %iota3A, %mul3A_975 : vector<16xi32>
    %add3A_977 = arith.constant 192 : i32
    %add3A_978 = vector.broadcast %add3A_977 : i32 to vector<16xi32>
    %add3A_979 = arith.addi %mul3A_976, %add3A_978 : vector<16xi32>
    %gather3A_980 = arith.constant 0 : i32
    %gather3A_981 = arith.constant 3 : i32
    %gather3A_982 = arith.constant 0 : i32
    %gather3A_983 = tpu.memref_slice %arg5[%gather3A_980, %gather3A_981, %gather3A_982] : memref<3x4x256xi32, #tpu.memory_space<vmem>> -> memref<1x1x256xi32, #tpu.memory_space<vmem>>
    %gather3A_984 = tpu.memref_squeeze %gather3A_983 : memref<1x1x256xi32, #tpu.memory_space<vmem>> -> memref<256xi32, #tpu.memory_space<vmem>>
    %gather3A_985 = tpu.vector_load_idx %gather3A_984[%add3A_979] : memref<256xi32, #tpu.memory_space<vmem>>[vector<16xi32>], vector<16xi32>,
    %add3A_986 = arith.constant 1 : i32
    %add3A_987 = vector.broadcast %add3A_986 : i32 to vector<16xi32>
    %add3A_988 = arith.addi %add3A_979, %add3A_987 : vector<16xi32>
    %gather3A_989 = arith.constant 0 : i32
    %gather3A_990 = arith.constant 3 : i32
    %gather3A_991 = arith.constant 0 : i32
    %gather3A_992 = tpu.memref_slice %arg5[%gather3A_989, %gather3A_990, %gather3A_991] : memref<3x4x256xi32, #tpu.memory_space<vmem>> -> memref<1x1x256xi32, #tpu.memory_space<vmem>>
    %gather3A_993 = tpu.memref_squeeze %gather3A_992 : memref<1x1x256xi32, #tpu.memory_space<vmem>> -> memref<256xi32, #tpu.memory_space<vmem>>
    %gather3A_994 = tpu.vector_load_idx %gather3A_993[%add3A_988] : memref<256xi32, #tpu.memory_space<vmem>>[vector<16xi32>], vector<16xi32>,
    %mul3A_995 = arith.constant 100 : i32
    %mul3A_996 = vector.broadcast %mul3A_995 : i32 to vector<16xi32>
    %mul3A_997 = arith.muli %gather3A_985, %mul3A_996 : vector<16xi32>
    %add3A_998 = arith.addi %mul3A_997, %gather3A_994 : vector<16xi32>
    %swap3A_999 = arith.constant 0 : i32
    %swap3A_1000 = arith.constant 3 : i32
    %swap3A_1001 = arith.index_cast %swap3A_999 : i32 to index
    %swap3A_1002 = arith.index_cast %swap3A_1000 : i32 to index
    %swap3A_1003 = arith.constant 96 : index
    %swap3A_1004 = tpu.vector_load %arg6[%swap3A_1001, %swap3A_1002, %swap3A_1003] {strides = array<i32>} : memref<3x4x128xi32, #tpu.memory_space<vmem>>, vector<16xi32>,
    tpu.vector_store %arg6[%swap3A_1001, %swap3A_1002, %swap3A_1003], %add3A_998 {strides = array<i32>} : memref<3x4x128xi32, #tpu.memory_space<vmem>>, vector<16xi32>,
    %mul3A_1005 = arith.constant 2 : i32
    %mul3A_1006 = vector.broadcast %mul3A_1005 : i32 to vector<16xi32>
    %mul3A_1007 = arith.muli %iota3A, %mul3A_1006 : vector<16xi32>
    %add3A_1008 = arith.constant 224 : i32
    %add3A_1009 = vector.broadcast %add3A_1008 : i32 to vector<16xi32>
    %add3A_1010 = arith.addi %mul3A_1007, %add3A_1009 : vector<16xi32>
    %gather3A_1011 = arith.constant 0 : i32
    %gather3A_1012 = arith.constant 3 : i32
    %gather3A_1013 = arith.constant 0 : i32
    %gather3A_1014 = tpu.memref_slice %arg5[%gather3A_1011, %gather3A_1012, %gather3A_1013] : memref<3x4x256xi32, #tpu.memory_space<vmem>> -> memref<1x1x256xi32, #tpu.memory_space<vmem>>
    %gather3A_1015 = tpu.memref_squeeze %gather3A_1014 : memref<1x1x256xi32, #tpu.memory_space<vmem>> -> memref<256xi32, #tpu.memory_space<vmem>>
    %gather3A_1016 = tpu.vector_load_idx %gather3A_1015[%add3A_1010] : memref<256xi32, #tpu.memory_space<vmem>>[vector<16xi32>], vector<16xi32>,
    %add3A_1017 = arith.constant 1 : i32
    %add3A_1018 = vector.broadcast %add3A_1017 : i32 to vector<16xi32>
    %add3A_1019 = arith.addi %add3A_1010, %add3A_1018 : vector<16xi32>
    %gather3A_1020 = arith.constant 0 : i32
    %gather3A_1021 = arith.constant 3 : i32
    %gather3A_1022 = arith.constant 0 : i32
    %gather3A_1023 = tpu.memref_slice %arg5[%gather3A_1020, %gather3A_1021, %gather3A_1022] : memref<3x4x256xi32, #tpu.memory_space<vmem>> -> memref<1x1x256xi32, #tpu.memory_space<vmem>>
    %gather3A_1024 = tpu.memref_squeeze %gather3A_1023 : memref<1x1x256xi32, #tpu.memory_space<vmem>> -> memref<256xi32, #tpu.memory_space<vmem>>
    %gather3A_1025 = tpu.vector_load_idx %gather3A_1024[%add3A_1019] : memref<256xi32, #tpu.memory_space<vmem>>[vector<16xi32>], vector<16xi32>,
    %mul3A_1026 = arith.constant 100 : i32
    %mul3A_1027 = vector.broadcast %mul3A_1026 : i32 to vector<16xi32>
    %mul3A_1028 = arith.muli %gather3A_1016, %mul3A_1027 : vector<16xi32>
    %add3A_1029 = arith.addi %mul3A_1028, %gather3A_1025 : vector<16xi32>
    %swap3A_1030 = arith.constant 0 : i32
    %swap3A_1031 = arith.constant 3 : i32
    %swap3A_1032 = arith.index_cast %swap3A_1030 : i32 to index
    %swap3A_1033 = arith.index_cast %swap3A_1031 : i32 to index
    %swap3A_1034 = arith.constant 112 : index
    %swap3A_1035 = tpu.vector_load %arg6[%swap3A_1032, %swap3A_1033, %swap3A_1034] {strides = array<i32>} : memref<3x4x128xi32, #tpu.memory_space<vmem>>, vector<16xi32>,
    tpu.vector_store %arg6[%swap3A_1032, %swap3A_1033, %swap3A_1034], %add3A_1029 {strides = array<i32>} : memref<3x4x128xi32, #tpu.memory_space<vmem>>, vector<16xi32>,
    %dma_start3A_1036 = arith.constant 0 : i32
    %dma_start3A_1037 = arith.constant 0 : i32
    %dma_start3A_1038 = arith.constant 0 : i32
    %dma_start3A_1039 = arith.constant 0 : i32
    %dma_start3A_1040 = arith.constant 0 : i32
    %dma_start3A_1041 = arith.constant 0 : i32
    %dma_start3A_1042 = tpu.memref_slice %arg7[%dma_start3A_1038, %dma_start3A_1039, %dma_start3A_1040, %dma_start3A_1041] : memref<2x4x128x72xf32, #tpu.memory_space<vmem>> -> memref<1x1x128x72xf32, #tpu.memory_space<vmem>>
    %dma_start3A_1043 = tpu.memref_squeeze %dma_start3A_1042 : memref<1x1x128x72xf32, #tpu.memory_space<vmem>> -> memref<128x72xf32, #tpu.memory_space<vmem>>
    %dma_start3A_1044 = arith.constant 0 : i32
    %dma_start3A_1045 = tpu.memref_slice %arg6[%dma_start3A_1036, %dma_start3A_1037, %dma_start3A_1044] : memref<3x4x128xi32, #tpu.memory_space<vmem>> -> memref<1x1x128xi32, #tpu.memory_space<vmem>>
    %dma_start3A_1046 = tpu.memref_squeeze %dma_start3A_1045 : memref<1x1x128xi32, #tpu.memory_space<vmem>> -> memref<128xi32, #tpu.memory_space<vmem>>
    %dma_start3A_1047 = arith.constant 0 : i32
    %dma_start3A_1048 = arith.constant 0 : i32
    %dma_start3A_1049 = tpu.memref_slice %arg3[%dma_start3A_1047, %dma_start3A_1048] : memref<10000x72xf32, #tpu.memory_space<hbm>> -> memref<10000x72xf32, #tpu.memory_space<hbm>>
    tpu.enqueue_indirect_dma source(%dma_start3A_1049 : memref<10000x72xf32, #tpu.memory_space<hbm>>) target(%dma_start3A_1043 : memref<128x72xf32, #tpu.memory_space<vmem>>) offsets(%dma_start3A_1046 : memref<128xi32, #tpu.memory_space<vmem>>) semaphore(%arg9 : memref<!tpu.dma_semaphore, #tpu.memory_space<semaphore_mem>>)
    %dma_start3A_1050 = arith.constant 0 : i32
    %dma_start3A_1051 = arith.constant 1 : i32
    %dma_start3A_1052 = arith.constant 0 : i32
    %dma_start3A_1053 = arith.constant 1 : i32
    %dma_start3A_1054 = arith.constant 0 : i32
    %dma_start3A_1055 = arith.constant 0 : i32
    %dma_start3A_1056 = tpu.memref_slice %arg7[%dma_start3A_1052, %dma_start3A_1053, %dma_start3A_1054, %dma_start3A_1055] : memref<2x4x128x72xf32, #tpu.memory_space<vmem>> -> memref<1x1x128x72xf32, #tpu.memory_space<vmem>>
    %dma_start3A_1057 = tpu.memref_squeeze %dma_start3A_1056 : memref<1x1x128x72xf32, #tpu.memory_space<vmem>> -> memref<128x72xf32, #tpu.memory_space<vmem>>
    %dma_start3A_1058 = arith.constant 0 : i32
    %dma_start3A_1059 = tpu.memref_slice %arg6[%dma_start3A_1050, %dma_start3A_1051, %dma_start3A_1058] : memref<3x4x128xi32, #tpu.memory_space<vmem>> -> memref<1x1x128xi32, #tpu.memory_space<vmem>>
    %dma_start3A_1060 = tpu.memref_squeeze %dma_start3A_1059 : memref<1x1x128xi32, #tpu.memory_space<vmem>> -> memref<128xi32, #tpu.memory_space<vmem>>
    %dma_start3A_1061 = arith.constant 0 : i32
    %dma_start3A_1062 = arith.constant 0 : i32
    %dma_start3A_1063 = tpu.memref_slice %arg3[%dma_start3A_1061, %dma_start3A_1062] : memref<10000x72xf32, #tpu.memory_space<hbm>> -> memref<10000x72xf32, #tpu.memory_space<hbm>>
    tpu.enqueue_indirect_dma source(%dma_start3A_1063 : memref<10000x72xf32, #tpu.memory_space<hbm>>) target(%dma_start3A_1057 : memref<128x72xf32, #tpu.memory_space<vmem>>) offsets(%dma_start3A_1060 : memref<128xi32, #tpu.memory_space<vmem>>) semaphore(%arg9 : memref<!tpu.dma_semaphore, #tpu.memory_space<semaphore_mem>>)
    %dma_start3A_1064 = arith.constant 0 : i32
    %dma_start3A_1065 = arith.constant 2 : i32
    %dma_start3A_1066 = arith.constant 0 : i32
    %dma_start3A_1067 = arith.constant 2 : i32
    %dma_start3A_1068 = arith.constant 0 : i32
    %dma_start3A_1069 = arith.constant 0 : i32
    %dma_start3A_1070 = tpu.memref_slice %arg7[%dma_start3A_1066, %dma_start3A_1067, %dma_start3A_1068, %dma_start3A_1069] : memref<2x4x128x72xf32, #tpu.memory_space<vmem>> -> memref<1x1x128x72xf32, #tpu.memory_space<vmem>>
    %dma_start3A_1071 = tpu.memref_squeeze %dma_start3A_1070 : memref<1x1x128x72xf32, #tpu.memory_space<vmem>> -> memref<128x72xf32, #tpu.memory_space<vmem>>
    %dma_start3A_1072 = arith.constant 0 : i32
    %dma_start3A_1073 = tpu.memref_slice %arg6[%dma_start3A_1064, %dma_start3A_1065, %dma_start3A_1072] : memref<3x4x128xi32, #tpu.memory_space<vmem>> -> memref<1x1x128xi32, #tpu.memory_space<vmem>>
    %dma_start3A_1074 = tpu.memref_squeeze %dma_start3A_1073 : memref<1x1x128xi32, #tpu.memory_space<vmem>> -> memref<128xi32, #tpu.memory_space<vmem>>
    %dma_start3A_1075 = arith.constant 0 : i32
    %dma_start3A_1076 = arith.constant 0 : i32
    %dma_start3A_1077 = tpu.memref_slice %arg3[%dma_start3A_1075, %dma_start3A_1076] : memref<10000x72xf32, #tpu.memory_space<hbm>> -> memref<10000x72xf32, #tpu.memory_space<hbm>>
    tpu.enqueue_indirect_dma source(%dma_start3A_1077 : memref<10000x72xf32, #tpu.memory_space<hbm>>) target(%dma_start3A_1071 : memref<128x72xf32, #tpu.memory_space<vmem>>) offsets(%dma_start3A_1074 : memref<128xi32, #tpu.memory_space<vmem>>) semaphore(%arg9 : memref<!tpu.dma_semaphore, #tpu.memory_space<semaphore_mem>>)
    %dma_start3A_1078 = arith.constant 0 : i32
    %dma_start3A_1079 = arith.constant 3 : i32
    %dma_start3A_1080 = arith.constant 0 : i32
    %dma_start3A_1081 = arith.constant 3 : i32
    %dma_start3A_1082 = arith.constant 0 : i32
    %dma_start3A_1083 = arith.constant 0 : i32
    %dma_start3A_1084 = tpu.memref_slice %arg7[%dma_start3A_1080, %dma_start3A_1081, %dma_start3A_1082, %dma_start3A_1083] : memref<2x4x128x72xf32, #tpu.memory_space<vmem>> -> memref<1x1x128x72xf32, #tpu.memory_space<vmem>>
    %dma_start3A_1085 = tpu.memref_squeeze %dma_start3A_1084 : memref<1x1x128x72xf32, #tpu.memory_space<vmem>> -> memref<128x72xf32, #tpu.memory_space<vmem>>
    %dma_start3A_1086 = arith.constant 0 : i32
    %dma_start3A_1087 = tpu.memref_slice %arg6[%dma_start3A_1078, %dma_start3A_1079, %dma_start3A_1086] : memref<3x4x128xi32, #tpu.memory_space<vmem>> -> memref<1x1x128xi32, #tpu.memory_space<vmem>>
    %dma_start3A_1088 = tpu.memref_squeeze %dma_start3A_1087 : memref<1x1x128xi32, #tpu.memory_space<vmem>> -> memref<128xi32, #tpu.memory_space<vmem>>
    %dma_start3A_1089 = arith.constant 0 : i32
    %dma_start3A_1090 = arith.constant 0 : i32
    %dma_start3A_1091 = tpu.memref_slice %arg3[%dma_start3A_1089, %dma_start3A_1090] : memref<10000x72xf32, #tpu.memory_space<hbm>> -> memref<10000x72xf32, #tpu.memory_space<hbm>>
    tpu.enqueue_indirect_dma source(%dma_start3A_1091 : memref<10000x72xf32, #tpu.memory_space<hbm>>) target(%dma_start3A_1085 : memref<128x72xf32, #tpu.memory_space<vmem>>) offsets(%dma_start3A_1088 : memref<128xi32, #tpu.memory_space<vmem>>) semaphore(%arg9 : memref<!tpu.dma_semaphore, #tpu.memory_space<semaphore_mem>>)
    %scan3A = arith.constant 0 : i32
    %scan3A_1092 = arith.constant 1 : i32
    %scan3A_1093 = arith.constant 99 : i32
    %scan3A_1094 = arith.addi %scan3A_1092, %scan3A_1093 : i32
    %scan3A_1095 = arith.constant 1 : i32
    scf.for %scan3A_1173 = %scan3A_1092 to %scan3A_1094 step %scan3A_1095  : i32 {
      %jit3A = arith.constant 3 : i32
      %eq3A = arith.constant 0 : i32
      %eq3A_1174 = arith.cmpi eq, %jit3A, %eq3A : i32
      %jit3A_1175 = arith.constant 1 : i32
      %select_n3A = arith.select %eq3A_1174, %jit3A_1175, %jit3A : i32
      %rem3A = arith.remsi %scan3A_1173, %select_n3A : i32
      %ne3A = arith.constant 0 : i32
      %ne3A_1176 = arith.cmpi ne, %rem3A, %ne3A : i32
      %lt3A = arith.constant 0 : i32
      %lt3A_1177 = arith.cmpi slt, %rem3A, %lt3A : i32
      %lt3A_1178 = arith.constant 0 : i32
      %lt3A_1179 = arith.cmpi slt, %select_n3A, %lt3A_1178 : i32
      %ne3A_1180 = arith.xori %lt3A_1177, %lt3A_1179 : i1
      %and3A = arith.andi %ne3A_1180, %ne3A_1176 : i1
      %add3A_1181 = arith.addi %rem3A, %select_n3A : i32
      %select_n3A_1182 = arith.select %and3A, %add3A_1181, %rem3A : i32
      %jit3A_1183 = arith.constant 2 : i32
      %eq3A_1184 = arith.constant 0 : i32
      %eq3A_1185 = arith.cmpi eq, %jit3A_1183, %eq3A_1184 : i32
      %jit3A_1186 = arith.constant 1 : i32
      %select_n3A_1187 = arith.select %eq3A_1185, %jit3A_1186, %jit3A_1183 : i32
      %rem3A_1188 = arith.remsi %scan3A_1173, %select_n3A_1187 : i32
      %ne3A_1189 = arith.constant 0 : i32
      %ne3A_1190 = arith.cmpi ne, %rem3A_1188, %ne3A_1189 : i32
      %lt3A_1191 = arith.constant 0 : i32
      %lt3A_1192 = arith.cmpi slt, %rem3A_1188, %lt3A_1191 : i32
      %lt3A_1193 = arith.constant 0 : i32
      %lt3A_1194 = arith.cmpi slt, %select_n3A_1187, %lt3A_1193 : i32
      %ne3A_1195 = arith.xori %lt3A_1192, %lt3A_1194 : i1
      %and3A_1196 = arith.andi %ne3A_1195, %ne3A_1190 : i1
      %add3A_1197 = arith.addi %rem3A_1188, %select_n3A_1187 : i32
      %select_n3A_1198 = arith.select %and3A_1196, %add3A_1197, %rem3A_1188 : i32
      %sub3A = arith.constant 1 : i32
      %sub3A_1199 = arith.subi %scan3A_1173, %sub3A : i32
      %jit3A_1200 = arith.constant 2 : i32
      %eq3A_1201 = arith.constant 0 : i32
      %eq3A_1202 = arith.cmpi eq, %jit3A_1200, %eq3A_1201 : i32
      %jit3A_1203 = arith.constant 1 : i32
      %select_n3A_1204 = arith.select %eq3A_1202, %jit3A_1203, %jit3A_1200 : i32
      %rem3A_1205 = arith.remsi %sub3A_1199, %select_n3A_1204 : i32
      %ne3A_1206 = arith.constant 0 : i32
      %ne3A_1207 = arith.cmpi ne, %rem3A_1205, %ne3A_1206 : i32
      %lt3A_1208 = arith.constant 0 : i32
      %lt3A_1209 = arith.cmpi slt, %rem3A_1205, %lt3A_1208 : i32
      %lt3A_1210 = arith.constant 0 : i32
      %lt3A_1211 = arith.cmpi slt, %select_n3A_1204, %lt3A_1210 : i32
      %ne3A_1212 = arith.xori %lt3A_1209, %lt3A_1211 : i1
      %and3A_1213 = arith.andi %ne3A_1212, %ne3A_1207 : i1
      %add3A_1214 = arith.addi %rem3A_1205, %select_n3A_1204 : i32
      %select_n3A_1215 = arith.select %and3A_1213, %add3A_1214, %rem3A_1205 : i32
      %mul3A_1216 = arith.constant 4 : i32
      %mul3A_1217 = arith.muli %scan3A_1173, %mul3A_1216 : i32
      %add3A_1218 = arith.addi %mul3A_2, %mul3A_1217 : i32
      %dma_wait3A_1219 = arith.constant 0 : i32
      %dma_wait3A_1220 = arith.constant 0 : i32
      %dma_wait3A_1221 = tpu.memref_slice %arg5[%select_n3A_1182, %dma_wait3A_1219, %dma_wait3A_1220] : memref<3x4x256xi32, #tpu.memory_space<vmem>> -> memref<1x4x256xi32, #tpu.memory_space<vmem>>
      %dma_wait3A_1222 = tpu.memref_squeeze %dma_wait3A_1221 : memref<1x4x256xi32, #tpu.memory_space<vmem>> -> memref<4x256xi32, #tpu.memory_space<vmem>>
      %dma_wait3A_1223 = arith.constant 0 : i32
      %dma_wait3A_1224 = tpu.memref_slice %arg2[%add3A_1218, %dma_wait3A_1223] : memref<12800x256xi32, #tpu.memory_space<hbm>> -> memref<4x256xi32, #tpu.memory_space<hbm>>
      %dma_wait3A_1225 = arith.constant 0 : i32
      %dma_wait3A_1226 = arith.constant 0 : i32
      %dma_wait3A_1227 = tpu.memref_slice %arg5[%select_n3A_1182, %dma_wait3A_1225, %dma_wait3A_1226] : memref<3x4x256xi32, #tpu.memory_space<vmem>> -> memref<1x4x256xi32, #tpu.memory_space<vmem>>
      %dma_wait3A_1228 = tpu.memref_squeeze %dma_wait3A_1227 : memref<1x4x256xi32, #tpu.memory_space<vmem>> -> memref<4x256xi32, #tpu.memory_space<vmem>>
      %dma_wait3A_1229 = arith.constant 0 : i32
      %dma_wait3A_1230 = tpu.memref_slice %arg2[%add3A_1218, %dma_wait3A_1229] : memref<12800x256xi32, #tpu.memory_space<hbm>> -> memref<4x256xi32, #tpu.memory_space<hbm>>
      tpu.wait_dma2 semaphore(%arg8 : memref<!tpu.dma_semaphore, #tpu.memory_space<semaphore_mem>>) src(%dma_wait3A_1230 : memref<4x256xi32, #tpu.memory_space<hbm>>) dst(%dma_wait3A_1228 : memref<4x256xi32, #tpu.memory_space<vmem>>)
      %mul3A_1231 = arith.constant 2 : i32
      %mul3A_1232 = vector.broadcast %mul3A_1231 : i32 to vector<16xi32>
      %mul3A_1233 = arith.muli %iota3A, %mul3A_1232 : vector<16xi32>
      %add3A_1234 = arith.constant 0 : i32
      %add3A_1235 = vector.broadcast %add3A_1234 : i32 to vector<16xi32>
      %add3A_1236 = arith.addi %mul3A_1233, %add3A_1235 : vector<16xi32>
      %gather3A_1237 = arith.constant 0 : i32
      %gather3A_1238 = arith.constant 0 : i32
      %gather3A_1239 = tpu.memref_slice %arg5[%select_n3A_1182, %gather3A_1237, %gather3A_1238] : memref<3x4x256xi32, #tpu.memory_space<vmem>> -> memref<1x1x256xi32, #tpu.memory_space<vmem>>
      %gather3A_1240 = tpu.memref_squeeze %gather3A_1239 : memref<1x1x256xi32, #tpu.memory_space<vmem>> -> memref<256xi32, #tpu.memory_space<vmem>>
      %gather3A_1241 = tpu.vector_load_idx %gather3A_1240[%add3A_1236] : memref<256xi32, #tpu.memory_space<vmem>>[vector<16xi32>], vector<16xi32>,
      %add3A_1242 = arith.constant 1 : i32
      %add3A_1243 = vector.broadcast %add3A_1242 : i32 to vector<16xi32>
      %add3A_1244 = arith.addi %add3A_1236, %add3A_1243 : vector<16xi32>
      %gather3A_1245 = arith.constant 0 : i32
      %gather3A_1246 = arith.constant 0 : i32
      %gather3A_1247 = tpu.memref_slice %arg5[%select_n3A_1182, %gather3A_1245, %gather3A_1246] : memref<3x4x256xi32, #tpu.memory_space<vmem>> -> memref<1x1x256xi32, #tpu.memory_space<vmem>>
      %gather3A_1248 = tpu.memref_squeeze %gather3A_1247 : memref<1x1x256xi32, #tpu.memory_space<vmem>> -> memref<256xi32, #tpu.memory_space<vmem>>
      %gather3A_1249 = tpu.vector_load_idx %gather3A_1248[%add3A_1244] : memref<256xi32, #tpu.memory_space<vmem>>[vector<16xi32>], vector<16xi32>,
      %mul3A_1250 = arith.constant 100 : i32
      %mul3A_1251 = vector.broadcast %mul3A_1250 : i32 to vector<16xi32>
      %mul3A_1252 = arith.muli %gather3A_1241, %mul3A_1251 : vector<16xi32>
      %add3A_1253 = arith.addi %mul3A_1252, %gather3A_1249 : vector<16xi32>
      %swap3A_1254 = arith.constant 0 : i32
      %swap3A_1255 = arith.index_cast %select_n3A_1182 : i32 to index
      %swap3A_1256 = arith.index_cast %swap3A_1254 : i32 to index
      %swap3A_1257 = arith.constant 0 : index
      %swap3A_1258 = tpu.vector_load %arg6[%swap3A_1255, %swap3A_1256, %swap3A_1257] {strides = array<i32>} : memref<3x4x128xi32, #tpu.memory_space<vmem>>, vector<16xi32>,
      tpu.vector_store %arg6[%swap3A_1255, %swap3A_1256, %swap3A_1257], %add3A_1253 {strides = array<i32>} : memref<3x4x128xi32, #tpu.memory_space<vmem>>, vector<16xi32>,
      %mul3A_1259 = arith.constant 2 : i32
      %mul3A_1260 = vector.broadcast %mul3A_1259 : i32 to vector<16xi32>
      %mul3A_1261 = arith.muli %iota3A, %mul3A_1260 : vector<16xi32>
      %add3A_1262 = arith.constant 32 : i32
      %add3A_1263 = vector.broadcast %add3A_1262 : i32 to vector<16xi32>
      %add3A_1264 = arith.addi %mul3A_1261, %add3A_1263 : vector<16xi32>
      %gather3A_1265 = arith.constant 0 : i32
      %gather3A_1266 = arith.constant 0 : i32
      %gather3A_1267 = tpu.memref_slice %arg5[%select_n3A_1182, %gather3A_1265, %gather3A_1266] : memref<3x4x256xi32, #tpu.memory_space<vmem>> -> memref<1x1x256xi32, #tpu.memory_space<vmem>>
      %gather3A_1268 = tpu.memref_squeeze %gather3A_1267 : memref<1x1x256xi32, #tpu.memory_space<vmem>> -> memref<256xi32, #tpu.memory_space<vmem>>
      %gather3A_1269 = tpu.vector_load_idx %gather3A_1268[%add3A_1264] : memref<256xi32, #tpu.memory_space<vmem>>[vector<16xi32>], vector<16xi32>,
      %add3A_1270 = arith.constant 1 : i32
      %add3A_1271 = vector.broadcast %add3A_1270 : i32 to vector<16xi32>
      %add3A_1272 = arith.addi %add3A_1264, %add3A_1271 : vector<16xi32>
      %gather3A_1273 = arith.constant 0 : i32
      %gather3A_1274 = arith.constant 0 : i32
      %gather3A_1275 = tpu.memref_slice %arg5[%select_n3A_1182, %gather3A_1273, %gather3A_1274] : memref<3x4x256xi32, #tpu.memory_space<vmem>> -> memref<1x1x256xi32, #tpu.memory_space<vmem>>
      %gather3A_1276 = tpu.memref_squeeze %gather3A_1275 : memref<1x1x256xi32, #tpu.memory_space<vmem>> -> memref<256xi32, #tpu.memory_space<vmem>>
      %gather3A_1277 = tpu.vector_load_idx %gather3A_1276[%add3A_1272] : memref<256xi32, #tpu.memory_space<vmem>>[vector<16xi32>], vector<16xi32>,
      %mul3A_1278 = arith.constant 100 : i32
      %mul3A_1279 = vector.broadcast %mul3A_1278 : i32 to vector<16xi32>
      %mul3A_1280 = arith.muli %gather3A_1269, %mul3A_1279 : vector<16xi32>
      %add3A_1281 = arith.addi %mul3A_1280, %gather3A_1277 : vector<16xi32>
      %swap3A_1282 = arith.constant 0 : i32
      %swap3A_1283 = arith.index_cast %select_n3A_1182 : i32 to index
      %swap3A_1284 = arith.index_cast %swap3A_1282 : i32 to index
      %swap3A_1285 = arith.constant 16 : index
      %swap3A_1286 = tpu.vector_load %arg6[%swap3A_1283, %swap3A_1284, %swap3A_1285] {strides = array<i32>} : memref<3x4x128xi32, #tpu.memory_space<vmem>>, vector<16xi32>,
      tpu.vector_store %arg6[%swap3A_1283, %swap3A_1284, %swap3A_1285], %add3A_1281 {strides = array<i32>} : memref<3x4x128xi32, #tpu.memory_space<vmem>>, vector<16xi32>,
      %mul3A_1287 = arith.constant 2 : i32
      %mul3A_1288 = vector.broadcast %mul3A_1287 : i32 to vector<16xi32>
      %mul3A_1289 = arith.muli %iota3A, %mul3A_1288 : vector<16xi32>
      %add3A_1290 = arith.constant 64 : i32
      %add3A_1291 = vector.broadcast %add3A_1290 : i32 to vector<16xi32>
      %add3A_1292 = arith.addi %mul3A_1289, %add3A_1291 : vector<16xi32>
      %gather3A_1293 = arith.constant 0 : i32
      %gather3A_1294 = arith.constant 0 : i32
      %gather3A_1295 = tpu.memref_slice %arg5[%select_n3A_1182, %gather3A_1293, %gather3A_1294] : memref<3x4x256xi32, #tpu.memory_space<vmem>> -> memref<1x1x256xi32, #tpu.memory_space<vmem>>
      %gather3A_1296 = tpu.memref_squeeze %gather3A_1295 : memref<1x1x256xi32, #tpu.memory_space<vmem>> -> memref<256xi32, #tpu.memory_space<vmem>>
      %gather3A_1297 = tpu.vector_load_idx %gather3A_1296[%add3A_1292] : memref<256xi32, #tpu.memory_space<vmem>>[vector<16xi32>], vector<16xi32>,
      %add3A_1298 = arith.constant 1 : i32
      %add3A_1299 = vector.broadcast %add3A_1298 : i32 to vector<16xi32>
      %add3A_1300 = arith.addi %add3A_1292, %add3A_1299 : vector<16xi32>
      %gather3A_1301 = arith.constant 0 : i32
      %gather3A_1302 = arith.constant 0 : i32
      %gather3A_1303 = tpu.memref_slice %arg5[%select_n3A_1182, %gather3A_1301, %gather3A_1302] : memref<3x4x256xi32, #tpu.memory_space<vmem>> -> memref<1x1x256xi32, #tpu.memory_space<vmem>>
      %gather3A_1304 = tpu.memref_squeeze %gather3A_1303 : memref<1x1x256xi32, #tpu.memory_space<vmem>> -> memref<256xi32, #tpu.memory_space<vmem>>
      %gather3A_1305 = tpu.vector_load_idx %gather3A_1304[%add3A_1300] : memref<256xi32, #tpu.memory_space<vmem>>[vector<16xi32>], vector<16xi32>,
      %mul3A_1306 = arith.constant 100 : i32
      %mul3A_1307 = vector.broadcast %mul3A_1306 : i32 to vector<16xi32>
      %mul3A_1308 = arith.muli %gather3A_1297, %mul3A_1307 : vector<16xi32>
      %add3A_1309 = arith.addi %mul3A_1308, %gather3A_1305 : vector<16xi32>
      %swap3A_1310 = arith.constant 0 : i32
      %swap3A_1311 = arith.index_cast %select_n3A_1182 : i32 to index
      %swap3A_1312 = arith.index_cast %swap3A_1310 : i32 to index
      %swap3A_1313 = arith.constant 32 : index
      %swap3A_1314 = tpu.vector_load %arg6[%swap3A_1311, %swap3A_1312, %swap3A_1313] {strides = array<i32>} : memref<3x4x128xi32, #tpu.memory_space<vmem>>, vector<16xi32>,
      tpu.vector_store %arg6[%swap3A_1311, %swap3A_1312, %swap3A_1313], %add3A_1309 {strides = array<i32>} : memref<3x4x128xi32, #tpu.memory_space<vmem>>, vector<16xi32>,
      %mul3A_1315 = arith.constant 2 : i32
      %mul3A_1316 = vector.broadcast %mul3A_1315 : i32 to vector<16xi32>
      %mul3A_1317 = arith.muli %iota3A, %mul3A_1316 : vector<16xi32>
      %add3A_1318 = arith.constant 96 : i32
      %add3A_1319 = vector.broadcast %add3A_1318 : i32 to vector<16xi32>
      %add3A_1320 = arith.addi %mul3A_1317, %add3A_1319 : vector<16xi32>
      %gather3A_1321 = arith.constant 0 : i32
      %gather3A_1322 = arith.constant 0 : i32
      %gather3A_1323 = tpu.memref_slice %arg5[%select_n3A_1182, %gather3A_1321, %gather3A_1322] : memref<3x4x256xi32, #tpu.memory_space<vmem>> -> memref<1x1x256xi32, #tpu.memory_space<vmem>>
      %gather3A_1324 = tpu.memref_squeeze %gather3A_1323 : memref<1x1x256xi32, #tpu.memory_space<vmem>> -> memref<256xi32, #tpu.memory_space<vmem>>
      %gather3A_1325 = tpu.vector_load_idx %gather3A_1324[%add3A_1320] : memref<256xi32, #tpu.memory_space<vmem>>[vector<16xi32>], vector<16xi32>,
      %add3A_1326 = arith.constant 1 : i32
      %add3A_1327 = vector.broadcast %add3A_1326 : i32 to vector<16xi32>
      %add3A_1328 = arith.addi %add3A_1320, %add3A_1327 : vector<16xi32>
      %gather3A_1329 = arith.constant 0 : i32
      %gather3A_1330 = arith.constant 0 : i32
      %gather3A_1331 = tpu.memref_slice %arg5[%select_n3A_1182, %gather3A_1329, %gather3A_1330] : memref<3x4x256xi32, #tpu.memory_space<vmem>> -> memref<1x1x256xi32, #tpu.memory_space<vmem>>
      %gather3A_1332 = tpu.memref_squeeze %gather3A_1331 : memref<1x1x256xi32, #tpu.memory_space<vmem>> -> memref<256xi32, #tpu.memory_space<vmem>>
      %gather3A_1333 = tpu.vector_load_idx %gather3A_1332[%add3A_1328] : memref<256xi32, #tpu.memory_space<vmem>>[vector<16xi32>], vector<16xi32>,
      %mul3A_1334 = arith.constant 100 : i32
      %mul3A_1335 = vector.broadcast %mul3A_1334 : i32 to vector<16xi32>
      %mul3A_1336 = arith.muli %gather3A_1325, %mul3A_1335 : vector<16xi32>
      %add3A_1337 = arith.addi %mul3A_1336, %gather3A_1333 : vector<16xi32>
      %swap3A_1338 = arith.constant 0 : i32
      %swap3A_1339 = arith.index_cast %select_n3A_1182 : i32 to index
      %swap3A_1340 = arith.index_cast %swap3A_1338 : i32 to index
      %swap3A_1341 = arith.constant 48 : index
      %swap3A_1342 = tpu.vector_load %arg6[%swap3A_1339, %swap3A_1340, %swap3A_1341] {strides = array<i32>} : memref<3x4x128xi32, #tpu.memory_space<vmem>>, vector<16xi32>,
      tpu.vector_store %arg6[%swap3A_1339, %swap3A_1340, %swap3A_1341], %add3A_1337 {strides = array<i32>} : memref<3x4x128xi32, #tpu.memory_space<vmem>>, vector<16xi32>,
      %mul3A_1343 = arith.constant 2 : i32
      %mul3A_1344 = vector.broadcast %mul3A_1343 : i32 to vector<16xi32>
      %mul3A_1345 = arith.muli %iota3A, %mul3A_1344 : vector<16xi32>
      %add3A_1346 = arith.constant 128 : i32
      %add3A_1347 = vector.broadcast %add3A_1346 : i32 to vector<16xi32>
      %add3A_1348 = arith.addi %mul3A_1345, %add3A_1347 : vector<16xi32>
      %gather3A_1349 = arith.constant 0 : i32
      %gather3A_1350 = arith.constant 0 : i32
      %gather3A_1351 = tpu.memref_slice %arg5[%select_n3A_1182, %gather3A_1349, %gather3A_1350] : memref<3x4x256xi32, #tpu.memory_space<vmem>> -> memref<1x1x256xi32, #tpu.memory_space<vmem>>
      %gather3A_1352 = tpu.memref_squeeze %gather3A_1351 : memref<1x1x256xi32, #tpu.memory_space<vmem>> -> memref<256xi32, #tpu.memory_space<vmem>>
      %gather3A_1353 = tpu.vector_load_idx %gather3A_1352[%add3A_1348] : memref<256xi32, #tpu.memory_space<vmem>>[vector<16xi32>], vector<16xi32>,
      %add3A_1354 = arith.constant 1 : i32
      %add3A_1355 = vector.broadcast %add3A_1354 : i32 to vector<16xi32>
      %add3A_1356 = arith.addi %add3A_1348, %add3A_1355 : vector<16xi32>
      %gather3A_1357 = arith.constant 0 : i32
      %gather3A_1358 = arith.constant 0 : i32
      %gather3A_1359 = tpu.memref_slice %arg5[%select_n3A_1182, %gather3A_1357, %gather3A_1358] : memref<3x4x256xi32, #tpu.memory_space<vmem>> -> memref<1x1x256xi32, #tpu.memory_space<vmem>>
      %gather3A_1360 = tpu.memref_squeeze %gather3A_1359 : memref<1x1x256xi32, #tpu.memory_space<vmem>> -> memref<256xi32, #tpu.memory_space<vmem>>
      %gather3A_1361 = tpu.vector_load_idx %gather3A_1360[%add3A_1356] : memref<256xi32, #tpu.memory_space<vmem>>[vector<16xi32>], vector<16xi32>,
      %mul3A_1362 = arith.constant 100 : i32
      %mul3A_1363 = vector.broadcast %mul3A_1362 : i32 to vector<16xi32>
      %mul3A_1364 = arith.muli %gather3A_1353, %mul3A_1363 : vector<16xi32>
      %add3A_1365 = arith.addi %mul3A_1364, %gather3A_1361 : vector<16xi32>
      %swap3A_1366 = arith.constant 0 : i32
      %swap3A_1367 = arith.index_cast %select_n3A_1182 : i32 to index
      %swap3A_1368 = arith.index_cast %swap3A_1366 : i32 to index
      %swap3A_1369 = arith.constant 64 : index
      %swap3A_1370 = tpu.vector_load %arg6[%swap3A_1367, %swap3A_1368, %swap3A_1369] {strides = array<i32>} : memref<3x4x128xi32, #tpu.memory_space<vmem>>, vector<16xi32>,
      tpu.vector_store %arg6[%swap3A_1367, %swap3A_1368, %swap3A_1369], %add3A_1365 {strides = array<i32>} : memref<3x4x128xi32, #tpu.memory_space<vmem>>, vector<16xi32>,
      %mul3A_1371 = arith.constant 2 : i32
      %mul3A_1372 = vector.broadcast %mul3A_1371 : i32 to vector<16xi32>
      %mul3A_1373 = arith.muli %iota3A, %mul3A_1372 : vector<16xi32>
      %add3A_1374 = arith.constant 160 : i32
      %add3A_1375 = vector.broadcast %add3A_1374 : i32 to vector<16xi32>
      %add3A_1376 = arith.addi %mul3A_1373, %add3A_1375 : vector<16xi32>
      %gather3A_1377 = arith.constant 0 : i32
      %gather3A_1378 = arith.constant 0 : i32
      %gather3A_1379 = tpu.memref_slice %arg5[%select_n3A_1182, %gather3A_1377, %gather3A_1378] : memref<3x4x256xi32, #tpu.memory_space<vmem>> -> memref<1x1x256xi32, #tpu.memory_space<vmem>>
      %gather3A_1380 = tpu.memref_squeeze %gather3A_1379 : memref<1x1x256xi32, #tpu.memory_space<vmem>> -> memref<256xi32, #tpu.memory_space<vmem>>
      %gather3A_1381 = tpu.vector_load_idx %gather3A_1380[%add3A_1376] : memref<256xi32, #tpu.memory_space<vmem>>[vector<16xi32>], vector<16xi32>,
      %add3A_1382 = arith.constant 1 : i32
      %add3A_1383 = vector.broadcast %add3A_1382 : i32 to vector<16xi32>
      %add3A_1384 = arith.addi %add3A_1376, %add3A_1383 : vector<16xi32>
      %gather3A_1385 = arith.constant 0 : i32
      %gather3A_1386 = arith.constant 0 : i32
      %gather3A_1387 = tpu.memref_slice %arg5[%select_n3A_1182, %gather3A_1385, %gather3A_1386] : memref<3x4x256xi32, #tpu.memory_space<vmem>> -> memref<1x1x256xi32, #tpu.memory_space<vmem>>
      %gather3A_1388 = tpu.memref_squeeze %gather3A_1387 : memref<1x1x256xi32, #tpu.memory_space<vmem>> -> memref<256xi32, #tpu.memory_space<vmem>>
      %gather3A_1389 = tpu.vector_load_idx %gather3A_1388[%add3A_1384] : memref<256xi32, #tpu.memory_space<vmem>>[vector<16xi32>], vector<16xi32>,
      %mul3A_1390 = arith.constant 100 : i32
      %mul3A_1391 = vector.broadcast %mul3A_1390 : i32 to vector<16xi32>
      %mul3A_1392 = arith.muli %gather3A_1381, %mul3A_1391 : vector<16xi32>
      %add3A_1393 = arith.addi %mul3A_1392, %gather3A_1389 : vector<16xi32>
      %swap3A_1394 = arith.constant 0 : i32
      %swap3A_1395 = arith.index_cast %select_n3A_1182 : i32 to index
      %swap3A_1396 = arith.index_cast %swap3A_1394 : i32 to index
      %swap3A_1397 = arith.constant 80 : index
      %swap3A_1398 = tpu.vector_load %arg6[%swap3A_1395, %swap3A_1396, %swap3A_1397] {strides = array<i32>} : memref<3x4x128xi32, #tpu.memory_space<vmem>>, vector<16xi32>,
      tpu.vector_store %arg6[%swap3A_1395, %swap3A_1396, %swap3A_1397], %add3A_1393 {strides = array<i32>} : memref<3x4x128xi32, #tpu.memory_space<vmem>>, vector<16xi32>,
      %mul3A_1399 = arith.constant 2 : i32
      %mul3A_1400 = vector.broadcast %mul3A_1399 : i32 to vector<16xi32>
      %mul3A_1401 = arith.muli %iota3A, %mul3A_1400 : vector<16xi32>
      %add3A_1402 = arith.constant 192 : i32
      %add3A_1403 = vector.broadcast %add3A_1402 : i32 to vector<16xi32>
      %add3A_1404 = arith.addi %mul3A_1401, %add3A_1403 : vector<16xi32>
      %gather3A_1405 = arith.constant 0 : i32
      %gather3A_1406 = arith.constant 0 : i32
      %gather3A_1407 = tpu.memref_slice %arg5[%select_n3A_1182, %gather3A_1405, %gather3A_1406] : memref<3x4x256xi32, #tpu.memory_space<vmem>> -> memref<1x1x256xi32, #tpu.memory_space<vmem>>
      %gather3A_1408 = tpu.memref_squeeze %gather3A_1407 : memref<1x1x256xi32, #tpu.memory_space<vmem>> -> memref<256xi32, #tpu.memory_space<vmem>>
      %gather3A_1409 = tpu.vector_load_idx %gather3A_1408[%add3A_1404] : memref<256xi32, #tpu.memory_space<vmem>>[vector<16xi32>], vector<16xi32>,
      %add3A_1410 = arith.constant 1 : i32
      %add3A_1411 = vector.broadcast %add3A_1410 : i32 to vector<16xi32>
      %add3A_1412 = arith.addi %add3A_1404, %add3A_1411 : vector<16xi32>
      %gather3A_1413 = arith.constant 0 : i32
      %gather3A_1414 = arith.constant 0 : i32
      %gather3A_1415 = tpu.memref_slice %arg5[%select_n3A_1182, %gather3A_1413, %gather3A_1414] : memref<3x4x256xi32, #tpu.memory_space<vmem>> -> memref<1x1x256xi32, #tpu.memory_space<vmem>>
      %gather3A_1416 = tpu.memref_squeeze %gather3A_1415 : memref<1x1x256xi32, #tpu.memory_space<vmem>> -> memref<256xi32, #tpu.memory_space<vmem>>
      %gather3A_1417 = tpu.vector_load_idx %gather3A_1416[%add3A_1412] : memref<256xi32, #tpu.memory_space<vmem>>[vector<16xi32>], vector<16xi32>,
      %mul3A_1418 = arith.constant 100 : i32
      %mul3A_1419 = vector.broadcast %mul3A_1418 : i32 to vector<16xi32>
      %mul3A_1420 = arith.muli %gather3A_1409, %mul3A_1419 : vector<16xi32>
      %add3A_1421 = arith.addi %mul3A_1420, %gather3A_1417 : vector<16xi32>
      %swap3A_1422 = arith.constant 0 : i32
      %swap3A_1423 = arith.index_cast %select_n3A_1182 : i32 to index
      %swap3A_1424 = arith.index_cast %swap3A_1422 : i32 to index
      %swap3A_1425 = arith.constant 96 : index
      %swap3A_1426 = tpu.vector_load %arg6[%swap3A_1423, %swap3A_1424, %swap3A_1425] {strides = array<i32>} : memref<3x4x128xi32, #tpu.memory_space<vmem>>, vector<16xi32>,
      tpu.vector_store %arg6[%swap3A_1423, %swap3A_1424, %swap3A_1425], %add3A_1421 {strides = array<i32>} : memref<3x4x128xi32, #tpu.memory_space<vmem>>, vector<16xi32>,
      %mul3A_1427 = arith.constant 2 : i32
      %mul3A_1428 = vector.broadcast %mul3A_1427 : i32 to vector<16xi32>
      %mul3A_1429 = arith.muli %iota3A, %mul3A_1428 : vector<16xi32>
      %add3A_1430 = arith.constant 224 : i32
      %add3A_1431 = vector.broadcast %add3A_1430 : i32 to vector<16xi32>
      %add3A_1432 = arith.addi %mul3A_1429, %add3A_1431 : vector<16xi32>
      %gather3A_1433 = arith.constant 0 : i32
      %gather3A_1434 = arith.constant 0 : i32
      %gather3A_1435 = tpu.memref_slice %arg5[%select_n3A_1182, %gather3A_1433, %gather3A_1434] : memref<3x4x256xi32, #tpu.memory_space<vmem>> -> memref<1x1x256xi32, #tpu.memory_space<vmem>>
      %gather3A_1436 = tpu.memref_squeeze %gather3A_1435 : memref<1x1x256xi32, #tpu.memory_space<vmem>> -> memref<256xi32, #tpu.memory_space<vmem>>
      %gather3A_1437 = tpu.vector_load_idx %gather3A_1436[%add3A_1432] : memref<256xi32, #tpu.memory_space<vmem>>[vector<16xi32>], vector<16xi32>,
      %add3A_1438 = arith.constant 1 : i32
      %add3A_1439 = vector.broadcast %add3A_1438 : i32 to vector<16xi32>
      %add3A_1440 = arith.addi %add3A_1432, %add3A_1439 : vector<16xi32>
      %gather3A_1441 = arith.constant 0 : i32
      %gather3A_1442 = arith.constant 0 : i32
      %gather3A_1443 = tpu.memref_slice %arg5[%select_n3A_1182, %gather3A_1441, %gather3A_1442] : memref<3x4x256xi32, #tpu.memory_space<vmem>> -> memref<1x1x256xi32, #tpu.memory_space<vmem>>
      %gather3A_1444 = tpu.memref_squeeze %gather3A_1443 : memref<1x1x256xi32, #tpu.memory_space<vmem>> -> memref<256xi32, #tpu.memory_space<vmem>>
      %gather3A_1445 = tpu.vector_load_idx %gather3A_1444[%add3A_1440] : memref<256xi32, #tpu.memory_space<vmem>>[vector<16xi32>], vector<16xi32>,
      %mul3A_1446 = arith.constant 100 : i32
      %mul3A_1447 = vector.broadcast %mul3A_1446 : i32 to vector<16xi32>
      %mul3A_1448 = arith.muli %gather3A_1437, %mul3A_1447 : vector<16xi32>
      %add3A_1449 = arith.addi %mul3A_1448, %gather3A_1445 : vector<16xi32>
      %swap3A_1450 = arith.constant 0 : i32
      %swap3A_1451 = arith.index_cast %select_n3A_1182 : i32 to index
      %swap3A_1452 = arith.index_cast %swap3A_1450 : i32 to index
      %swap3A_1453 = arith.constant 112 : index
      %swap3A_1454 = tpu.vector_load %arg6[%swap3A_1451, %swap3A_1452, %swap3A_1453] {strides = array<i32>} : memref<3x4x128xi32, #tpu.memory_space<vmem>>, vector<16xi32>,
      tpu.vector_store %arg6[%swap3A_1451, %swap3A_1452, %swap3A_1453], %add3A_1449 {strides = array<i32>} : memref<3x4x128xi32, #tpu.memory_space<vmem>>, vector<16xi32>,
      %mul3A_1455 = arith.constant 2 : i32
      %mul3A_1456 = vector.broadcast %mul3A_1455 : i32 to vector<16xi32>
      %mul3A_1457 = arith.muli %iota3A, %mul3A_1456 : vector<16xi32>
      %add3A_1458 = arith.constant 0 : i32
      %add3A_1459 = vector.broadcast %add3A_1458 : i32 to vector<16xi32>
      %add3A_1460 = arith.addi %mul3A_1457, %add3A_1459 : vector<16xi32>
      %gather3A_1461 = arith.constant 1 : i32
      %gather3A_1462 = arith.constant 0 : i32
      %gather3A_1463 = tpu.memref_slice %arg5[%select_n3A_1182, %gather3A_1461, %gather3A_1462] : memref<3x4x256xi32, #tpu.memory_space<vmem>> -> memref<1x1x256xi32, #tpu.memory_space<vmem>>
      %gather3A_1464 = tpu.memref_squeeze %gather3A_1463 : memref<1x1x256xi32, #tpu.memory_space<vmem>> -> memref<256xi32, #tpu.memory_space<vmem>>
      %gather3A_1465 = tpu.vector_load_idx %gather3A_1464[%add3A_1460] : memref<256xi32, #tpu.memory_space<vmem>>[vector<16xi32>], vector<16xi32>,
      %add3A_1466 = arith.constant 1 : i32
      %add3A_1467 = vector.broadcast %add3A_1466 : i32 to vector<16xi32>
      %add3A_1468 = arith.addi %add3A_1460, %add3A_1467 : vector<16xi32>
      %gather3A_1469 = arith.constant 1 : i32
      %gather3A_1470 = arith.constant 0 : i32
      %gather3A_1471 = tpu.memref_slice %arg5[%select_n3A_1182, %gather3A_1469, %gather3A_1470] : memref<3x4x256xi32, #tpu.memory_space<vmem>> -> memref<1x1x256xi32, #tpu.memory_space<vmem>>
      %gather3A_1472 = tpu.memref_squeeze %gather3A_1471 : memref<1x1x256xi32, #tpu.memory_space<vmem>> -> memref<256xi32, #tpu.memory_space<vmem>>
      %gather3A_1473 = tpu.vector_load_idx %gather3A_1472[%add3A_1468] : memref<256xi32, #tpu.memory_space<vmem>>[vector<16xi32>], vector<16xi32>,
      %mul3A_1474 = arith.constant 100 : i32
      %mul3A_1475 = vector.broadcast %mul3A_1474 : i32 to vector<16xi32>
      %mul3A_1476 = arith.muli %gather3A_1465, %mul3A_1475 : vector<16xi32>
      %add3A_1477 = arith.addi %mul3A_1476, %gather3A_1473 : vector<16xi32>
      %swap3A_1478 = arith.constant 1 : i32
      %swap3A_1479 = arith.index_cast %select_n3A_1182 : i32 to index
      %swap3A_1480 = arith.index_cast %swap3A_1478 : i32 to index
      %swap3A_1481 = arith.constant 0 : index
      %swap3A_1482 = tpu.vector_load %arg6[%swap3A_1479, %swap3A_1480, %swap3A_1481] {strides = array<i32>} : memref<3x4x128xi32, #tpu.memory_space<vmem>>, vector<16xi32>,
      tpu.vector_store %arg6[%swap3A_1479, %swap3A_1480, %swap3A_1481], %add3A_1477 {strides = array<i32>} : memref<3x4x128xi32, #tpu.memory_space<vmem>>, vector<16xi32>,
      %mul3A_1483 = arith.constant 2 : i32
      %mul3A_1484 = vector.broadcast %mul3A_1483 : i32 to vector<16xi32>
      %mul3A_1485 = arith.muli %iota3A, %mul3A_1484 : vector<16xi32>
      %add3A_1486 = arith.constant 32 : i32
      %add3A_1487 = vector.broadcast %add3A_1486 : i32 to vector<16xi32>
      %add3A_1488 = arith.addi %mul3A_1485, %add3A_1487 : vector<16xi32>
      %gather3A_1489 = arith.constant 1 : i32
      %gather3A_1490 = arith.constant 0 : i32
      %gather3A_1491 = tpu.memref_slice %arg5[%select_n3A_1182, %gather3A_1489, %gather3A_1490] : memref<3x4x256xi32, #tpu.memory_space<vmem>> -> memref<1x1x256xi32, #tpu.memory_space<vmem>>
      %gather3A_1492 = tpu.memref_squeeze %gather3A_1491 : memref<1x1x256xi32, #tpu.memory_space<vmem>> -> memref<256xi32, #tpu.memory_space<vmem>>
      %gather3A_1493 = tpu.vector_load_idx %gather3A_1492[%add3A_1488] : memref<256xi32, #tpu.memory_space<vmem>>[vector<16xi32>], vector<16xi32>,
      %add3A_1494 = arith.constant 1 : i32
      %add3A_1495 = vector.broadcast %add3A_1494 : i32 to vector<16xi32>
      %add3A_1496 = arith.addi %add3A_1488, %add3A_1495 : vector<16xi32>
      %gather3A_1497 = arith.constant 1 : i32
      %gather3A_1498 = arith.constant 0 : i32
      %gather3A_1499 = tpu.memref_slice %arg5[%select_n3A_1182, %gather3A_1497, %gather3A_1498] : memref<3x4x256xi32, #tpu.memory_space<vmem>> -> memref<1x1x256xi32, #tpu.memory_space<vmem>>
      %gather3A_1500 = tpu.memref_squeeze %gather3A_1499 : memref<1x1x256xi32, #tpu.memory_space<vmem>> -> memref<256xi32, #tpu.memory_space<vmem>>
      %gather3A_1501 = tpu.vector_load_idx %gather3A_1500[%add3A_1496] : memref<256xi32, #tpu.memory_space<vmem>>[vector<16xi32>], vector<16xi32>,
      %mul3A_1502 = arith.constant 100 : i32
      %mul3A_1503 = vector.broadcast %mul3A_1502 : i32 to vector<16xi32>
      %mul3A_1504 = arith.muli %gather3A_1493, %mul3A_1503 : vector<16xi32>
      %add3A_1505 = arith.addi %mul3A_1504, %gather3A_1501 : vector<16xi32>
      %swap3A_1506 = arith.constant 1 : i32
      %swap3A_1507 = arith.index_cast %select_n3A_1182 : i32 to index
      %swap3A_1508 = arith.index_cast %swap3A_1506 : i32 to index
      %swap3A_1509 = arith.constant 16 : index
      %swap3A_1510 = tpu.vector_load %arg6[%swap3A_1507, %swap3A_1508, %swap3A_1509] {strides = array<i32>} : memref<3x4x128xi32, #tpu.memory_space<vmem>>, vector<16xi32>,
      tpu.vector_store %arg6[%swap3A_1507, %swap3A_1508, %swap3A_1509], %add3A_1505 {strides = array<i32>} : memref<3x4x128xi32, #tpu.memory_space<vmem>>, vector<16xi32>,
      %mul3A_1511 = arith.constant 2 : i32
      %mul3A_1512 = vector.broadcast %mul3A_1511 : i32 to vector<16xi32>
      %mul3A_1513 = arith.muli %iota3A, %mul3A_1512 : vector<16xi32>
      %add3A_1514 = arith.constant 64 : i32
      %add3A_1515 = vector.broadcast %add3A_1514 : i32 to vector<16xi32>
      %add3A_1516 = arith.addi %mul3A_1513, %add3A_1515 : vector<16xi32>
      %gather3A_1517 = arith.constant 1 : i32
      %gather3A_1518 = arith.constant 0 : i32
      %gather3A_1519 = tpu.memref_slice %arg5[%select_n3A_1182, %gather3A_1517, %gather3A_1518] : memref<3x4x256xi32, #tpu.memory_space<vmem>> -> memref<1x1x256xi32, #tpu.memory_space<vmem>>
      %gather3A_1520 = tpu.memref_squeeze %gather3A_1519 : memref<1x1x256xi32, #tpu.memory_space<vmem>> -> memref<256xi32, #tpu.memory_space<vmem>>
      %gather3A_1521 = tpu.vector_load_idx %gather3A_1520[%add3A_1516] : memref<256xi32, #tpu.memory_space<vmem>>[vector<16xi32>], vector<16xi32>,
      %add3A_1522 = arith.constant 1 : i32
      %add3A_1523 = vector.broadcast %add3A_1522 : i32 to vector<16xi32>
      %add3A_1524 = arith.addi %add3A_1516, %add3A_1523 : vector<16xi32>
      %gather3A_1525 = arith.constant 1 : i32
      %gather3A_1526 = arith.constant 0 : i32
      %gather3A_1527 = tpu.memref_slice %arg5[%select_n3A_1182, %gather3A_1525, %gather3A_1526] : memref<3x4x256xi32, #tpu.memory_space<vmem>> -> memref<1x1x256xi32, #tpu.memory_space<vmem>>
      %gather3A_1528 = tpu.memref_squeeze %gather3A_1527 : memref<1x1x256xi32, #tpu.memory_space<vmem>> -> memref<256xi32, #tpu.memory_space<vmem>>
      %gather3A_1529 = tpu.vector_load_idx %gather3A_1528[%add3A_1524] : memref<256xi32, #tpu.memory_space<vmem>>[vector<16xi32>], vector<16xi32>,
      %mul3A_1530 = arith.constant 100 : i32
      %mul3A_1531 = vector.broadcast %mul3A_1530 : i32 to vector<16xi32>
      %mul3A_1532 = arith.muli %gather3A_1521, %mul3A_1531 : vector<16xi32>
      %add3A_1533 = arith.addi %mul3A_1532, %gather3A_1529 : vector<16xi32>
      %swap3A_1534 = arith.constant 1 : i32
      %swap3A_1535 = arith.index_cast %select_n3A_1182 : i32 to index
      %swap3A_1536 = arith.index_cast %swap3A_1534 : i32 to index
      %swap3A_1537 = arith.constant 32 : index
      %swap3A_1538 = tpu.vector_load %arg6[%swap3A_1535, %swap3A_1536, %swap3A_1537] {strides = array<i32>} : memref<3x4x128xi32, #tpu.memory_space<vmem>>, vector<16xi32>,
      tpu.vector_store %arg6[%swap3A_1535, %swap3A_1536, %swap3A_1537], %add3A_1533 {strides = array<i32>} : memref<3x4x128xi32, #tpu.memory_space<vmem>>, vector<16xi32>,
      %mul3A_1539 = arith.constant 2 : i32
      %mul3A_1540 = vector.broadcast %mul3A_1539 : i32 to vector<16xi32>
      %mul3A_1541 = arith.muli %iota3A, %mul3A_1540 : vector<16xi32>
      %add3A_1542 = arith.constant 96 : i32
      %add3A_1543 = vector.broadcast %add3A_1542 : i32 to vector<16xi32>
      %add3A_1544 = arith.addi %mul3A_1541, %add3A_1543 : vector<16xi32>
      %gather3A_1545 = arith.constant 1 : i32
      %gather3A_1546 = arith.constant 0 : i32
      %gather3A_1547 = tpu.memref_slice %arg5[%select_n3A_1182, %gather3A_1545, %gather3A_1546] : memref<3x4x256xi32, #tpu.memory_space<vmem>> -> memref<1x1x256xi32, #tpu.memory_space<vmem>>
      %gather3A_1548 = tpu.memref_squeeze %gather3A_1547 : memref<1x1x256xi32, #tpu.memory_space<vmem>> -> memref<256xi32, #tpu.memory_space<vmem>>
      %gather3A_1549 = tpu.vector_load_idx %gather3A_1548[%add3A_1544] : memref<256xi32, #tpu.memory_space<vmem>>[vector<16xi32>], vector<16xi32>,
      %add3A_1550 = arith.constant 1 : i32
      %add3A_1551 = vector.broadcast %add3A_1550 : i32 to vector<16xi32>
      %add3A_1552 = arith.addi %add3A_1544, %add3A_1551 : vector<16xi32>
      %gather3A_1553 = arith.constant 1 : i32
      %gather3A_1554 = arith.constant 0 : i32
      %gather3A_1555 = tpu.memref_slice %arg5[%select_n3A_1182, %gather3A_1553, %gather3A_1554] : memref<3x4x256xi32, #tpu.memory_space<vmem>> -> memref<1x1x256xi32, #tpu.memory_space<vmem>>
      %gather3A_1556 = tpu.memref_squeeze %gather3A_1555 : memref<1x1x256xi32, #tpu.memory_space<vmem>> -> memref<256xi32, #tpu.memory_space<vmem>>
      %gather3A_1557 = tpu.vector_load_idx %gather3A_1556[%add3A_1552] : memref<256xi32, #tpu.memory_space<vmem>>[vector<16xi32>], vector<16xi32>,
      %mul3A_1558 = arith.constant 100 : i32
      %mul3A_1559 = vector.broadcast %mul3A_1558 : i32 to vector<16xi32>
      %mul3A_1560 = arith.muli %gather3A_1549, %mul3A_1559 : vector<16xi32>
      %add3A_1561 = arith.addi %mul3A_1560, %gather3A_1557 : vector<16xi32>
      %swap3A_1562 = arith.constant 1 : i32
      %swap3A_1563 = arith.index_cast %select_n3A_1182 : i32 to index
      %swap3A_1564 = arith.index_cast %swap3A_1562 : i32 to index
      %swap3A_1565 = arith.constant 48 : index
      %swap3A_1566 = tpu.vector_load %arg6[%swap3A_1563, %swap3A_1564, %swap3A_1565] {strides = array<i32>} : memref<3x4x128xi32, #tpu.memory_space<vmem>>, vector<16xi32>,
      tpu.vector_store %arg6[%swap3A_1563, %swap3A_1564, %swap3A_1565], %add3A_1561 {strides = array<i32>} : memref<3x4x128xi32, #tpu.memory_space<vmem>>, vector<16xi32>,
      %mul3A_1567 = arith.constant 2 : i32
      %mul3A_1568 = vector.broadcast %mul3A_1567 : i32 to vector<16xi32>
      %mul3A_1569 = arith.muli %iota3A, %mul3A_1568 : vector<16xi32>
      %add3A_1570 = arith.constant 128 : i32
      %add3A_1571 = vector.broadcast %add3A_1570 : i32 to vector<16xi32>
      %add3A_1572 = arith.addi %mul3A_1569, %add3A_1571 : vector<16xi32>
      %gather3A_1573 = arith.constant 1 : i32
      %gather3A_1574 = arith.constant 0 : i32
      %gather3A_1575 = tpu.memref_slice %arg5[%select_n3A_1182, %gather3A_1573, %gather3A_1574] : memref<3x4x256xi32, #tpu.memory_space<vmem>> -> memref<1x1x256xi32, #tpu.memory_space<vmem>>
      %gather3A_1576 = tpu.memref_squeeze %gather3A_1575 : memref<1x1x256xi32, #tpu.memory_space<vmem>> -> memref<256xi32, #tpu.memory_space<vmem>>
      %gather3A_1577 = tpu.vector_load_idx %gather3A_1576[%add3A_1572] : memref<256xi32, #tpu.memory_space<vmem>>[vector<16xi32>], vector<16xi32>,
      %add3A_1578 = arith.constant 1 : i32
      %add3A_1579 = vector.broadcast %add3A_1578 : i32 to vector<16xi32>
      %add3A_1580 = arith.addi %add3A_1572, %add3A_1579 : vector<16xi32>
      %gather3A_1581 = arith.constant 1 : i32
      %gather3A_1582 = arith.constant 0 : i32
      %gather3A_1583 = tpu.memref_slice %arg5[%select_n3A_1182, %gather3A_1581, %gather3A_1582] : memref<3x4x256xi32, #tpu.memory_space<vmem>> -> memref<1x1x256xi32, #tpu.memory_space<vmem>>
      %gather3A_1584 = tpu.memref_squeeze %gather3A_1583 : memref<1x1x256xi32, #tpu.memory_space<vmem>> -> memref<256xi32, #tpu.memory_space<vmem>>
      %gather3A_1585 = tpu.vector_load_idx %gather3A_1584[%add3A_1580] : memref<256xi32, #tpu.memory_space<vmem>>[vector<16xi32>], vector<16xi32>,
      %mul3A_1586 = arith.constant 100 : i32
      %mul3A_1587 = vector.broadcast %mul3A_1586 : i32 to vector<16xi32>
      %mul3A_1588 = arith.muli %gather3A_1577, %mul3A_1587 : vector<16xi32>
      %add3A_1589 = arith.addi %mul3A_1588, %gather3A_1585 : vector<16xi32>
      %swap3A_1590 = arith.constant 1 : i32
      %swap3A_1591 = arith.index_cast %select_n3A_1182 : i32 to index
      %swap3A_1592 = arith.index_cast %swap3A_1590 : i32 to index
      %swap3A_1593 = arith.constant 64 : index
      %swap3A_1594 = tpu.vector_load %arg6[%swap3A_1591, %swap3A_1592, %swap3A_1593] {strides = array<i32>} : memref<3x4x128xi32, #tpu.memory_space<vmem>>, vector<16xi32>,
      tpu.vector_store %arg6[%swap3A_1591, %swap3A_1592, %swap3A_1593], %add3A_1589 {strides = array<i32>} : memref<3x4x128xi32, #tpu.memory_space<vmem>>, vector<16xi32>,
      %mul3A_1595 = arith.constant 2 : i32
      %mul3A_1596 = vector.broadcast %mul3A_1595 : i32 to vector<16xi32>
      %mul3A_1597 = arith.muli %iota3A, %mul3A_1596 : vector<16xi32>
      %add3A_1598 = arith.constant 160 : i32
      %add3A_1599 = vector.broadcast %add3A_1598 : i32 to vector<16xi32>
      %add3A_1600 = arith.addi %mul3A_1597, %add3A_1599 : vector<16xi32>
      %gather3A_1601 = arith.constant 1 : i32
      %gather3A_1602 = arith.constant 0 : i32
      %gather3A_1603 = tpu.memref_slice %arg5[%select_n3A_1182, %gather3A_1601, %gather3A_1602] : memref<3x4x256xi32, #tpu.memory_space<vmem>> -> memref<1x1x256xi32, #tpu.memory_space<vmem>>
      %gather3A_1604 = tpu.memref_squeeze %gather3A_1603 : memref<1x1x256xi32, #tpu.memory_space<vmem>> -> memref<256xi32, #tpu.memory_space<vmem>>
      %gather3A_1605 = tpu.vector_load_idx %gather3A_1604[%add3A_1600] : memref<256xi32, #tpu.memory_space<vmem>>[vector<16xi32>], vector<16xi32>,
      %add3A_1606 = arith.constant 1 : i32
      %add3A_1607 = vector.broadcast %add3A_1606 : i32 to vector<16xi32>
      %add3A_1608 = arith.addi %add3A_1600, %add3A_1607 : vector<16xi32>
      %gather3A_1609 = arith.constant 1 : i32
      %gather3A_1610 = arith.constant 0 : i32
      %gather3A_1611 = tpu.memref_slice %arg5[%select_n3A_1182, %gather3A_1609, %gather3A_1610] : memref<3x4x256xi32, #tpu.memory_space<vmem>> -> memref<1x1x256xi32, #tpu.memory_space<vmem>>
      %gather3A_1612 = tpu.memref_squeeze %gather3A_1611 : memref<1x1x256xi32, #tpu.memory_space<vmem>> -> memref<256xi32, #tpu.memory_space<vmem>>
      %gather3A_1613 = tpu.vector_load_idx %gather3A_1612[%add3A_1608] : memref<256xi32, #tpu.memory_space<vmem>>[vector<16xi32>], vector<16xi32>,
      %mul3A_1614 = arith.constant 100 : i32
      %mul3A_1615 = vector.broadcast %mul3A_1614 : i32 to vector<16xi32>
      %mul3A_1616 = arith.muli %gather3A_1605, %mul3A_1615 : vector<16xi32>
      %add3A_1617 = arith.addi %mul3A_1616, %gather3A_1613 : vector<16xi32>
      %swap3A_1618 = arith.constant 1 : i32
      %swap3A_1619 = arith.index_cast %select_n3A_1182 : i32 to index
      %swap3A_1620 = arith.index_cast %swap3A_1618 : i32 to index
      %swap3A_1621 = arith.constant 80 : index
      %swap3A_1622 = tpu.vector_load %arg6[%swap3A_1619, %swap3A_1620, %swap3A_1621] {strides = array<i32>} : memref<3x4x128xi32, #tpu.memory_space<vmem>>, vector<16xi32>,
      tpu.vector_store %arg6[%swap3A_1619, %swap3A_1620, %swap3A_1621], %add3A_1617 {strides = array<i32>} : memref<3x4x128xi32, #tpu.memory_space<vmem>>, vector<16xi32>,
      %mul3A_1623 = arith.constant 2 : i32
      %mul3A_1624 = vector.broadcast %mul3A_1623 : i32 to vector<16xi32>
      %mul3A_1625 = arith.muli %iota3A, %mul3A_1624 : vector<16xi32>
      %add3A_1626 = arith.constant 192 : i32
      %add3A_1627 = vector.broadcast %add3A_1626 : i32 to vector<16xi32>
      %add3A_1628 = arith.addi %mul3A_1625, %add3A_1627 : vector<16xi32>
      %gather3A_1629 = arith.constant 1 : i32
      %gather3A_1630 = arith.constant 0 : i32
      %gather3A_1631 = tpu.memref_slice %arg5[%select_n3A_1182, %gather3A_1629, %gather3A_1630] : memref<3x4x256xi32, #tpu.memory_space<vmem>> -> memref<1x1x256xi32, #tpu.memory_space<vmem>>
      %gather3A_1632 = tpu.memref_squeeze %gather3A_1631 : memref<1x1x256xi32, #tpu.memory_space<vmem>> -> memref<256xi32, #tpu.memory_space<vmem>>
      %gather3A_1633 = tpu.vector_load_idx %gather3A_1632[%add3A_1628] : memref<256xi32, #tpu.memory_space<vmem>>[vector<16xi32>], vector<16xi32>,
      %add3A_1634 = arith.constant 1 : i32
      %add3A_1635 = vector.broadcast %add3A_1634 : i32 to vector<16xi32>
      %add3A_1636 = arith.addi %add3A_1628, %add3A_1635 : vector<16xi32>
      %gather3A_1637 = arith.constant 1 : i32
      %gather3A_1638 = arith.constant 0 : i32
      %gather3A_1639 = tpu.memref_slice %arg5[%select_n3A_1182, %gather3A_1637, %gather3A_1638] : memref<3x4x256xi32, #tpu.memory_space<vmem>> -> memref<1x1x256xi32, #tpu.memory_space<vmem>>
      %gather3A_1640 = tpu.memref_squeeze %gather3A_1639 : memref<1x1x256xi32, #tpu.memory_space<vmem>> -> memref<256xi32, #tpu.memory_space<vmem>>
      %gather3A_1641 = tpu.vector_load_idx %gather3A_1640[%add3A_1636] : memref<256xi32, #tpu.memory_space<vmem>>[vector<16xi32>], vector<16xi32>,
      %mul3A_1642 = arith.constant 100 : i32
      %mul3A_1643 = vector.broadcast %mul3A_1642 : i32 to vector<16xi32>
      %mul3A_1644 = arith.muli %gather3A_1633, %mul3A_1643 : vector<16xi32>
      %add3A_1645 = arith.addi %mul3A_1644, %gather3A_1641 : vector<16xi32>
      %swap3A_1646 = arith.constant 1 : i32
      %swap3A_1647 = arith.index_cast %select_n3A_1182 : i32 to index
      %swap3A_1648 = arith.index_cast %swap3A_1646 : i32 to index
      %swap3A_1649 = arith.constant 96 : index
      %swap3A_1650 = tpu.vector_load %arg6[%swap3A_1647, %swap3A_1648, %swap3A_1649] {strides = array<i32>} : memref<3x4x128xi32, #tpu.memory_space<vmem>>, vector<16xi32>,
      tpu.vector_store %arg6[%swap3A_1647, %swap3A_1648, %swap3A_1649], %add3A_1645 {strides = array<i32>} : memref<3x4x128xi32, #tpu.memory_space<vmem>>, vector<16xi32>,
      %mul3A_1651 = arith.constant 2 : i32
      %mul3A_1652 = vector.broadcast %mul3A_1651 : i32 to vector<16xi32>
      %mul3A_1653 = arith.muli %iota3A, %mul3A_1652 : vector<16xi32>
      %add3A_1654 = arith.constant 224 : i32
      %add3A_1655 = vector.broadcast %add3A_1654 : i32 to vector<16xi32>
      %add3A_1656 = arith.addi %mul3A_1653, %add3A_1655 : vector<16xi32>
      %gather3A_1657 = arith.constant 1 : i32
      %gather3A_1658 = arith.constant 0 : i32
      %gather3A_1659 = tpu.memref_slice %arg5[%select_n3A_1182, %gather3A_1657, %gather3A_1658] : memref<3x4x256xi32, #tpu.memory_space<vmem>> -> memref<1x1x256xi32, #tpu.memory_space<vmem>>
      %gather3A_1660 = tpu.memref_squeeze %gather3A_1659 : memref<1x1x256xi32, #tpu.memory_space<vmem>> -> memref<256xi32, #tpu.memory_space<vmem>>
      %gather3A_1661 = tpu.vector_load_idx %gather3A_1660[%add3A_1656] : memref<256xi32, #tpu.memory_space<vmem>>[vector<16xi32>], vector<16xi32>,
      %add3A_1662 = arith.constant 1 : i32
      %add3A_1663 = vector.broadcast %add3A_1662 : i32 to vector<16xi32>
      %add3A_1664 = arith.addi %add3A_1656, %add3A_1663 : vector<16xi32>
      %gather3A_1665 = arith.constant 1 : i32
      %gather3A_1666 = arith.constant 0 : i32
      %gather3A_1667 = tpu.memref_slice %arg5[%select_n3A_1182, %gather3A_1665, %gather3A_1666] : memref<3x4x256xi32, #tpu.memory_space<vmem>> -> memref<1x1x256xi32, #tpu.memory_space<vmem>>
      %gather3A_1668 = tpu.memref_squeeze %gather3A_1667 : memref<1x1x256xi32, #tpu.memory_space<vmem>> -> memref<256xi32, #tpu.memory_space<vmem>>
      %gather3A_1669 = tpu.vector_load_idx %gather3A_1668[%add3A_1664] : memref<256xi32, #tpu.memory_space<vmem>>[vector<16xi32>], vector<16xi32>,
      %mul3A_1670 = arith.constant 100 : i32
      %mul3A_1671 = vector.broadcast %mul3A_1670 : i32 to vector<16xi32>
      %mul3A_1672 = arith.muli %gather3A_1661, %mul3A_1671 : vector<16xi32>
      %add3A_1673 = arith.addi %mul3A_1672, %gather3A_1669 : vector<16xi32>
      %swap3A_1674 = arith.constant 1 : i32
      %swap3A_1675 = arith.index_cast %select_n3A_1182 : i32 to index
      %swap3A_1676 = arith.index_cast %swap3A_1674 : i32 to index
      %swap3A_1677 = arith.constant 112 : index
      %swap3A_1678 = tpu.vector_load %arg6[%swap3A_1675, %swap3A_1676, %swap3A_1677] {strides = array<i32>} : memref<3x4x128xi32, #tpu.memory_space<vmem>>, vector<16xi32>,
      tpu.vector_store %arg6[%swap3A_1675, %swap3A_1676, %swap3A_1677], %add3A_1673 {strides = array<i32>} : memref<3x4x128xi32, #tpu.memory_space<vmem>>, vector<16xi32>,
      %mul3A_1679 = arith.constant 2 : i32
      %mul3A_1680 = vector.broadcast %mul3A_1679 : i32 to vector<16xi32>
      %mul3A_1681 = arith.muli %iota3A, %mul3A_1680 : vector<16xi32>
      %add3A_1682 = arith.constant 0 : i32
      %add3A_1683 = vector.broadcast %add3A_1682 : i32 to vector<16xi32>
      %add3A_1684 = arith.addi %mul3A_1681, %add3A_1683 : vector<16xi32>
      %gather3A_1685 = arith.constant 2 : i32
      %gather3A_1686 = arith.constant 0 : i32
      %gather3A_1687 = tpu.memref_slice %arg5[%select_n3A_1182, %gather3A_1685, %gather3A_1686] : memref<3x4x256xi32, #tpu.memory_space<vmem>> -> memref<1x1x256xi32, #tpu.memory_space<vmem>>
      %gather3A_1688 = tpu.memref_squeeze %gather3A_1687 : memref<1x1x256xi32, #tpu.memory_space<vmem>> -> memref<256xi32, #tpu.memory_space<vmem>>
      %gather3A_1689 = tpu.vector_load_idx %gather3A_1688[%add3A_1684] : memref<256xi32, #tpu.memory_space<vmem>>[vector<16xi32>], vector<16xi32>,
      %add3A_1690 = arith.constant 1 : i32
      %add3A_1691 = vector.broadcast %add3A_1690 : i32 to vector<16xi32>
      %add3A_1692 = arith.addi %add3A_1684, %add3A_1691 : vector<16xi32>
      %gather3A_1693 = arith.constant 2 : i32
      %gather3A_1694 = arith.constant 0 : i32
      %gather3A_1695 = tpu.memref_slice %arg5[%select_n3A_1182, %gather3A_1693, %gather3A_1694] : memref<3x4x256xi32, #tpu.memory_space<vmem>> -> memref<1x1x256xi32, #tpu.memory_space<vmem>>
      %gather3A_1696 = tpu.memref_squeeze %gather3A_1695 : memref<1x1x256xi32, #tpu.memory_space<vmem>> -> memref<256xi32, #tpu.memory_space<vmem>>
      %gather3A_1697 = tpu.vector_load_idx %gather3A_1696[%add3A_1692] : memref<256xi32, #tpu.memory_space<vmem>>[vector<16xi32>], vector<16xi32>,
      %mul3A_1698 = arith.constant 100 : i32
      %mul3A_1699 = vector.broadcast %mul3A_1698 : i32 to vector<16xi32>
      %mul3A_1700 = arith.muli %gather3A_1689, %mul3A_1699 : vector<16xi32>
      %add3A_1701 = arith.addi %mul3A_1700, %gather3A_1697 : vector<16xi32>
      %swap3A_1702 = arith.constant 2 : i32
      %swap3A_1703 = arith.index_cast %select_n3A_1182 : i32 to index
      %swap3A_1704 = arith.index_cast %swap3A_1702 : i32 to index
      %swap3A_1705 = arith.constant 0 : index
      %swap3A_1706 = tpu.vector_load %arg6[%swap3A_1703, %swap3A_1704, %swap3A_1705] {strides = array<i32>} : memref<3x4x128xi32, #tpu.memory_space<vmem>>, vector<16xi32>,
      tpu.vector_store %arg6[%swap3A_1703, %swap3A_1704, %swap3A_1705], %add3A_1701 {strides = array<i32>} : memref<3x4x128xi32, #tpu.memory_space<vmem>>, vector<16xi32>,
      %mul3A_1707 = arith.constant 2 : i32
      %mul3A_1708 = vector.broadcast %mul3A_1707 : i32 to vector<16xi32>
      %mul3A_1709 = arith.muli %iota3A, %mul3A_1708 : vector<16xi32>
      %add3A_1710 = arith.constant 32 : i32
      %add3A_1711 = vector.broadcast %add3A_1710 : i32 to vector<16xi32>
      %add3A_1712 = arith.addi %mul3A_1709, %add3A_1711 : vector<16xi32>
      %gather3A_1713 = arith.constant 2 : i32
      %gather3A_1714 = arith.constant 0 : i32
      %gather3A_1715 = tpu.memref_slice %arg5[%select_n3A_1182, %gather3A_1713, %gather3A_1714] : memref<3x4x256xi32, #tpu.memory_space<vmem>> -> memref<1x1x256xi32, #tpu.memory_space<vmem>>
      %gather3A_1716 = tpu.memref_squeeze %gather3A_1715 : memref<1x1x256xi32, #tpu.memory_space<vmem>> -> memref<256xi32, #tpu.memory_space<vmem>>
      %gather3A_1717 = tpu.vector_load_idx %gather3A_1716[%add3A_1712] : memref<256xi32, #tpu.memory_space<vmem>>[vector<16xi32>], vector<16xi32>,
      %add3A_1718 = arith.constant 1 : i32
      %add3A_1719 = vector.broadcast %add3A_1718 : i32 to vector<16xi32>
      %add3A_1720 = arith.addi %add3A_1712, %add3A_1719 : vector<16xi32>
      %gather3A_1721 = arith.constant 2 : i32
      %gather3A_1722 = arith.constant 0 : i32
      %gather3A_1723 = tpu.memref_slice %arg5[%select_n3A_1182, %gather3A_1721, %gather3A_1722] : memref<3x4x256xi32, #tpu.memory_space<vmem>> -> memref<1x1x256xi32, #tpu.memory_space<vmem>>
      %gather3A_1724 = tpu.memref_squeeze %gather3A_1723 : memref<1x1x256xi32, #tpu.memory_space<vmem>> -> memref<256xi32, #tpu.memory_space<vmem>>
      %gather3A_1725 = tpu.vector_load_idx %gather3A_1724[%add3A_1720] : memref<256xi32, #tpu.memory_space<vmem>>[vector<16xi32>], vector<16xi32>,
      %mul3A_1726 = arith.constant 100 : i32
      %mul3A_1727 = vector.broadcast %mul3A_1726 : i32 to vector<16xi32>
      %mul3A_1728 = arith.muli %gather3A_1717, %mul3A_1727 : vector<16xi32>
      %add3A_1729 = arith.addi %mul3A_1728, %gather3A_1725 : vector<16xi32>
      %swap3A_1730 = arith.constant 2 : i32
      %swap3A_1731 = arith.index_cast %select_n3A_1182 : i32 to index
      %swap3A_1732 = arith.index_cast %swap3A_1730 : i32 to index
      %swap3A_1733 = arith.constant 16 : index
      %swap3A_1734 = tpu.vector_load %arg6[%swap3A_1731, %swap3A_1732, %swap3A_1733] {strides = array<i32>} : memref<3x4x128xi32, #tpu.memory_space<vmem>>, vector<16xi32>,
      tpu.vector_store %arg6[%swap3A_1731, %swap3A_1732, %swap3A_1733], %add3A_1729 {strides = array<i32>} : memref<3x4x128xi32, #tpu.memory_space<vmem>>, vector<16xi32>,
      %mul3A_1735 = arith.constant 2 : i32
      %mul3A_1736 = vector.broadcast %mul3A_1735 : i32 to vector<16xi32>
      %mul3A_1737 = arith.muli %iota3A, %mul3A_1736 : vector<16xi32>
      %add3A_1738 = arith.constant 64 : i32
      %add3A_1739 = vector.broadcast %add3A_1738 : i32 to vector<16xi32>
      %add3A_1740 = arith.addi %mul3A_1737, %add3A_1739 : vector<16xi32>
      %gather3A_1741 = arith.constant 2 : i32
      %gather3A_1742 = arith.constant 0 : i32
      %gather3A_1743 = tpu.memref_slice %arg5[%select_n3A_1182, %gather3A_1741, %gather3A_1742] : memref<3x4x256xi32, #tpu.memory_space<vmem>> -> memref<1x1x256xi32, #tpu.memory_space<vmem>>
      %gather3A_1744 = tpu.memref_squeeze %gather3A_1743 : memref<1x1x256xi32, #tpu.memory_space<vmem>> -> memref<256xi32, #tpu.memory_space<vmem>>
      %gather3A_1745 = tpu.vector_load_idx %gather3A_1744[%add3A_1740] : memref<256xi32, #tpu.memory_space<vmem>>[vector<16xi32>], vector<16xi32>,
      %add3A_1746 = arith.constant 1 : i32
      %add3A_1747 = vector.broadcast %add3A_1746 : i32 to vector<16xi32>
      %add3A_1748 = arith.addi %add3A_1740, %add3A_1747 : vector<16xi32>
      %gather3A_1749 = arith.constant 2 : i32
      %gather3A_1750 = arith.constant 0 : i32
      %gather3A_1751 = tpu.memref_slice %arg5[%select_n3A_1182, %gather3A_1749, %gather3A_1750] : memref<3x4x256xi32, #tpu.memory_space<vmem>> -> memref<1x1x256xi32, #tpu.memory_space<vmem>>
      %gather3A_1752 = tpu.memref_squeeze %gather3A_1751 : memref<1x1x256xi32, #tpu.memory_space<vmem>> -> memref<256xi32, #tpu.memory_space<vmem>>
      %gather3A_1753 = tpu.vector_load_idx %gather3A_1752[%add3A_1748] : memref<256xi32, #tpu.memory_space<vmem>>[vector<16xi32>], vector<16xi32>,
      %mul3A_1754 = arith.constant 100 : i32
      %mul3A_1755 = vector.broadcast %mul3A_1754 : i32 to vector<16xi32>
      %mul3A_1756 = arith.muli %gather3A_1745, %mul3A_1755 : vector<16xi32>
      %add3A_1757 = arith.addi %mul3A_1756, %gather3A_1753 : vector<16xi32>
      %swap3A_1758 = arith.constant 2 : i32
      %swap3A_1759 = arith.index_cast %select_n3A_1182 : i32 to index
      %swap3A_1760 = arith.index_cast %swap3A_1758 : i32 to index
      %swap3A_1761 = arith.constant 32 : index
      %swap3A_1762 = tpu.vector_load %arg6[%swap3A_1759, %swap3A_1760, %swap3A_1761] {strides = array<i32>} : memref<3x4x128xi32, #tpu.memory_space<vmem>>, vector<16xi32>,
      tpu.vector_store %arg6[%swap3A_1759, %swap3A_1760, %swap3A_1761], %add3A_1757 {strides = array<i32>} : memref<3x4x128xi32, #tpu.memory_space<vmem>>, vector<16xi32>,
      %mul3A_1763 = arith.constant 2 : i32
      %mul3A_1764 = vector.broadcast %mul3A_1763 : i32 to vector<16xi32>
      %mul3A_1765 = arith.muli %iota3A, %mul3A_1764 : vector<16xi32>
      %add3A_1766 = arith.constant 96 : i32
      %add3A_1767 = vector.broadcast %add3A_1766 : i32 to vector<16xi32>
      %add3A_1768 = arith.addi %mul3A_1765, %add3A_1767 : vector<16xi32>
      %gather3A_1769 = arith.constant 2 : i32
      %gather3A_1770 = arith.constant 0 : i32
      %gather3A_1771 = tpu.memref_slice %arg5[%select_n3A_1182, %gather3A_1769, %gather3A_1770] : memref<3x4x256xi32, #tpu.memory_space<vmem>> -> memref<1x1x256xi32, #tpu.memory_space<vmem>>
      %gather3A_1772 = tpu.memref_squeeze %gather3A_1771 : memref<1x1x256xi32, #tpu.memory_space<vmem>> -> memref<256xi32, #tpu.memory_space<vmem>>
      %gather3A_1773 = tpu.vector_load_idx %gather3A_1772[%add3A_1768] : memref<256xi32, #tpu.memory_space<vmem>>[vector<16xi32>], vector<16xi32>,
      %add3A_1774 = arith.constant 1 : i32
      %add3A_1775 = vector.broadcast %add3A_1774 : i32 to vector<16xi32>
      %add3A_1776 = arith.addi %add3A_1768, %add3A_1775 : vector<16xi32>
      %gather3A_1777 = arith.constant 2 : i32
      %gather3A_1778 = arith.constant 0 : i32
      %gather3A_1779 = tpu.memref_slice %arg5[%select_n3A_1182, %gather3A_1777, %gather3A_1778] : memref<3x4x256xi32, #tpu.memory_space<vmem>> -> memref<1x1x256xi32, #tpu.memory_space<vmem>>
      %gather3A_1780 = tpu.memref_squeeze %gather3A_1779 : memref<1x1x256xi32, #tpu.memory_space<vmem>> -> memref<256xi32, #tpu.memory_space<vmem>>
      %gather3A_1781 = tpu.vector_load_idx %gather3A_1780[%add3A_1776] : memref<256xi32, #tpu.memory_space<vmem>>[vector<16xi32>], vector<16xi32>,
      %mul3A_1782 = arith.constant 100 : i32
      %mul3A_1783 = vector.broadcast %mul3A_1782 : i32 to vector<16xi32>
      %mul3A_1784 = arith.muli %gather3A_1773, %mul3A_1783 : vector<16xi32>
      %add3A_1785 = arith.addi %mul3A_1784, %gather3A_1781 : vector<16xi32>
      %swap3A_1786 = arith.constant 2 : i32
      %swap3A_1787 = arith.index_cast %select_n3A_1182 : i32 to index
      %swap3A_1788 = arith.index_cast %swap3A_1786 : i32 to index
      %swap3A_1789 = arith.constant 48 : index
      %swap3A_1790 = tpu.vector_load %arg6[%swap3A_1787, %swap3A_1788, %swap3A_1789] {strides = array<i32>} : memref<3x4x128xi32, #tpu.memory_space<vmem>>, vector<16xi32>,
      tpu.vector_store %arg6[%swap3A_1787, %swap3A_1788, %swap3A_1789], %add3A_1785 {strides = array<i32>} : memref<3x4x128xi32, #tpu.memory_space<vmem>>, vector<16xi32>,
      %mul3A_1791 = arith.constant 2 : i32
      %mul3A_1792 = vector.broadcast %mul3A_1791 : i32 to vector<16xi32>
      %mul3A_1793 = arith.muli %iota3A, %mul3A_1792 : vector<16xi32>
      %add3A_1794 = arith.constant 128 : i32
      %add3A_1795 = vector.broadcast %add3A_1794 : i32 to vector<16xi32>
      %add3A_1796 = arith.addi %mul3A_1793, %add3A_1795 : vector<16xi32>
      %gather3A_1797 = arith.constant 2 : i32
      %gather3A_1798 = arith.constant 0 : i32
      %gather3A_1799 = tpu.memref_slice %arg5[%select_n3A_1182, %gather3A_1797, %gather3A_1798] : memref<3x4x256xi32, #tpu.memory_space<vmem>> -> memref<1x1x256xi32, #tpu.memory_space<vmem>>
      %gather3A_1800 = tpu.memref_squeeze %gather3A_1799 : memref<1x1x256xi32, #tpu.memory_space<vmem>> -> memref<256xi32, #tpu.memory_space<vmem>>
      %gather3A_1801 = tpu.vector_load_idx %gather3A_1800[%add3A_1796] : memref<256xi32, #tpu.memory_space<vmem>>[vector<16xi32>], vector<16xi32>,
      %add3A_1802 = arith.constant 1 : i32
      %add3A_1803 = vector.broadcast %add3A_1802 : i32 to vector<16xi32>
      %add3A_1804 = arith.addi %add3A_1796, %add3A_1803 : vector<16xi32>
      %gather3A_1805 = arith.constant 2 : i32
      %gather3A_1806 = arith.constant 0 : i32
      %gather3A_1807 = tpu.memref_slice %arg5[%select_n3A_1182, %gather3A_1805, %gather3A_1806] : memref<3x4x256xi32, #tpu.memory_space<vmem>> -> memref<1x1x256xi32, #tpu.memory_space<vmem>>
      %gather3A_1808 = tpu.memref_squeeze %gather3A_1807 : memref<1x1x256xi32, #tpu.memory_space<vmem>> -> memref<256xi32, #tpu.memory_space<vmem>>
      %gather3A_1809 = tpu.vector_load_idx %gather3A_1808[%add3A_1804] : memref<256xi32, #tpu.memory_space<vmem>>[vector<16xi32>], vector<16xi32>,
      %mul3A_1810 = arith.constant 100 : i32
      %mul3A_1811 = vector.broadcast %mul3A_1810 : i32 to vector<16xi32>
      %mul3A_1812 = arith.muli %gather3A_1801, %mul3A_1811 : vector<16xi32>
      %add3A_1813 = arith.addi %mul3A_1812, %gather3A_1809 : vector<16xi32>
      %swap3A_1814 = arith.constant 2 : i32
      %swap3A_1815 = arith.index_cast %select_n3A_1182 : i32 to index
      %swap3A_1816 = arith.index_cast %swap3A_1814 : i32 to index
      %swap3A_1817 = arith.constant 64 : index
      %swap3A_1818 = tpu.vector_load %arg6[%swap3A_1815, %swap3A_1816, %swap3A_1817] {strides = array<i32>} : memref<3x4x128xi32, #tpu.memory_space<vmem>>, vector<16xi32>,
      tpu.vector_store %arg6[%swap3A_1815, %swap3A_1816, %swap3A_1817], %add3A_1813 {strides = array<i32>} : memref<3x4x128xi32, #tpu.memory_space<vmem>>, vector<16xi32>,
      %mul3A_1819 = arith.constant 2 : i32
      %mul3A_1820 = vector.broadcast %mul3A_1819 : i32 to vector<16xi32>
      %mul3A_1821 = arith.muli %iota3A, %mul3A_1820 : vector<16xi32>
      %add3A_1822 = arith.constant 160 : i32
      %add3A_1823 = vector.broadcast %add3A_1822 : i32 to vector<16xi32>
      %add3A_1824 = arith.addi %mul3A_1821, %add3A_1823 : vector<16xi32>
      %gather3A_1825 = arith.constant 2 : i32
      %gather3A_1826 = arith.constant 0 : i32
      %gather3A_1827 = tpu.memref_slice %arg5[%select_n3A_1182, %gather3A_1825, %gather3A_1826] : memref<3x4x256xi32, #tpu.memory_space<vmem>> -> memref<1x1x256xi32, #tpu.memory_space<vmem>>
      %gather3A_1828 = tpu.memref_squeeze %gather3A_1827 : memref<1x1x256xi32, #tpu.memory_space<vmem>> -> memref<256xi32, #tpu.memory_space<vmem>>
      %gather3A_1829 = tpu.vector_load_idx %gather3A_1828[%add3A_1824] : memref<256xi32, #tpu.memory_space<vmem>>[vector<16xi32>], vector<16xi32>,
      %add3A_1830 = arith.constant 1 : i32
      %add3A_1831 = vector.broadcast %add3A_1830 : i32 to vector<16xi32>
      %add3A_1832 = arith.addi %add3A_1824, %add3A_1831 : vector<16xi32>
      %gather3A_1833 = arith.constant 2 : i32
      %gather3A_1834 = arith.constant 0 : i32
      %gather3A_1835 = tpu.memref_slice %arg5[%select_n3A_1182, %gather3A_1833, %gather3A_1834] : memref<3x4x256xi32, #tpu.memory_space<vmem>> -> memref<1x1x256xi32, #tpu.memory_space<vmem>>
      %gather3A_1836 = tpu.memref_squeeze %gather3A_1835 : memref<1x1x256xi32, #tpu.memory_space<vmem>> -> memref<256xi32, #tpu.memory_space<vmem>>
      %gather3A_1837 = tpu.vector_load_idx %gather3A_1836[%add3A_1832] : memref<256xi32, #tpu.memory_space<vmem>>[vector<16xi32>], vector<16xi32>,
      %mul3A_1838 = arith.constant 100 : i32
      %mul3A_1839 = vector.broadcast %mul3A_1838 : i32 to vector<16xi32>
      %mul3A_1840 = arith.muli %gather3A_1829, %mul3A_1839 : vector<16xi32>
      %add3A_1841 = arith.addi %mul3A_1840, %gather3A_1837 : vector<16xi32>
      %swap3A_1842 = arith.constant 2 : i32
      %swap3A_1843 = arith.index_cast %select_n3A_1182 : i32 to index
      %swap3A_1844 = arith.index_cast %swap3A_1842 : i32 to index
      %swap3A_1845 = arith.constant 80 : index
      %swap3A_1846 = tpu.vector_load %arg6[%swap3A_1843, %swap3A_1844, %swap3A_1845] {strides = array<i32>} : memref<3x4x128xi32, #tpu.memory_space<vmem>>, vector<16xi32>,
      tpu.vector_store %arg6[%swap3A_1843, %swap3A_1844, %swap3A_1845], %add3A_1841 {strides = array<i32>} : memref<3x4x128xi32, #tpu.memory_space<vmem>>, vector<16xi32>,
      %mul3A_1847 = arith.constant 2 : i32
      %mul3A_1848 = vector.broadcast %mul3A_1847 : i32 to vector<16xi32>
      %mul3A_1849 = arith.muli %iota3A, %mul3A_1848 : vector<16xi32>
      %add3A_1850 = arith.constant 192 : i32
      %add3A_1851 = vector.broadcast %add3A_1850 : i32 to vector<16xi32>
      %add3A_1852 = arith.addi %mul3A_1849, %add3A_1851 : vector<16xi32>
      %gather3A_1853 = arith.constant 2 : i32
      %gather3A_1854 = arith.constant 0 : i32
      %gather3A_1855 = tpu.memref_slice %arg5[%select_n3A_1182, %gather3A_1853, %gather3A_1854] : memref<3x4x256xi32, #tpu.memory_space<vmem>> -> memref<1x1x256xi32, #tpu.memory_space<vmem>>
      %gather3A_1856 = tpu.memref_squeeze %gather3A_1855 : memref<1x1x256xi32, #tpu.memory_space<vmem>> -> memref<256xi32, #tpu.memory_space<vmem>>
      %gather3A_1857 = tpu.vector_load_idx %gather3A_1856[%add3A_1852] : memref<256xi32, #tpu.memory_space<vmem>>[vector<16xi32>], vector<16xi32>,
      %add3A_1858 = arith.constant 1 : i32
      %add3A_1859 = vector.broadcast %add3A_1858 : i32 to vector<16xi32>
      %add3A_1860 = arith.addi %add3A_1852, %add3A_1859 : vector<16xi32>
      %gather3A_1861 = arith.constant 2 : i32
      %gather3A_1862 = arith.constant 0 : i32
      %gather3A_1863 = tpu.memref_slice %arg5[%select_n3A_1182, %gather3A_1861, %gather3A_1862] : memref<3x4x256xi32, #tpu.memory_space<vmem>> -> memref<1x1x256xi32, #tpu.memory_space<vmem>>
      %gather3A_1864 = tpu.memref_squeeze %gather3A_1863 : memref<1x1x256xi32, #tpu.memory_space<vmem>> -> memref<256xi32, #tpu.memory_space<vmem>>
      %gather3A_1865 = tpu.vector_load_idx %gather3A_1864[%add3A_1860] : memref<256xi32, #tpu.memory_space<vmem>>[vector<16xi32>], vector<16xi32>,
      %mul3A_1866 = arith.constant 100 : i32
      %mul3A_1867 = vector.broadcast %mul3A_1866 : i32 to vector<16xi32>
      %mul3A_1868 = arith.muli %gather3A_1857, %mul3A_1867 : vector<16xi32>
      %add3A_1869 = arith.addi %mul3A_1868, %gather3A_1865 : vector<16xi32>
      %swap3A_1870 = arith.constant 2 : i32
      %swap3A_1871 = arith.index_cast %select_n3A_1182 : i32 to index
      %swap3A_1872 = arith.index_cast %swap3A_1870 : i32 to index
      %swap3A_1873 = arith.constant 96 : index
      %swap3A_1874 = tpu.vector_load %arg6[%swap3A_1871, %swap3A_1872, %swap3A_1873] {strides = array<i32>} : memref<3x4x128xi32, #tpu.memory_space<vmem>>, vector<16xi32>,
      tpu.vector_store %arg6[%swap3A_1871, %swap3A_1872, %swap3A_1873], %add3A_1869 {strides = array<i32>} : memref<3x4x128xi32, #tpu.memory_space<vmem>>, vector<16xi32>,
      %mul3A_1875 = arith.constant 2 : i32
      %mul3A_1876 = vector.broadcast %mul3A_1875 : i32 to vector<16xi32>
      %mul3A_1877 = arith.muli %iota3A, %mul3A_1876 : vector<16xi32>
      %add3A_1878 = arith.constant 224 : i32
      %add3A_1879 = vector.broadcast %add3A_1878 : i32 to vector<16xi32>
      %add3A_1880 = arith.addi %mul3A_1877, %add3A_1879 : vector<16xi32>
      %gather3A_1881 = arith.constant 2 : i32
      %gather3A_1882 = arith.constant 0 : i32
      %gather3A_1883 = tpu.memref_slice %arg5[%select_n3A_1182, %gather3A_1881, %gather3A_1882] : memref<3x4x256xi32, #tpu.memory_space<vmem>> -> memref<1x1x256xi32, #tpu.memory_space<vmem>>
      %gather3A_1884 = tpu.memref_squeeze %gather3A_1883 : memref<1x1x256xi32, #tpu.memory_space<vmem>> -> memref<256xi32, #tpu.memory_space<vmem>>
      %gather3A_1885 = tpu.vector_load_idx %gather3A_1884[%add3A_1880] : memref<256xi32, #tpu.memory_space<vmem>>[vector<16xi32>], vector<16xi32>,
      %add3A_1886 = arith.constant 1 : i32
      %add3A_1887 = vector.broadcast %add3A_1886 : i32 to vector<16xi32>
      %add3A_1888 = arith.addi %add3A_1880, %add3A_1887 : vector<16xi32>
      %gather3A_1889 = arith.constant 2 : i32
      %gather3A_1890 = arith.constant 0 : i32
      %gather3A_1891 = tpu.memref_slice %arg5[%select_n3A_1182, %gather3A_1889, %gather3A_1890] : memref<3x4x256xi32, #tpu.memory_space<vmem>> -> memref<1x1x256xi32, #tpu.memory_space<vmem>>
      %gather3A_1892 = tpu.memref_squeeze %gather3A_1891 : memref<1x1x256xi32, #tpu.memory_space<vmem>> -> memref<256xi32, #tpu.memory_space<vmem>>
      %gather3A_1893 = tpu.vector_load_idx %gather3A_1892[%add3A_1888] : memref<256xi32, #tpu.memory_space<vmem>>[vector<16xi32>], vector<16xi32>,
      %mul3A_1894 = arith.constant 100 : i32
      %mul3A_1895 = vector.broadcast %mul3A_1894 : i32 to vector<16xi32>
      %mul3A_1896 = arith.muli %gather3A_1885, %mul3A_1895 : vector<16xi32>
      %add3A_1897 = arith.addi %mul3A_1896, %gather3A_1893 : vector<16xi32>
      %swap3A_1898 = arith.constant 2 : i32
      %swap3A_1899 = arith.index_cast %select_n3A_1182 : i32 to index
      %swap3A_1900 = arith.index_cast %swap3A_1898 : i32 to index
      %swap3A_1901 = arith.constant 112 : index
      %swap3A_1902 = tpu.vector_load %arg6[%swap3A_1899, %swap3A_1900, %swap3A_1901] {strides = array<i32>} : memref<3x4x128xi32, #tpu.memory_space<vmem>>, vector<16xi32>,
      tpu.vector_store %arg6[%swap3A_1899, %swap3A_1900, %swap3A_1901], %add3A_1897 {strides = array<i32>} : memref<3x4x128xi32, #tpu.memory_space<vmem>>, vector<16xi32>,
      %mul3A_1903 = arith.constant 2 : i32
      %mul3A_1904 = vector.broadcast %mul3A_1903 : i32 to vector<16xi32>
      %mul3A_1905 = arith.muli %iota3A, %mul3A_1904 : vector<16xi32>
      %add3A_1906 = arith.constant 0 : i32
      %add3A_1907 = vector.broadcast %add3A_1906 : i32 to vector<16xi32>
      %add3A_1908 = arith.addi %mul3A_1905, %add3A_1907 : vector<16xi32>
      %gather3A_1909 = arith.constant 3 : i32
      %gather3A_1910 = arith.constant 0 : i32
      %gather3A_1911 = tpu.memref_slice %arg5[%select_n3A_1182, %gather3A_1909, %gather3A_1910] : memref<3x4x256xi32, #tpu.memory_space<vmem>> -> memref<1x1x256xi32, #tpu.memory_space<vmem>>
      %gather3A_1912 = tpu.memref_squeeze %gather3A_1911 : memref<1x1x256xi32, #tpu.memory_space<vmem>> -> memref<256xi32, #tpu.memory_space<vmem>>
      %gather3A_1913 = tpu.vector_load_idx %gather3A_1912[%add3A_1908] : memref<256xi32, #tpu.memory_space<vmem>>[vector<16xi32>], vector<16xi32>,
      %add3A_1914 = arith.constant 1 : i32
      %add3A_1915 = vector.broadcast %add3A_1914 : i32 to vector<16xi32>
      %add3A_1916 = arith.addi %add3A_1908, %add3A_1915 : vector<16xi32>
      %gather3A_1917 = arith.constant 3 : i32
      %gather3A_1918 = arith.constant 0 : i32
      %gather3A_1919 = tpu.memref_slice %arg5[%select_n3A_1182, %gather3A_1917, %gather3A_1918] : memref<3x4x256xi32, #tpu.memory_space<vmem>> -> memref<1x1x256xi32, #tpu.memory_space<vmem>>
      %gather3A_1920 = tpu.memref_squeeze %gather3A_1919 : memref<1x1x256xi32, #tpu.memory_space<vmem>> -> memref<256xi32, #tpu.memory_space<vmem>>
      %gather3A_1921 = tpu.vector_load_idx %gather3A_1920[%add3A_1916] : memref<256xi32, #tpu.memory_space<vmem>>[vector<16xi32>], vector<16xi32>,
      %mul3A_1922 = arith.constant 100 : i32
      %mul3A_1923 = vector.broadcast %mul3A_1922 : i32 to vector<16xi32>
      %mul3A_1924 = arith.muli %gather3A_1913, %mul3A_1923 : vector<16xi32>
      %add3A_1925 = arith.addi %mul3A_1924, %gather3A_1921 : vector<16xi32>
      %swap3A_1926 = arith.constant 3 : i32
      %swap3A_1927 = arith.index_cast %select_n3A_1182 : i32 to index
      %swap3A_1928 = arith.index_cast %swap3A_1926 : i32 to index
      %swap3A_1929 = arith.constant 0 : index
      %swap3A_1930 = tpu.vector_load %arg6[%swap3A_1927, %swap3A_1928, %swap3A_1929] {strides = array<i32>} : memref<3x4x128xi32, #tpu.memory_space<vmem>>, vector<16xi32>,
      tpu.vector_store %arg6[%swap3A_1927, %swap3A_1928, %swap3A_1929], %add3A_1925 {strides = array<i32>} : memref<3x4x128xi32, #tpu.memory_space<vmem>>, vector<16xi32>,
      %mul3A_1931 = arith.constant 2 : i32
      %mul3A_1932 = vector.broadcast %mul3A_1931 : i32 to vector<16xi32>
      %mul3A_1933 = arith.muli %iota3A, %mul3A_1932 : vector<16xi32>
      %add3A_1934 = arith.constant 32 : i32
      %add3A_1935 = vector.broadcast %add3A_1934 : i32 to vector<16xi32>
      %add3A_1936 = arith.addi %mul3A_1933, %add3A_1935 : vector<16xi32>
      %gather3A_1937 = arith.constant 3 : i32
      %gather3A_1938 = arith.constant 0 : i32
      %gather3A_1939 = tpu.memref_slice %arg5[%select_n3A_1182, %gather3A_1937, %gather3A_1938] : memref<3x4x256xi32, #tpu.memory_space<vmem>> -> memref<1x1x256xi32, #tpu.memory_space<vmem>>
      %gather3A_1940 = tpu.memref_squeeze %gather3A_1939 : memref<1x1x256xi32, #tpu.memory_space<vmem>> -> memref<256xi32, #tpu.memory_space<vmem>>
      %gather3A_1941 = tpu.vector_load_idx %gather3A_1940[%add3A_1936] : memref<256xi32, #tpu.memory_space<vmem>>[vector<16xi32>], vector<16xi32>,
      %add3A_1942 = arith.constant 1 : i32
      %add3A_1943 = vector.broadcast %add3A_1942 : i32 to vector<16xi32>
      %add3A_1944 = arith.addi %add3A_1936, %add3A_1943 : vector<16xi32>
      %gather3A_1945 = arith.constant 3 : i32
      %gather3A_1946 = arith.constant 0 : i32
      %gather3A_1947 = tpu.memref_slice %arg5[%select_n3A_1182, %gather3A_1945, %gather3A_1946] : memref<3x4x256xi32, #tpu.memory_space<vmem>> -> memref<1x1x256xi32, #tpu.memory_space<vmem>>
      %gather3A_1948 = tpu.memref_squeeze %gather3A_1947 : memref<1x1x256xi32, #tpu.memory_space<vmem>> -> memref<256xi32, #tpu.memory_space<vmem>>
      %gather3A_1949 = tpu.vector_load_idx %gather3A_1948[%add3A_1944] : memref<256xi32, #tpu.memory_space<vmem>>[vector<16xi32>], vector<16xi32>,
      %mul3A_1950 = arith.constant 100 : i32
      %mul3A_1951 = vector.broadcast %mul3A_1950 : i32 to vector<16xi32>
      %mul3A_1952 = arith.muli %gather3A_1941, %mul3A_1951 : vector<16xi32>
      %add3A_1953 = arith.addi %mul3A_1952, %gather3A_1949 : vector<16xi32>
      %swap3A_1954 = arith.constant 3 : i32
      %swap3A_1955 = arith.index_cast %select_n3A_1182 : i32 to index
      %swap3A_1956 = arith.index_cast %swap3A_1954 : i32 to index
      %swap3A_1957 = arith.constant 16 : index
      %swap3A_1958 = tpu.vector_load %arg6[%swap3A_1955, %swap3A_1956, %swap3A_1957] {strides = array<i32>} : memref<3x4x128xi32, #tpu.memory_space<vmem>>, vector<16xi32>,
      tpu.vector_store %arg6[%swap3A_1955, %swap3A_1956, %swap3A_1957], %add3A_1953 {strides = array<i32>} : memref<3x4x128xi32, #tpu.memory_space<vmem>>, vector<16xi32>,
      %mul3A_1959 = arith.constant 2 : i32
      %mul3A_1960 = vector.broadcast %mul3A_1959 : i32 to vector<16xi32>
      %mul3A_1961 = arith.muli %iota3A, %mul3A_1960 : vector<16xi32>
      %add3A_1962 = arith.constant 64 : i32
      %add3A_1963 = vector.broadcast %add3A_1962 : i32 to vector<16xi32>
      %add3A_1964 = arith.addi %mul3A_1961, %add3A_1963 : vector<16xi32>
      %gather3A_1965 = arith.constant 3 : i32
      %gather3A_1966 = arith.constant 0 : i32
      %gather3A_1967 = tpu.memref_slice %arg5[%select_n3A_1182, %gather3A_1965, %gather3A_1966] : memref<3x4x256xi32, #tpu.memory_space<vmem>> -> memref<1x1x256xi32, #tpu.memory_space<vmem>>
      %gather3A_1968 = tpu.memref_squeeze %gather3A_1967 : memref<1x1x256xi32, #tpu.memory_space<vmem>> -> memref<256xi32, #tpu.memory_space<vmem>>
      %gather3A_1969 = tpu.vector_load_idx %gather3A_1968[%add3A_1964] : memref<256xi32, #tpu.memory_space<vmem>>[vector<16xi32>], vector<16xi32>,
      %add3A_1970 = arith.constant 1 : i32
      %add3A_1971 = vector.broadcast %add3A_1970 : i32 to vector<16xi32>
      %add3A_1972 = arith.addi %add3A_1964, %add3A_1971 : vector<16xi32>
      %gather3A_1973 = arith.constant 3 : i32
      %gather3A_1974 = arith.constant 0 : i32
      %gather3A_1975 = tpu.memref_slice %arg5[%select_n3A_1182, %gather3A_1973, %gather3A_1974] : memref<3x4x256xi32, #tpu.memory_space<vmem>> -> memref<1x1x256xi32, #tpu.memory_space<vmem>>
      %gather3A_1976 = tpu.memref_squeeze %gather3A_1975 : memref<1x1x256xi32, #tpu.memory_space<vmem>> -> memref<256xi32, #tpu.memory_space<vmem>>
      %gather3A_1977 = tpu.vector_load_idx %gather3A_1976[%add3A_1972] : memref<256xi32, #tpu.memory_space<vmem>>[vector<16xi32>], vector<16xi32>,
      %mul3A_1978 = arith.constant 100 : i32
      %mul3A_1979 = vector.broadcast %mul3A_1978 : i32 to vector<16xi32>
      %mul3A_1980 = arith.muli %gather3A_1969, %mul3A_1979 : vector<16xi32>
      %add3A_1981 = arith.addi %mul3A_1980, %gather3A_1977 : vector<16xi32>
      %swap3A_1982 = arith.constant 3 : i32
      %swap3A_1983 = arith.index_cast %select_n3A_1182 : i32 to index
      %swap3A_1984 = arith.index_cast %swap3A_1982 : i32 to index
      %swap3A_1985 = arith.constant 32 : index
      %swap3A_1986 = tpu.vector_load %arg6[%swap3A_1983, %swap3A_1984, %swap3A_1985] {strides = array<i32>} : memref<3x4x128xi32, #tpu.memory_space<vmem>>, vector<16xi32>,
      tpu.vector_store %arg6[%swap3A_1983, %swap3A_1984, %swap3A_1985], %add3A_1981 {strides = array<i32>} : memref<3x4x128xi32, #tpu.memory_space<vmem>>, vector<16xi32>,
      %mul3A_1987 = arith.constant 2 : i32
      %mul3A_1988 = vector.broadcast %mul3A_1987 : i32 to vector<16xi32>
      %mul3A_1989 = arith.muli %iota3A, %mul3A_1988 : vector<16xi32>
      %add3A_1990 = arith.constant 96 : i32
      %add3A_1991 = vector.broadcast %add3A_1990 : i32 to vector<16xi32>
      %add3A_1992 = arith.addi %mul3A_1989, %add3A_1991 : vector<16xi32>
      %gather3A_1993 = arith.constant 3 : i32
      %gather3A_1994 = arith.constant 0 : i32
      %gather3A_1995 = tpu.memref_slice %arg5[%select_n3A_1182, %gather3A_1993, %gather3A_1994] : memref<3x4x256xi32, #tpu.memory_space<vmem>> -> memref<1x1x256xi32, #tpu.memory_space<vmem>>
      %gather3A_1996 = tpu.memref_squeeze %gather3A_1995 : memref<1x1x256xi32, #tpu.memory_space<vmem>> -> memref<256xi32, #tpu.memory_space<vmem>>
      %gather3A_1997 = tpu.vector_load_idx %gather3A_1996[%add3A_1992] : memref<256xi32, #tpu.memory_space<vmem>>[vector<16xi32>], vector<16xi32>,
      %add3A_1998 = arith.constant 1 : i32
      %add3A_1999 = vector.broadcast %add3A_1998 : i32 to vector<16xi32>
      %add3A_2000 = arith.addi %add3A_1992, %add3A_1999 : vector<16xi32>
      %gather3A_2001 = arith.constant 3 : i32
      %gather3A_2002 = arith.constant 0 : i32
      %gather3A_2003 = tpu.memref_slice %arg5[%select_n3A_1182, %gather3A_2001, %gather3A_2002] : memref<3x4x256xi32, #tpu.memory_space<vmem>> -> memref<1x1x256xi32, #tpu.memory_space<vmem>>
      %gather3A_2004 = tpu.memref_squeeze %gather3A_2003 : memref<1x1x256xi32, #tpu.memory_space<vmem>> -> memref<256xi32, #tpu.memory_space<vmem>>
      %gather3A_2005 = tpu.vector_load_idx %gather3A_2004[%add3A_2000] : memref<256xi32, #tpu.memory_space<vmem>>[vector<16xi32>], vector<16xi32>,
      %mul3A_2006 = arith.constant 100 : i32
      %mul3A_2007 = vector.broadcast %mul3A_2006 : i32 to vector<16xi32>
      %mul3A_2008 = arith.muli %gather3A_1997, %mul3A_2007 : vector<16xi32>
      %add3A_2009 = arith.addi %mul3A_2008, %gather3A_2005 : vector<16xi32>
      %swap3A_2010 = arith.constant 3 : i32
      %swap3A_2011 = arith.index_cast %select_n3A_1182 : i32 to index
      %swap3A_2012 = arith.index_cast %swap3A_2010 : i32 to index
      %swap3A_2013 = arith.constant 48 : index
      %swap3A_2014 = tpu.vector_load %arg6[%swap3A_2011, %swap3A_2012, %swap3A_2013] {strides = array<i32>} : memref<3x4x128xi32, #tpu.memory_space<vmem>>, vector<16xi32>,
      tpu.vector_store %arg6[%swap3A_2011, %swap3A_2012, %swap3A_2013], %add3A_2009 {strides = array<i32>} : memref<3x4x128xi32, #tpu.memory_space<vmem>>, vector<16xi32>,
      %mul3A_2015 = arith.constant 2 : i32
      %mul3A_2016 = vector.broadcast %mul3A_2015 : i32 to vector<16xi32>
      %mul3A_2017 = arith.muli %iota3A, %mul3A_2016 : vector<16xi32>
      %add3A_2018 = arith.constant 128 : i32
      %add3A_2019 = vector.broadcast %add3A_2018 : i32 to vector<16xi32>
      %add3A_2020 = arith.addi %mul3A_2017, %add3A_2019 : vector<16xi32>
      %gather3A_2021 = arith.constant 3 : i32
      %gather3A_2022 = arith.constant 0 : i32
      %gather3A_2023 = tpu.memref_slice %arg5[%select_n3A_1182, %gather3A_2021, %gather3A_2022] : memref<3x4x256xi32, #tpu.memory_space<vmem>> -> memref<1x1x256xi32, #tpu.memory_space<vmem>>
      %gather3A_2024 = tpu.memref_squeeze %gather3A_2023 : memref<1x1x256xi32, #tpu.memory_space<vmem>> -> memref<256xi32, #tpu.memory_space<vmem>>
      %gather3A_2025 = tpu.vector_load_idx %gather3A_2024[%add3A_2020] : memref<256xi32, #tpu.memory_space<vmem>>[vector<16xi32>], vector<16xi32>,
      %add3A_2026 = arith.constant 1 : i32
      %add3A_2027 = vector.broadcast %add3A_2026 : i32 to vector<16xi32>
      %add3A_2028 = arith.addi %add3A_2020, %add3A_2027 : vector<16xi32>
      %gather3A_2029 = arith.constant 3 : i32
      %gather3A_2030 = arith.constant 0 : i32
      %gather3A_2031 = tpu.memref_slice %arg5[%select_n3A_1182, %gather3A_2029, %gather3A_2030] : memref<3x4x256xi32, #tpu.memory_space<vmem>> -> memref<1x1x256xi32, #tpu.memory_space<vmem>>
      %gather3A_2032 = tpu.memref_squeeze %gather3A_2031 : memref<1x1x256xi32, #tpu.memory_space<vmem>> -> memref<256xi32, #tpu.memory_space<vmem>>
      %gather3A_2033 = tpu.vector_load_idx %gather3A_2032[%add3A_2028] : memref<256xi32, #tpu.memory_space<vmem>>[vector<16xi32>], vector<16xi32>,
      %mul3A_2034 = arith.constant 100 : i32
      %mul3A_2035 = vector.broadcast %mul3A_2034 : i32 to vector<16xi32>
      %mul3A_2036 = arith.muli %gather3A_2025, %mul3A_2035 : vector<16xi32>
      %add3A_2037 = arith.addi %mul3A_2036, %gather3A_2033 : vector<16xi32>
      %swap3A_2038 = arith.constant 3 : i32
      %swap3A_2039 = arith.index_cast %select_n3A_1182 : i32 to index
      %swap3A_2040 = arith.index_cast %swap3A_2038 : i32 to index
      %swap3A_2041 = arith.constant 64 : index
      %swap3A_2042 = tpu.vector_load %arg6[%swap3A_2039, %swap3A_2040, %swap3A_2041] {strides = array<i32>} : memref<3x4x128xi32, #tpu.memory_space<vmem>>, vector<16xi32>,
      tpu.vector_store %arg6[%swap3A_2039, %swap3A_2040, %swap3A_2041], %add3A_2037 {strides = array<i32>} : memref<3x4x128xi32, #tpu.memory_space<vmem>>, vector<16xi32>,
      %mul3A_2043 = arith.constant 2 : i32
      %mul3A_2044 = vector.broadcast %mul3A_2043 : i32 to vector<16xi32>
      %mul3A_2045 = arith.muli %iota3A, %mul3A_2044 : vector<16xi32>
      %add3A_2046 = arith.constant 160 : i32
      %add3A_2047 = vector.broadcast %add3A_2046 : i32 to vector<16xi32>
      %add3A_2048 = arith.addi %mul3A_2045, %add3A_2047 : vector<16xi32>
      %gather3A_2049 = arith.constant 3 : i32
      %gather3A_2050 = arith.constant 0 : i32
      %gather3A_2051 = tpu.memref_slice %arg5[%select_n3A_1182, %gather3A_2049, %gather3A_2050] : memref<3x4x256xi32, #tpu.memory_space<vmem>> -> memref<1x1x256xi32, #tpu.memory_space<vmem>>
      %gather3A_2052 = tpu.memref_squeeze %gather3A_2051 : memref<1x1x256xi32, #tpu.memory_space<vmem>> -> memref<256xi32, #tpu.memory_space<vmem>>
      %gather3A_2053 = tpu.vector_load_idx %gather3A_2052[%add3A_2048] : memref<256xi32, #tpu.memory_space<vmem>>[vector<16xi32>], vector<16xi32>,
      %add3A_2054 = arith.constant 1 : i32
      %add3A_2055 = vector.broadcast %add3A_2054 : i32 to vector<16xi32>
      %add3A_2056 = arith.addi %add3A_2048, %add3A_2055 : vector<16xi32>
      %gather3A_2057 = arith.constant 3 : i32
      %gather3A_2058 = arith.constant 0 : i32
      %gather3A_2059 = tpu.memref_slice %arg5[%select_n3A_1182, %gather3A_2057, %gather3A_2058] : memref<3x4x256xi32, #tpu.memory_space<vmem>> -> memref<1x1x256xi32, #tpu.memory_space<vmem>>
      %gather3A_2060 = tpu.memref_squeeze %gather3A_2059 : memref<1x1x256xi32, #tpu.memory_space<vmem>> -> memref<256xi32, #tpu.memory_space<vmem>>
      %gather3A_2061 = tpu.vector_load_idx %gather3A_2060[%add3A_2056] : memref<256xi32, #tpu.memory_space<vmem>>[vector<16xi32>], vector<16xi32>,
      %mul3A_2062 = arith.constant 100 : i32
      %mul3A_2063 = vector.broadcast %mul3A_2062 : i32 to vector<16xi32>
      %mul3A_2064 = arith.muli %gather3A_2053, %mul3A_2063 : vector<16xi32>
      %add3A_2065 = arith.addi %mul3A_2064, %gather3A_2061 : vector<16xi32>
      %swap3A_2066 = arith.constant 3 : i32
      %swap3A_2067 = arith.index_cast %select_n3A_1182 : i32 to index
      %swap3A_2068 = arith.index_cast %swap3A_2066 : i32 to index
      %swap3A_2069 = arith.constant 80 : index
      %swap3A_2070 = tpu.vector_load %arg6[%swap3A_2067, %swap3A_2068, %swap3A_2069] {strides = array<i32>} : memref<3x4x128xi32, #tpu.memory_space<vmem>>, vector<16xi32>,
      tpu.vector_store %arg6[%swap3A_2067, %swap3A_2068, %swap3A_2069], %add3A_2065 {strides = array<i32>} : memref<3x4x128xi32, #tpu.memory_space<vmem>>, vector<16xi32>,
      %mul3A_2071 = arith.constant 2 : i32
      %mul3A_2072 = vector.broadcast %mul3A_2071 : i32 to vector<16xi32>
      %mul3A_2073 = arith.muli %iota3A, %mul3A_2072 : vector<16xi32>
      %add3A_2074 = arith.constant 192 : i32
      %add3A_2075 = vector.broadcast %add3A_2074 : i32 to vector<16xi32>
      %add3A_2076 = arith.addi %mul3A_2073, %add3A_2075 : vector<16xi32>
      %gather3A_2077 = arith.constant 3 : i32
      %gather3A_2078 = arith.constant 0 : i32
      %gather3A_2079 = tpu.memref_slice %arg5[%select_n3A_1182, %gather3A_2077, %gather3A_2078] : memref<3x4x256xi32, #tpu.memory_space<vmem>> -> memref<1x1x256xi32, #tpu.memory_space<vmem>>
      %gather3A_2080 = tpu.memref_squeeze %gather3A_2079 : memref<1x1x256xi32, #tpu.memory_space<vmem>> -> memref<256xi32, #tpu.memory_space<vmem>>
      %gather3A_2081 = tpu.vector_load_idx %gather3A_2080[%add3A_2076] : memref<256xi32, #tpu.memory_space<vmem>>[vector<16xi32>], vector<16xi32>,
      %add3A_2082 = arith.constant 1 : i32
      %add3A_2083 = vector.broadcast %add3A_2082 : i32 to vector<16xi32>
      %add3A_2084 = arith.addi %add3A_2076, %add3A_2083 : vector<16xi32>
      %gather3A_2085 = arith.constant 3 : i32
      %gather3A_2086 = arith.constant 0 : i32
      %gather3A_2087 = tpu.memref_slice %arg5[%select_n3A_1182, %gather3A_2085, %gather3A_2086] : memref<3x4x256xi32, #tpu.memory_space<vmem>> -> memref<1x1x256xi32, #tpu.memory_space<vmem>>
      %gather3A_2088 = tpu.memref_squeeze %gather3A_2087 : memref<1x1x256xi32, #tpu.memory_space<vmem>> -> memref<256xi32, #tpu.memory_space<vmem>>
      %gather3A_2089 = tpu.vector_load_idx %gather3A_2088[%add3A_2084] : memref<256xi32, #tpu.memory_space<vmem>>[vector<16xi32>], vector<16xi32>,
      %mul3A_2090 = arith.constant 100 : i32
      %mul3A_2091 = vector.broadcast %mul3A_2090 : i32 to vector<16xi32>
      %mul3A_2092 = arith.muli %gather3A_2081, %mul3A_2091 : vector<16xi32>
      %add3A_2093 = arith.addi %mul3A_2092, %gather3A_2089 : vector<16xi32>
      %swap3A_2094 = arith.constant 3 : i32
      %swap3A_2095 = arith.index_cast %select_n3A_1182 : i32 to index
      %swap3A_2096 = arith.index_cast %swap3A_2094 : i32 to index
      %swap3A_2097 = arith.constant 96 : index
      %swap3A_2098 = tpu.vector_load %arg6[%swap3A_2095, %swap3A_2096, %swap3A_2097] {strides = array<i32>} : memref<3x4x128xi32, #tpu.memory_space<vmem>>, vector<16xi32>,
      tpu.vector_store %arg6[%swap3A_2095, %swap3A_2096, %swap3A_2097], %add3A_2093 {strides = array<i32>} : memref<3x4x128xi32, #tpu.memory_space<vmem>>, vector<16xi32>,
      %mul3A_2099 = arith.constant 2 : i32
      %mul3A_2100 = vector.broadcast %mul3A_2099 : i32 to vector<16xi32>
      %mul3A_2101 = arith.muli %iota3A, %mul3A_2100 : vector<16xi32>
      %add3A_2102 = arith.constant 224 : i32
      %add3A_2103 = vector.broadcast %add3A_2102 : i32 to vector<16xi32>
      %add3A_2104 = arith.addi %mul3A_2101, %add3A_2103 : vector<16xi32>
      %gather3A_2105 = arith.constant 3 : i32
      %gather3A_2106 = arith.constant 0 : i32
      %gather3A_2107 = tpu.memref_slice %arg5[%select_n3A_1182, %gather3A_2105, %gather3A_2106] : memref<3x4x256xi32, #tpu.memory_space<vmem>> -> memref<1x1x256xi32, #tpu.memory_space<vmem>>
      %gather3A_2108 = tpu.memref_squeeze %gather3A_2107 : memref<1x1x256xi32, #tpu.memory_space<vmem>> -> memref<256xi32, #tpu.memory_space<vmem>>
      %gather3A_2109 = tpu.vector_load_idx %gather3A_2108[%add3A_2104] : memref<256xi32, #tpu.memory_space<vmem>>[vector<16xi32>], vector<16xi32>,
      %add3A_2110 = arith.constant 1 : i32
      %add3A_2111 = vector.broadcast %add3A_2110 : i32 to vector<16xi32>
      %add3A_2112 = arith.addi %add3A_2104, %add3A_2111 : vector<16xi32>
      %gather3A_2113 = arith.constant 3 : i32
      %gather3A_2114 = arith.constant 0 : i32
      %gather3A_2115 = tpu.memref_slice %arg5[%select_n3A_1182, %gather3A_2113, %gather3A_2114] : memref<3x4x256xi32, #tpu.memory_space<vmem>> -> memref<1x1x256xi32, #tpu.memory_space<vmem>>
      %gather3A_2116 = tpu.memref_squeeze %gather3A_2115 : memref<1x1x256xi32, #tpu.memory_space<vmem>> -> memref<256xi32, #tpu.memory_space<vmem>>
      %gather3A_2117 = tpu.vector_load_idx %gather3A_2116[%add3A_2112] : memref<256xi32, #tpu.memory_space<vmem>>[vector<16xi32>], vector<16xi32>,
      %mul3A_2118 = arith.constant 100 : i32
      %mul3A_2119 = vector.broadcast %mul3A_2118 : i32 to vector<16xi32>
      %mul3A_2120 = arith.muli %gather3A_2109, %mul3A_2119 : vector<16xi32>
      %add3A_2121 = arith.addi %mul3A_2120, %gather3A_2117 : vector<16xi32>
      %swap3A_2122 = arith.constant 3 : i32
      %swap3A_2123 = arith.index_cast %select_n3A_1182 : i32 to index
      %swap3A_2124 = arith.index_cast %swap3A_2122 : i32 to index
      %swap3A_2125 = arith.constant 112 : index
      %swap3A_2126 = tpu.vector_load %arg6[%swap3A_2123, %swap3A_2124, %swap3A_2125] {strides = array<i32>} : memref<3x4x128xi32, #tpu.memory_space<vmem>>, vector<16xi32>,
      tpu.vector_store %arg6[%swap3A_2123, %swap3A_2124, %swap3A_2125], %add3A_2121 {strides = array<i32>} : memref<3x4x128xi32, #tpu.memory_space<vmem>>, vector<16xi32>,
      %ge3A = arith.constant 2 : i32
      %ge3A_2127 = arith.cmpi sge, %scan3A_1173, %ge3A : i32
      %convert_element_type3A = arith.extui %ge3A_2127 : i1 to i32
      %cond3A = arith.constant 0 : i32
      %cond3A_2128 = arith.cmpi ne, %convert_element_type3A, %cond3A : i32
      scf.if %cond3A_2128 {
        %sub3A_2224 = arith.constant 2 : i32
        %sub3A_2225 = arith.subi %scan3A_1173, %sub3A_2224 : i32
        %mul3A_2226 = arith.constant 4 : i32
        %mul3A_2227 = arith.muli %sub3A_2225, %mul3A_2226 : i32
        %add3A_2228 = arith.addi %mul3A_2, %mul3A_2227 : i32
        %dma_wait3A_2229 = arith.constant 0 : i32
        %dma_wait3A_2230 = arith.constant 0 : i32
        %dma_wait3A_2231 = arith.constant 0 : i32
        %dma_wait3A_2232 = tpu.memref_slice %arg7[%select_n3A_1198, %dma_wait3A_2229, %dma_wait3A_2230, %dma_wait3A_2231] : memref<2x4x128x72xf32, #tpu.memory_space<vmem>> -> memref<1x4x128x72xf32, #tpu.memory_space<vmem>>
        %dma_wait3A_2233 = tpu.memref_squeeze %dma_wait3A_2232 : memref<1x4x128x72xf32, #tpu.memory_space<vmem>> -> memref<4x128x72xf32, #tpu.memory_space<vmem>>
        %dma_wait3A_2234 = arith.constant 0 : i32
        %dma_wait3A_2235 = arith.constant 0 : i32
        %dma_wait3A_2236 = tpu.memref_slice %arg4[%add3A_2228, %dma_wait3A_2234, %dma_wait3A_2235] : memref<12800x128x72xf32, #tpu.memory_space<hbm>> -> memref<4x128x72xf32, #tpu.memory_space<hbm>>
        %dma_wait3A_2237 = arith.constant 0 : i32
        %dma_wait3A_2238 = arith.constant 0 : i32
        %dma_wait3A_2239 = tpu.memref_slice %arg4[%add3A_2228, %dma_wait3A_2237, %dma_wait3A_2238] : memref<12800x128x72xf32, #tpu.memory_space<hbm>> -> memref<4x128x72xf32, #tpu.memory_space<hbm>>
        %dma_wait3A_2240 = arith.constant 0 : i32
        %dma_wait3A_2241 = arith.constant 0 : i32
        %dma_wait3A_2242 = arith.constant 0 : i32
        %dma_wait3A_2243 = tpu.memref_slice %arg7[%select_n3A_1198, %dma_wait3A_2240, %dma_wait3A_2241, %dma_wait3A_2242] : memref<2x4x128x72xf32, #tpu.memory_space<vmem>> -> memref<1x4x128x72xf32, #tpu.memory_space<vmem>>
        %dma_wait3A_2244 = tpu.memref_squeeze %dma_wait3A_2243 : memref<1x4x128x72xf32, #tpu.memory_space<vmem>> -> memref<4x128x72xf32, #tpu.memory_space<vmem>>
        tpu.wait_dma2 semaphore(%arg10 : memref<!tpu.dma_semaphore, #tpu.memory_space<semaphore_mem>>) src(%dma_wait3A_2244 : memref<4x128x72xf32, #tpu.memory_space<vmem>>) dst(%dma_wait3A_2239 : memref<4x128x72xf32, #tpu.memory_space<hbm>>)
      } else {
      }
      %dma_start3A_2129 = arith.constant 0 : i32
      %dma_start3A_2130 = arith.constant 0 : i32
      %dma_start3A_2131 = arith.constant 0 : i32
      %dma_start3A_2132 = arith.constant 0 : i32
      %dma_start3A_2133 = tpu.memref_slice %arg7[%select_n3A_1198, %dma_start3A_2130, %dma_start3A_2131, %dma_start3A_2132] : memref<2x4x128x72xf32, #tpu.memory_space<vmem>> -> memref<1x1x128x72xf32, #tpu.memory_space<vmem>>
      %dma_start3A_2134 = tpu.memref_squeeze %dma_start3A_2133 : memref<1x1x128x72xf32, #tpu.memory_space<vmem>> -> memref<128x72xf32, #tpu.memory_space<vmem>>
      %dma_start3A_2135 = arith.constant 0 : i32
      %dma_start3A_2136 = tpu.memref_slice %arg6[%select_n3A_1182, %dma_start3A_2129, %dma_start3A_2135] : memref<3x4x128xi32, #tpu.memory_space<vmem>> -> memref<1x1x128xi32, #tpu.memory_space<vmem>>
      %dma_start3A_2137 = tpu.memref_squeeze %dma_start3A_2136 : memref<1x1x128xi32, #tpu.memory_space<vmem>> -> memref<128xi32, #tpu.memory_space<vmem>>
      %dma_start3A_2138 = arith.constant 0 : i32
      %dma_start3A_2139 = arith.constant 0 : i32
      %dma_start3A_2140 = tpu.memref_slice %arg3[%dma_start3A_2138, %dma_start3A_2139] : memref<10000x72xf32, #tpu.memory_space<hbm>> -> memref<10000x72xf32, #tpu.memory_space<hbm>>
      tpu.enqueue_indirect_dma source(%dma_start3A_2140 : memref<10000x72xf32, #tpu.memory_space<hbm>>) target(%dma_start3A_2134 : memref<128x72xf32, #tpu.memory_space<vmem>>) offsets(%dma_start3A_2137 : memref<128xi32, #tpu.memory_space<vmem>>) semaphore(%arg9 : memref<!tpu.dma_semaphore, #tpu.memory_space<semaphore_mem>>)
      %dma_start3A_2141 = arith.constant 1 : i32
      %dma_start3A_2142 = arith.constant 1 : i32
      %dma_start3A_2143 = arith.constant 0 : i32
      %dma_start3A_2144 = arith.constant 0 : i32
      %dma_start3A_2145 = tpu.memref_slice %arg7[%select_n3A_1198, %dma_start3A_2142, %dma_start3A_2143, %dma_start3A_2144] : memref<2x4x128x72xf32, #tpu.memory_space<vmem>> -> memref<1x1x128x72xf32, #tpu.memory_space<vmem>>
      %dma_start3A_2146 = tpu.memref_squeeze %dma_start3A_2145 : memref<1x1x128x72xf32, #tpu.memory_space<vmem>> -> memref<128x72xf32, #tpu.memory_space<vmem>>
      %dma_start3A_2147 = arith.constant 0 : i32
      %dma_start3A_2148 = tpu.memref_slice %arg6[%select_n3A_1182, %dma_start3A_2141, %dma_start3A_2147] : memref<3x4x128xi32, #tpu.memory_space<vmem>> -> memref<1x1x128xi32, #tpu.memory_space<vmem>>
      %dma_start3A_2149 = tpu.memref_squeeze %dma_start3A_2148 : memref<1x1x128xi32, #tpu.memory_space<vmem>> -> memref<128xi32, #tpu.memory_space<vmem>>
      %dma_start3A_2150 = arith.constant 0 : i32
      %dma_start3A_2151 = arith.constant 0 : i32
      %dma_start3A_2152 = tpu.memref_slice %arg3[%dma_start3A_2150, %dma_start3A_2151] : memref<10000x72xf32, #tpu.memory_space<hbm>> -> memref<10000x72xf32, #tpu.memory_space<hbm>>
      tpu.enqueue_indirect_dma source(%dma_start3A_2152 : memref<10000x72xf32, #tpu.memory_space<hbm>>) target(%dma_start3A_2146 : memref<128x72xf32, #tpu.memory_space<vmem>>) offsets(%dma_start3A_2149 : memref<128xi32, #tpu.memory_space<vmem>>) semaphore(%arg9 : memref<!tpu.dma_semaphore, #tpu.memory_space<semaphore_mem>>)
      %dma_start3A_2153 = arith.constant 2 : i32
      %dma_start3A_2154 = arith.constant 2 : i32
      %dma_start3A_2155 = arith.constant 0 : i32
      %dma_start3A_2156 = arith.constant 0 : i32
      %dma_start3A_2157 = tpu.memref_slice %arg7[%select_n3A_1198, %dma_start3A_2154, %dma_start3A_2155, %dma_start3A_2156] : memref<2x4x128x72xf32, #tpu.memory_space<vmem>> -> memref<1x1x128x72xf32, #tpu.memory_space<vmem>>
      %dma_start3A_2158 = tpu.memref_squeeze %dma_start3A_2157 : memref<1x1x128x72xf32, #tpu.memory_space<vmem>> -> memref<128x72xf32, #tpu.memory_space<vmem>>
      %dma_start3A_2159 = arith.constant 0 : i32
      %dma_start3A_2160 = tpu.memref_slice %arg6[%select_n3A_1182, %dma_start3A_2153, %dma_start3A_2159] : memref<3x4x128xi32, #tpu.memory_space<vmem>> -> memref<1x1x128xi32, #tpu.memory_space<vmem>>
      %dma_start3A_2161 = tpu.memref_squeeze %dma_start3A_2160 : memref<1x1x128xi32, #tpu.memory_space<vmem>> -> memref<128xi32, #tpu.memory_space<vmem>>
      %dma_start3A_2162 = arith.constant 0 : i32
      %dma_start3A_2163 = arith.constant 0 : i32
      %dma_start3A_2164 = tpu.memref_slice %arg3[%dma_start3A_2162, %dma_start3A_2163] : memref<10000x72xf32, #tpu.memory_space<hbm>> -> memref<10000x72xf32, #tpu.memory_space<hbm>>
      tpu.enqueue_indirect_dma source(%dma_start3A_2164 : memref<10000x72xf32, #tpu.memory_space<hbm>>) target(%dma_start3A_2158 : memref<128x72xf32, #tpu.memory_space<vmem>>) offsets(%dma_start3A_2161 : memref<128xi32, #tpu.memory_space<vmem>>) semaphore(%arg9 : memref<!tpu.dma_semaphore, #tpu.memory_space<semaphore_mem>>)
      %dma_start3A_2165 = arith.constant 3 : i32
      %dma_start3A_2166 = arith.constant 3 : i32
      %dma_start3A_2167 = arith.constant 0 : i32
      %dma_start3A_2168 = arith.constant 0 : i32
      %dma_start3A_2169 = tpu.memref_slice %arg7[%select_n3A_1198, %dma_start3A_2166, %dma_start3A_2167, %dma_start3A_2168] : memref<2x4x128x72xf32, #tpu.memory_space<vmem>> -> memref<1x1x128x72xf32, #tpu.memory_space<vmem>>
      %dma_start3A_2170 = tpu.memref_squeeze %dma_start3A_2169 : memref<1x1x128x72xf32, #tpu.memory_space<vmem>> -> memref<128x72xf32, #tpu.memory_space<vmem>>
      %dma_start3A_2171 = arith.constant 0 : i32
      %dma_start3A_2172 = tpu.memref_slice %arg6[%select_n3A_1182, %dma_start3A_2165, %dma_start3A_2171] : memref<3x4x128xi32, #tpu.memory_space<vmem>> -> memref<1x1x128xi32, #tpu.memory_space<vmem>>
      %dma_start3A_2173 = tpu.memref_squeeze %dma_start3A_2172 : memref<1x1x128xi32, #tpu.memory_space<vmem>> -> memref<128xi32, #tpu.memory_space<vmem>>
      %dma_start3A_2174 = arith.constant 0 : i32
      %dma_start3A_2175 = arith.constant 0 : i32
      %dma_start3A_2176 = tpu.memref_slice %arg3[%dma_start3A_2174, %dma_start3A_2175] : memref<10000x72xf32, #tpu.memory_space<hbm>> -> memref<10000x72xf32, #tpu.memory_space<hbm>>
      tpu.enqueue_indirect_dma source(%dma_start3A_2176 : memref<10000x72xf32, #tpu.memory_space<hbm>>) target(%dma_start3A_2170 : memref<128x72xf32, #tpu.memory_space<vmem>>) offsets(%dma_start3A_2173 : memref<128xi32, #tpu.memory_space<vmem>>) semaphore(%arg9 : memref<!tpu.dma_semaphore, #tpu.memory_space<semaphore_mem>>)
      %lt3A_2177 = arith.constant 99 : i32
      %lt3A_2178 = arith.cmpi slt, %scan3A_1173, %lt3A_2177 : i32
      %convert_element_type3A_2179 = arith.extui %lt3A_2178 : i1 to i32
      %cond3A_2180 = arith.constant 0 : i32
      %cond3A_2181 = arith.cmpi ne, %convert_element_type3A_2179, %cond3A_2180 : i32
      scf.if %cond3A_2181 {
        %add3A_2224 = arith.constant 1 : i32
        %add3A_2225 = arith.addi %scan3A_1173, %add3A_2224 : i32
        %jit3A_2226 = arith.constant 3 : i32
        %eq3A_2227 = arith.constant 0 : i32
        %eq3A_2228 = arith.cmpi eq, %jit3A_2226, %eq3A_2227 : i32
        %jit3A_2229 = arith.constant 1 : i32
        %select_n3A_2230 = arith.select %eq3A_2228, %jit3A_2229, %jit3A_2226 : i32
        %rem3A_2231 = arith.remsi %add3A_2225, %select_n3A_2230 : i32
        %ne3A_2232 = arith.constant 0 : i32
        %ne3A_2233 = arith.cmpi ne, %rem3A_2231, %ne3A_2232 : i32
        %lt3A_2234 = arith.constant 0 : i32
        %lt3A_2235 = arith.cmpi slt, %rem3A_2231, %lt3A_2234 : i32
        %lt3A_2236 = arith.constant 0 : i32
        %lt3A_2237 = arith.cmpi slt, %select_n3A_2230, %lt3A_2236 : i32
        %ne3A_2238 = arith.xori %lt3A_2235, %lt3A_2237 : i1
        %and3A_2239 = arith.andi %ne3A_2238, %ne3A_2233 : i1
        %add3A_2240 = arith.addi %rem3A_2231, %select_n3A_2230 : i32
        %select_n3A_2241 = arith.select %and3A_2239, %add3A_2240, %rem3A_2231 : i32
        %add3A_2242 = arith.constant 1 : i32
        %add3A_2243 = arith.addi %scan3A_1173, %add3A_2242 : i32
        %mul3A_2244 = arith.constant 4 : i32
        %mul3A_2245 = arith.muli %add3A_2243, %mul3A_2244 : i32
        %add3A_2246 = arith.addi %mul3A_2, %mul3A_2245 : i32
        %dma_start3A_2247 = arith.constant 0 : i32
        %dma_start3A_2248 = arith.constant 0 : i32
        %dma_start3A_2249 = tpu.memref_slice %arg5[%select_n3A_2241, %dma_start3A_2247, %dma_start3A_2248] : memref<3x4x256xi32, #tpu.memory_space<vmem>> -> memref<1x4x256xi32, #tpu.memory_space<vmem>>
        %dma_start3A_2250 = tpu.memref_squeeze %dma_start3A_2249 : memref<1x4x256xi32, #tpu.memory_space<vmem>> -> memref<4x256xi32, #tpu.memory_space<vmem>>
        %dma_start3A_2251 = arith.constant 0 : i32
        %dma_start3A_2252 = tpu.memref_slice %arg2[%add3A_2246, %dma_start3A_2251] : memref<12800x256xi32, #tpu.memory_space<hbm>> -> memref<4x256xi32, #tpu.memory_space<hbm>>
        %dma_start3A_2253 = arith.constant 0 : i32
        %dma_start3A_2254 = arith.constant 0 : i32
        %dma_start3A_2255 = tpu.memref_slice %arg5[%select_n3A_2241, %dma_start3A_2253, %dma_start3A_2254] : memref<3x4x256xi32, #tpu.memory_space<vmem>> -> memref<1x4x256xi32, #tpu.memory_space<vmem>>
        %dma_start3A_2256 = tpu.memref_squeeze %dma_start3A_2255 : memref<1x4x256xi32, #tpu.memory_space<vmem>> -> memref<4x256xi32, #tpu.memory_space<vmem>>
        %dma_start3A_2257 = arith.constant 0 : i32
        %dma_start3A_2258 = tpu.memref_slice %arg2[%add3A_2246, %dma_start3A_2257] : memref<12800x256xi32, #tpu.memory_space<hbm>> -> memref<4x256xi32, #tpu.memory_space<hbm>>
        tpu.enqueue_dma source(%dma_start3A_2258 : memref<4x256xi32, #tpu.memory_space<hbm>>) target(%dma_start3A_2256 : memref<4x256xi32, #tpu.memory_space<vmem>>) target_semaphore(%arg8 : memref<!tpu.dma_semaphore, #tpu.memory_space<semaphore_mem>>)
      } else {
      }
      %sub3A_2182 = arith.constant 1 : i32
      %sub3A_2183 = arith.subi %scan3A_1173, %sub3A_2182 : i32
      %mul3A_2184 = arith.constant 4 : i32
      %mul3A_2185 = arith.muli %sub3A_2183, %mul3A_2184 : i32
      %add3A_2186 = arith.addi %mul3A_2, %mul3A_2185 : i32
      %dma_wait3A_2187 = arith.constant 0 : i32
      %dma_wait3A_2188 = arith.constant 0 : i32
      %dma_wait3A_2189 = arith.constant 0 : i32
      %dma_wait3A_2190 = tpu.memref_slice %arg7[%select_n3A_1215, %dma_wait3A_2187, %dma_wait3A_2188, %dma_wait3A_2189] : memref<2x4x128x72xf32, #tpu.memory_space<vmem>> -> memref<1x4x128x72xf32, #tpu.memory_space<vmem>>
      %dma_wait3A_2191 = tpu.memref_squeeze %dma_wait3A_2190 : memref<1x4x128x72xf32, #tpu.memory_space<vmem>> -> memref<4x128x72xf32, #tpu.memory_space<vmem>>
      %dma_wait3A_2192 = arith.constant 0 : i32
      %dma_wait3A_2193 = arith.constant 0 : i32
      %dma_wait3A_2194 = tpu.memref_slice %arg4[%add3A_2186, %dma_wait3A_2192, %dma_wait3A_2193] : memref<12800x128x72xf32, #tpu.memory_space<hbm>> -> memref<4x128x72xf32, #tpu.memory_space<hbm>>
      %dma_wait3A_2195 = arith.constant 0 : i32
      %dma_wait3A_2196 = arith.constant 0 : i32
      %dma_wait3A_2197 = arith.constant 0 : i32
      %dma_wait3A_2198 = tpu.memref_slice %arg7[%select_n3A_1215, %dma_wait3A_2195, %dma_wait3A_2196, %dma_wait3A_2197] : memref<2x4x128x72xf32, #tpu.memory_space<vmem>> -> memref<1x4x128x72xf32, #tpu.memory_space<vmem>>
      %dma_wait3A_2199 = tpu.memref_squeeze %dma_wait3A_2198 : memref<1x4x128x72xf32, #tpu.memory_space<vmem>> -> memref<4x128x72xf32, #tpu.memory_space<vmem>>
      %dma_wait3A_2200 = arith.constant 0 : i32
      %dma_wait3A_2201 = arith.constant 0 : i32
      %dma_wait3A_2202 = tpu.memref_slice %arg4[%add3A_2186, %dma_wait3A_2200, %dma_wait3A_2201] : memref<12800x128x72xf32, #tpu.memory_space<hbm>> -> memref<4x128x72xf32, #tpu.memory_space<hbm>>
      tpu.wait_dma2 semaphore(%arg9 : memref<!tpu.dma_semaphore, #tpu.memory_space<semaphore_mem>>) src(%dma_wait3A_2202 : memref<4x128x72xf32, #tpu.memory_space<hbm>>) dst(%dma_wait3A_2199 : memref<4x128x72xf32, #tpu.memory_space<vmem>>)
      %sub3A_2203 = arith.constant 1 : i32
      %sub3A_2204 = arith.subi %scan3A_1173, %sub3A_2203 : i32
      %mul3A_2205 = arith.constant 4 : i32
      %mul3A_2206 = arith.muli %sub3A_2204, %mul3A_2205 : i32
      %add3A_2207 = arith.addi %mul3A_2, %mul3A_2206 : i32
      %dma_start3A_2208 = arith.constant 0 : i32
      %dma_start3A_2209 = arith.constant 0 : i32
      %dma_start3A_2210 = arith.constant 0 : i32
      %dma_start3A_2211 = tpu.memref_slice %arg7[%select_n3A_1215, %dma_start3A_2208, %dma_start3A_2209, %dma_start3A_2210] : memref<2x4x128x72xf32, #tpu.memory_space<vmem>> -> memref<1x4x128x72xf32, #tpu.memory_space<vmem>>
      %dma_start3A_2212 = tpu.memref_squeeze %dma_start3A_2211 : memref<1x4x128x72xf32, #tpu.memory_space<vmem>> -> memref<4x128x72xf32, #tpu.memory_space<vmem>>
      %dma_start3A_2213 = arith.constant 0 : i32
      %dma_start3A_2214 = arith.constant 0 : i32
      %dma_start3A_2215 = tpu.memref_slice %arg4[%add3A_2207, %dma_start3A_2213, %dma_start3A_2214] : memref<12800x128x72xf32, #tpu.memory_space<hbm>> -> memref<4x128x72xf32, #tpu.memory_space<hbm>>
      %dma_start3A_2216 = arith.constant 0 : i32
      %dma_start3A_2217 = arith.constant 0 : i32
      %dma_start3A_2218 = tpu.memref_slice %arg4[%add3A_2207, %dma_start3A_2216, %dma_start3A_2217] : memref<12800x128x72xf32, #tpu.memory_space<hbm>> -> memref<4x128x72xf32, #tpu.memory_space<hbm>>
      %dma_start3A_2219 = arith.constant 0 : i32
      %dma_start3A_2220 = arith.constant 0 : i32
      %dma_start3A_2221 = arith.constant 0 : i32
      %dma_start3A_2222 = tpu.memref_slice %arg7[%select_n3A_1215, %dma_start3A_2219, %dma_start3A_2220, %dma_start3A_2221] : memref<2x4x128x72xf32, #tpu.memory_space<vmem>> -> memref<1x4x128x72xf32, #tpu.memory_space<vmem>>
      %dma_start3A_2223 = tpu.memref_squeeze %dma_start3A_2222 : memref<1x4x128x72xf32, #tpu.memory_space<vmem>> -> memref<4x128x72xf32, #tpu.memory_space<vmem>>
      tpu.enqueue_dma source(%dma_start3A_2223 : memref<4x128x72xf32, #tpu.memory_space<vmem>>) target(%dma_start3A_2218 : memref<4x128x72xf32, #tpu.memory_space<hbm>>) target_semaphore(%arg10 : memref<!tpu.dma_semaphore, #tpu.memory_space<semaphore_mem>>)
    }
    %scan3A_1096 = arith.constant 99 : i32
    %add3A_1097 = arith.constant 396 : i32
    %add3A_1098 = arith.addi %mul3A_2, %add3A_1097 : i32
    %dma_wait3A_1099 = arith.constant 1 : i32
    %dma_wait3A_1100 = arith.constant 0 : i32
    %dma_wait3A_1101 = arith.constant 0 : i32
    %dma_wait3A_1102 = arith.constant 0 : i32
    %dma_wait3A_1103 = tpu.memref_slice %arg7[%dma_wait3A_1099, %dma_wait3A_1100, %dma_wait3A_1101, %dma_wait3A_1102] : memref<2x4x128x72xf32, #tpu.memory_space<vmem>> -> memref<1x4x128x72xf32, #tpu.memory_space<vmem>>
    %dma_wait3A_1104 = tpu.memref_squeeze %dma_wait3A_1103 : memref<1x4x128x72xf32, #tpu.memory_space<vmem>> -> memref<4x128x72xf32, #tpu.memory_space<vmem>>
    %dma_wait3A_1105 = arith.constant 0 : i32
    %dma_wait3A_1106 = arith.constant 0 : i32
    %dma_wait3A_1107 = tpu.memref_slice %arg4[%add3A_1098, %dma_wait3A_1105, %dma_wait3A_1106] : memref<12800x128x72xf32, #tpu.memory_space<hbm>> -> memref<4x128x72xf32, #tpu.memory_space<hbm>>
    %dma_wait3A_1108 = arith.constant 0 : i32
    %dma_wait3A_1109 = arith.constant 0 : i32
    %dma_wait3A_1110 = arith.constant 0 : i32
    %dma_wait3A_1111 = tpu.memref_slice %arg7[%dma_wait3A_1099, %dma_wait3A_1108, %dma_wait3A_1109, %dma_wait3A_1110] : memref<2x4x128x72xf32, #tpu.memory_space<vmem>> -> memref<1x4x128x72xf32, #tpu.memory_space<vmem>>
    %dma_wait3A_1112 = tpu.memref_squeeze %dma_wait3A_1111 : memref<1x4x128x72xf32, #tpu.memory_space<vmem>> -> memref<4x128x72xf32, #tpu.memory_space<vmem>>
    %dma_wait3A_1113 = arith.constant 0 : i32
    %dma_wait3A_1114 = arith.constant 0 : i32
    %dma_wait3A_1115 = tpu.memref_slice %arg4[%add3A_1098, %dma_wait3A_1113, %dma_wait3A_1114] : memref<12800x128x72xf32, #tpu.memory_space<hbm>> -> memref<4x128x72xf32, #tpu.memory_space<hbm>>
    tpu.wait_dma2 semaphore(%arg9 : memref<!tpu.dma_semaphore, #tpu.memory_space<semaphore_mem>>) src(%dma_wait3A_1115 : memref<4x128x72xf32, #tpu.memory_space<hbm>>) dst(%dma_wait3A_1112 : memref<4x128x72xf32, #tpu.memory_space<vmem>>)
    %add3A_1116 = arith.constant 396 : i32
    %add3A_1117 = arith.addi %mul3A_2, %add3A_1116 : i32
    %dma_start3A_1118 = arith.constant 1 : i32
    %dma_start3A_1119 = arith.constant 0 : i32
    %dma_start3A_1120 = arith.constant 0 : i32
    %dma_start3A_1121 = arith.constant 0 : i32
    %dma_start3A_1122 = tpu.memref_slice %arg7[%dma_start3A_1118, %dma_start3A_1119, %dma_start3A_1120, %dma_start3A_1121] : memref<2x4x128x72xf32, #tpu.memory_space<vmem>> -> memref<1x4x128x72xf32, #tpu.memory_space<vmem>>
    %dma_start3A_1123 = tpu.memref_squeeze %dma_start3A_1122 : memref<1x4x128x72xf32, #tpu.memory_space<vmem>> -> memref<4x128x72xf32, #tpu.memory_space<vmem>>
    %dma_start3A_1124 = arith.constant 0 : i32
    %dma_start3A_1125 = arith.constant 0 : i32
    %dma_start3A_1126 = tpu.memref_slice %arg4[%add3A_1117, %dma_start3A_1124, %dma_start3A_1125] : memref<12800x128x72xf32, #tpu.memory_space<hbm>> -> memref<4x128x72xf32, #tpu.memory_space<hbm>>
    %dma_start3A_1127 = arith.constant 0 : i32
    %dma_start3A_1128 = arith.constant 0 : i32
    %dma_start3A_1129 = tpu.memref_slice %arg4[%add3A_1117, %dma_start3A_1127, %dma_start3A_1128] : memref<12800x128x72xf32, #tpu.memory_space<hbm>> -> memref<4x128x72xf32, #tpu.memory_space<hbm>>
    %dma_start3A_1130 = arith.constant 0 : i32
    %dma_start3A_1131 = arith.constant 0 : i32
    %dma_start3A_1132 = arith.constant 0 : i32
    %dma_start3A_1133 = tpu.memref_slice %arg7[%dma_start3A_1118, %dma_start3A_1130, %dma_start3A_1131, %dma_start3A_1132] : memref<2x4x128x72xf32, #tpu.memory_space<vmem>> -> memref<1x4x128x72xf32, #tpu.memory_space<vmem>>
    %dma_start3A_1134 = tpu.memref_squeeze %dma_start3A_1133 : memref<1x4x128x72xf32, #tpu.memory_space<vmem>> -> memref<4x128x72xf32, #tpu.memory_space<vmem>>
    tpu.enqueue_dma source(%dma_start3A_1134 : memref<4x128x72xf32, #tpu.memory_space<vmem>>) target(%dma_start3A_1129 : memref<4x128x72xf32, #tpu.memory_space<hbm>>) target_semaphore(%arg10 : memref<!tpu.dma_semaphore, #tpu.memory_space<semaphore_mem>>)
    %add3A_1135 = arith.constant 392 : i32
    %add3A_1136 = arith.addi %mul3A_2, %add3A_1135 : i32
    %dma_wait3A_1137 = arith.constant 0 : i32
    %dma_wait3A_1138 = arith.constant 0 : i32
    %dma_wait3A_1139 = arith.constant 0 : i32
    %dma_wait3A_1140 = arith.constant 0 : i32
    %dma_wait3A_1141 = tpu.memref_slice %arg7[%dma_wait3A_1137, %dma_wait3A_1138, %dma_wait3A_1139, %dma_wait3A_1140] : memref<2x4x128x72xf32, #tpu.memory_space<vmem>> -> memref<1x4x128x72xf32, #tpu.memory_space<vmem>>
    %dma_wait3A_1142 = tpu.memref_squeeze %dma_wait3A_1141 : memref<1x4x128x72xf32, #tpu.memory_space<vmem>> -> memref<4x128x72xf32, #tpu.memory_space<vmem>>
    %dma_wait3A_1143 = arith.constant 0 : i32
    %dma_wait3A_1144 = arith.constant 0 : i32
    %dma_wait3A_1145 = tpu.memref_slice %arg4[%add3A_1136, %dma_wait3A_1143, %dma_wait3A_1144] : memref<12800x128x72xf32, #tpu.memory_space<hbm>> -> memref<4x128x72xf32, #tpu.memory_space<hbm>>
    %dma_wait3A_1146 = arith.constant 0 : i32
    %dma_wait3A_1147 = arith.constant 0 : i32
    %dma_wait3A_1148 = tpu.memref_slice %arg4[%add3A_1136, %dma_wait3A_1146, %dma_wait3A_1147] : memref<12800x128x72xf32, #tpu.memory_space<hbm>> -> memref<4x128x72xf32, #tpu.memory_space<hbm>>
    %dma_wait3A_1149 = arith.constant 0 : i32
    %dma_wait3A_1150 = arith.constant 0 : i32
    %dma_wait3A_1151 = arith.constant 0 : i32
    %dma_wait3A_1152 = tpu.memref_slice %arg7[%dma_wait3A_1137, %dma_wait3A_1149, %dma_wait3A_1150, %dma_wait3A_1151] : memref<2x4x128x72xf32, #tpu.memory_space<vmem>> -> memref<1x4x128x72xf32, #tpu.memory_space<vmem>>
    %dma_wait3A_1153 = tpu.memref_squeeze %dma_wait3A_1152 : memref<1x4x128x72xf32, #tpu.memory_space<vmem>> -> memref<4x128x72xf32, #tpu.memory_space<vmem>>
    tpu.wait_dma2 semaphore(%arg10 : memref<!tpu.dma_semaphore, #tpu.memory_space<semaphore_mem>>) src(%dma_wait3A_1153 : memref<4x128x72xf32, #tpu.memory_space<vmem>>) dst(%dma_wait3A_1148 : memref<4x128x72xf32, #tpu.memory_space<hbm>>)
    %add3A_1154 = arith.constant 396 : i32
    %add3A_1155 = arith.addi %mul3A_2, %add3A_1154 : i32
    %dma_wait3A_1156 = arith.constant 1 : i32
    %dma_wait3A_1157 = arith.constant 0 : i32
    %dma_wait3A_1158 = arith.constant 0 : i32
    %dma_wait3A_1159 = arith.constant 0 : i32
    %dma_wait3A_1160 = tpu.memref_slice %arg7[%dma_wait3A_1156, %dma_wait3A_1157, %dma_wait3A_1158, %dma_wait3A_1159] : memref<2x4x128x72xf32, #tpu.memory_space<vmem>> -> memref<1x4x128x72xf32, #tpu.memory_space<vmem>>
    %dma_wait3A_1161 = tpu.memref_squeeze %dma_wait3A_1160 : memref<1x4x128x72xf32, #tpu.memory_space<vmem>> -> memref<4x128x72xf32, #tpu.memory_space<vmem>>
    %dma_wait3A_1162 = arith.constant 0 : i32
    %dma_wait3A_1163 = arith.constant 0 : i32
    %dma_wait3A_1164 = tpu.memref_slice %arg4[%add3A_1155, %dma_wait3A_1162, %dma_wait3A_1163] : memref<12800x128x72xf32, #tpu.memory_space<hbm>> -> memref<4x128x72xf32, #tpu.memory_space<hbm>>
    %dma_wait3A_1165 = arith.constant 0 : i32
    %dma_wait3A_1166 = arith.constant 0 : i32
    %dma_wait3A_1167 = tpu.memref_slice %arg4[%add3A_1155, %dma_wait3A_1165, %dma_wait3A_1166] : memref<12800x128x72xf32, #tpu.memory_space<hbm>> -> memref<4x128x72xf32, #tpu.memory_space<hbm>>
    %dma_wait3A_1168 = arith.constant 0 : i32
    %dma_wait3A_1169 = arith.constant 0 : i32
    %dma_wait3A_1170 = arith.constant 0 : i32
    %dma_wait3A_1171 = tpu.memref_slice %arg7[%dma_wait3A_1156, %dma_wait3A_1168, %dma_wait3A_1169, %dma_wait3A_1170] : memref<2x4x128x72xf32, #tpu.memory_space<vmem>> -> memref<1x4x128x72xf32, #tpu.memory_space<vmem>>
    %dma_wait3A_1172 = tpu.memref_squeeze %dma_wait3A_1171 : memref<1x4x128x72xf32, #tpu.memory_space<vmem>> -> memref<4x128x72xf32, #tpu.memory_space<vmem>>
    tpu.wait_dma2 semaphore(%arg10 : memref<!tpu.dma_semaphore, #tpu.memory_space<semaphore_mem>>) src(%dma_wait3A_1172 : memref<4x128x72xf32, #tpu.memory_space<vmem>>) dst(%dma_wait3A_1167 : memref<4x128x72xf32, #tpu.memory_space<hbm>>)
    return
  }
}

</mosaic_0001>

<sc_bundles>
// kernel: kernel.3.cloned.1.call-start
scs
__scs_entry_jumppad:
0x0: {  	(pc) =	sbr.rel $0x88, $3  }
0x1: {  	(tag) =	ssettag $0x0;
	lr =	simm.s32 $0x1  }
0x2: {  	[smem:$0x3F9F] =	sst lr;
	_ =	strace $0xD0000000  }
0x3: {  	_ = 	snop  }
0x4: {  	_ = 	snop  }
0x5: {  	_ = 	snop  }
0x6: {  	_ = 	snop  }
0x7: {  	_ = 	snop  }
__scs_overlays_trampoline_lowered:
0x8: {  	[smem:$0x3FAE] =	sst s0  }
0x9: {  	[smem:$0x3FAF] =	sst s1  }
0xa: {  	[smem:$0x3FB0] =	sst s2  }
0xb: {  	[smem:$0x3FB1] =	sst s3  }
0xc: {  	[smem:$0x3FB2] =	sst s4  }
0xd: {  	[smem:$0x3FB3] =	sst s5  }
0xe: {  	[smem:$0x3FB4] =	sst s6  }
0xf: {  	[smem:$0x3FB5] =	sst s7  }
0x10: {  	[smem:$0x3FB6] =	sst s8  }
0x11: {  	[smem:$0x3FB7] =	sst s9;
	s0 =	simm.s32 @!p0 $0x0  }
0x12: {  	s1 =	sld [smem:$0x3F9D];
	s0 =	simm.s32 @p0 $0x1  }
0x13: {  	[smem:$0x3FB8] =	sst s0;
	s0 =	simm.s32 @!p1 $0x0  }
0x14: {  	s2 =	sld [smem:$0x3F9C];
	s0 =	simm.s32 @p1 $0x1  }
0x15: {  	[smem:$0x3FB9] =	sst s0;
	s0 =	simm.s32 @!p2 $0x0  }
0x16: {  	s3 =	sld [smem:$0x3FDB];
	s0 =	simm.s32 @p2 $0x1  }
0x17: {  	s4 =	simm.s32 $0x1BF5;
	[smem:$0x3FBB] =	sst s0  }
0x18: {  	s0 =	sld [smem:$0x3F9E];
	_ =	swait.ge [sflag:s4], $0x0  }
0x19: {  	s7 =	sld [smem:$0x3F9F]  }
0x1a: {  	s8 =	sadd.s32 $0xFFFFE003, lr  }
0x1b: {  	s9 =	sadd.s32 $0xFFFFFEF7, lr;
	s5 =	simm.s32 $0xFFFFFFFF;
	p2 =	slt.u32 s8, $0xFFFFF086  }
0x1c: {  	p1 =	slt.u32 s9, $0xF7A;
	s5 =	simm.s32 @!p2 $0x0  }
0x1d: {  	s5 =	simm.s32 @p1 $0x1;
	p0 =	seq.s32 s7, s2  }
0x1e: {  	s7 =	smul.u32 @!p0 $0xF7A, s2;
	p2 =	seq.s32 @!p0 s5, $0x0  }
0x1f: {  	s9 =	smul.u32 $0xF7A, s1;
	s8 =	simm.s32 @!p0 $0x1BF5;
	p2 =	por !p2, p0  }
0x20: {  	[sflag:s8] =	ssyncset.s32 @!p0 $0xFFFFF086;
	s6 =	sadd.s32 @!p0 s3, s7;
	s7 =	simm.s32 @!p0 $0x108  }
0x21: {  	s3 =	sadd.s32 s3, s9;
	s6 =	sadd.s32 @!p0 $0x88, s6;
	s7 =	simm.s32 @p2 $0x1082  }
0x22: {  	[simem:s7], [sflag:s8] =	dma.local @!p0 [hbm:s6], $0xF7A  }
0x23: {  	s9 =	sor.u32 $0xD0000000, s2;
	s6 =	simm.s32 $0x108;
	_ =	swait.ge @!p0 [sflag:s8], $0x0  }
0x24: {  	s3 =	sadd.s32 $0x88, s3;
	s6 =	simm.s32 @!p1 $0x1082;
	[sflag:s4] =	ssyncset.s32 $0xFFFFF086  }
0x25: {  	[simem:s6], [sflag:s4] =	dma.local [hbm:s3], $0xF7A  }
0x26: {  	[smem:$0x3F9F] =	sst s1;
	(tag) =	ssettag s2;
	_ =	strace s9  }
0x27: {  	s1 =	sld [smem:$0x3FAF]  }
0x28: {  	s2 =	sld [smem:$0x3FB0]  }
0x29: {  	s4 =	sld [smem:$0x3FB2]  }
0x2a: {  	p0 =	seq.s32 s5, $0x0;
	s5 =	sld [smem:$0x3FB3]  }
0x2b: {  	s6 =	sld [smem:$0x3FB4]  }
0x2c: {  	s7 =	sld [smem:$0x3FB5]  }
0x2d: {  	s3 =	simm.s32 $0x108;
	s8 =	sld [smem:$0x3FB6]  }
0x2e: {  	s3 =	simm.s32 @!p0 $0x1082;
	s9 =	sld [smem:$0x3FB7]  }
0x2f: {  	lr =	sadd.s32 s0, s3;
	s0 =	sld [smem:$0x3FAE]  }
0x30: {  	s3 =	sld [smem:$0x3FB1]  }
0x31: {  	[smem:$0x3FBA] =	sst s10  }
0x32: {  	s10 =	sld [smem:$0x3FB8];
	_ =	sdelay $0x3  }
0x33: {  	p0 =	seq.s32 s10, $0x1;
	s10 =	sld [smem:$0x3FBA];
	_ =	sdelay $0x3  }
0x34: {  	[smem:$0x3FBA] =	sst s10  }
0x35: {  	s10 =	sld [smem:$0x3FB9];
	_ =	sdelay $0x3  }
0x36: {  	p1 =	seq.s32 s10, $0x1;
	s10 =	sld [smem:$0x3FBA];
	_ =	sdelay $0x3  }
0x37: {  	[smem:$0x3FBA] =	sst s10  }
0x38: {  	s10 =	sld [smem:$0x3FBB]  }
0x39: {  	_ = 	snop;
	(pc) =	sbr.ind lr, $3  }
0x3a: {  	_ = 	snop  }
0x3b: {  	_ = 	snop  }
0x3c: {  	p2 =	seq.s32 s10, $0x1;
	s10 =	sld [smem:$0x3FBA]  }
0x3d: {  	_ =	shalt  }
0x3e: {  	_ =	shalt  }
0x3f: {  	_ =	shalt  }
0x40: {  	_ =	shalt  }
0x41: {  	_ =	shalt  }
0x42: {  	_ =	shalt  }
0x43: {  	_ =	shalt  }
0x44: {  	_ =	shalt  }
0x45: {  	_ =	shalt  }
0x46: {  	_ =	shalt  }
0x47: {  	_ =	shalt  }
0x48: {  	_ =	shalt  }
0x49: {  	_ =	shalt  }
0x4a: {  	_ =	shalt  }
0x4b: {  	_ =	shalt  }
0x4c: {  	_ =	shalt  }
0x4d: {  	_ =	shalt  }
0x4e: {  	_ =	shalt  }
0x4f: {  	_ =	shalt  }
0x50: {  	_ =	shalt  }
0x51: {  	_ =	shalt  }
0x52: {  	_ =	shalt  }
0x53: {  	_ =	shalt  }
0x54: {  	_ =	shalt  }
0x55: {  	_ =	shalt  }
0x56: {  	_ =	shalt  }
0x57: {  	_ =	shalt  }
0x58: {  	_ =	shalt  }
0x59: {  	_ =	shalt  }
0x5a: {  	_ =	shalt  }
0x5b: {  	_ =	shalt  }
0x5c: {  	_ =	shalt  }
0x5d: {  	_ =	shalt  }
0x5e: {  	_ =	shalt  }
0x5f: {  	_ =	shalt  }
0x60: {  	_ =	shalt  }
0x61: {  	_ =	shalt  }
0x62: {  	_ =	shalt  }
0x63: {  	_ =	shalt  }
0x64: {  	_ =	shalt  }
0x65: {  	_ =	shalt  }
0x66: {  	_ =	shalt  }
0x67: {  	_ =	shalt  }
0x68: {  	_ =	shalt  }
0x69: {  	_ =	shalt  }
0x6a: {  	_ =	shalt  }
0x6b: {  	_ =	shalt  }
0x6c: {  	_ =	shalt  }
0x6d: {  	_ =	shalt  }
0x6e: {  	_ =	shalt  }
0x6f: {  	_ =	shalt  }
0x70: {  	_ =	shalt  }
0x71: {  	_ =	shalt  }
0x72: {  	_ =	shalt  }
0x73: {  	_ =	shalt  }
0x74: {  	_ =	shalt  }
0x75: {  	_ =	shalt  }
0x76: {  	_ =	shalt  }
0x77: {  	_ =	shalt  }
0x78: {  	_ =	shalt  }
0x79: {  	_ =	shalt  }
0x7a: {  	_ =	shalt  }
0x7b: {  	_ =	shalt  }
0x7c: {  	_ =	shalt  }
0x7d: {  	_ =	shalt  }
0x7e: {  	_ =	shalt  }
0x7f: {  	_ =	shalt  }
0x80: {  	_ =	shalt  }
0x81: {  	_ =	shalt  }
0x82: {  	_ =	shalt  }
0x83: {  	_ =	shalt  }
0x84: {  	_ =	shalt  }
0x85: {  	_ =	shalt  }
0x86: {  	_ =	shalt  }
0x87: {  	_ =	shalt  }
.Lfunc_end0:
.L_simem_size_0:
called_computation.1_lowered:
.L_overlay_start_0:
0x88: {  	s2 =	sld [smem:$0x3FD9]  }
0x89: {  	s3 =	sld [smem:$0x3FFE];
	_ =	sdelay $0x1  }
0x8a: {  	s1 =	srdreg.scid  }
0x8b: {  	s0 =	sand.u32 $0x1, s1  }
0x8c: {  	s17 =	sshll.u32 s0, $0xA;
	s2 =	sadd.s32 s3, s2  }
0x8d: {  	s2 =	sadd.s32 s2, s17  }
0x8e: {  	[smem:$0x3FC6] =	sst s2  }
0x8f: {  	_ = 	snop  }
0x90: {  	s2 =	sld [smem:$0x3FD0];
	(tm) =	ssettm $0x1  }
0x91: {  	s18 =	sld [smem:$0x3FFB];
	_ =	sdelay $0x3  }
0x92: {  	_ =	strace s18  }
0x93: {  	s3 =	sld [smem:$0x3FFC];
	_ =	sdelay $0x3  }
0x94: {  	_ =	strace s3  }
0x95: {  	s3 =	sld [smem:$0x3FFD];
	_ =	sdelay $0x3  }
0x96: {  	_ =	strace s3  }
0x97: {  	_ =	strace $0x8FFFFFFF  }
0x98: {  	s19 =	sld [smem:$0x3FDB];
	_ =	sdelay $0x1  }
0x99: {  	s4 =	simm.s32 $_scs_section_size  }
0x9a: {  	s5 =	simm.s32 $_size__tile_overlayer_lowered;
	s6 =	simm.s32 $_tile_overlayer_lowered  }
0x9b: {  	s22 =	simm.s32 $0x1BFF;
	s21 =	sshll.u32 s6, $0x1;
	s3 =	sadd.s32 s4, s19  }
0x9c: {  	s7 =	simm.s32 $0x0;
	s20 =	sshll.u32 s5, $0x1;
	s5 =	sadd.s32 s21, s3  }
0x9d: {  	[timem:s7], [sflag:s22] =	dma.local [hbm:s5], s20  }
0x9e: {  	_ =	swait.ge [sflag:s22], s20  }
0x9f: {  	s4 =	ssub.s32 $0x0, s20;
	[sflag:s22] =	ssyncset.done $0x0  }
0xa0: {  	[sflag:s22] =	ssyncadd.s32 s4;
	_ =	sdelay $0x1  }
0xa1: {  	s23 =	simm.s32 $0x1B8B  }
0xa2: {  	_ =	swait.ge [sflag:s23], $0x1  }
0xa3: {  	[sflag:s23] =	ssyncset.done $0x0  }
0xa4: {  	s25 =	simm.s32 $0x1B8E;
	s24 =	sld [smem:$0x3FFE];
	[sflag:s23] =	ssyncadd.s32 $0xFFFFFFFF  }
0xa5: {  	s26 =	simm.s32 $execute0_lowered;
	[smem:$0x3FD2] =	sst s25  }
0xa6: {  	s5 =	sshll.u32 s26, $0x1;
	_ =	strace $0x80000046;
	[dreg:$0x1] =	wrdreg $0xFFFFFFFF  }
0xa7: {  	s28 =	simm.s32 $_size_execute0_lowered;
	s3 =	sadd.s32 s3, s5;
	[dreg:$0x0] =	wrdreg $0x0  }
0xa8: {  	s5 =	sshll.u32 s28, $0x1;
	[dreg:$0x2] =	wrdreg s3  }
0xa9: {  	[dreg:$0x3] =	wrdreg s5  }
0xaa: {  	[dreg:$0x4] =	wrdreg $0xC0  }
0xab: {  	_ =	task [dreg:s7], $0x5FFFF  }
0xac: {  	[dreg:$0x1] =	wrdreg $0xFFFFFFFF  }
0xad: {  	[dreg:$0x0] =	wrdreg $0x60  }
0xae: {  	[dreg:$0x2] =	wrdreg s24  }
0xaf: {  	[dreg:$0x3] =	wrdreg s2  }
0xb0: {  	[dreg:$0x4] =	wrdreg $0x9  }
0xb1: {  	_ =	task.clear_ibuf [dreg:s7], $0x5FFFF;
	_ =	strace $0x90000046  }
0xb2: {  	s29 =	simm.s32 $0x9;
	_ =	strace $0x80000048  }
0xb3: {  	_ =	swait.ge [sflag:s29], $0x1  }
0xb4: {  	[sflag:s29] =	ssyncadd.s32 $0xFFFFFFFF  }
0xb5: {  	_ =	strace $0x90000048  }
0xb6: {  	_ =	sfence  }
0xb7: {  	s30 =	sld [smem:$0x0];
	_ =	sdelay $0x2  }
0xb8: {  	s31 =	sshll.u32 s1, $0xD;
	s1 =	sshrl.u32 s1, $0x2  }
0xb9: {  	s3 =	sand.u32 $0x4000, s31;
	s1 =	sadd.s32 s1, s30  }
0xba: {  	s0 =	sor.u32 s3, s0;
	s1 =	sshll.u32 s1, $0x11  }
0xbb: {  	s0 =	sor.u32 s1, s0  }
0xbc: {  	s0 =	sadd.s32 $0x8F2B, s0  }
0xbd: {  	[sflag:s0] =	ssyncadd.remote.s32 $0x1  }
0xbe: {  	_ =	sfence.sel $0xFFFF  }
0xbf: {  	[dreg:$0x0] =	wrdreg $0xFFFFFFFF;
	(pc) =	sbr.abs _section_cstart, $3  }
0xc0: {  	[dreg:$0x1] =	wrdreg $0xFFFFFFFF  }
0xc1: {  	_ =	task.clear_ibuf [dreg:s7], $0x2FFFF;
	_ =	strace $0x9FFFFFFF  }
0xc2: {  	(tm) =	ssettm $0x7FFFFFFF  }
0xc3: {  	_ =	shalt  }
tec
execute0_lowered:
.L_overlay_start_1:
0x0: {  	(tag) =	ssettag $0x1  }
0x1: {  	s0 =	rddreg [dreg:$0x0];
	s1 =	srdreg.scid  }
0x2: {  	s3 =	stileid.u32;
	s2 =	rddreg [dreg:$0x1];
	s13 =	simm.s32 $0x100  }
0x3: {  	s14 =	simm.s32 $0x200;
	s15 =	simm.s32 $0x300;
	s16 =	simm.s32 $0x80  }
0x4: {  	s18 =	simm.s32 $0x1200;
	s19 =	simm.s32 $0xC80;
	s20 =	simm.s32 $0x3600  }
0x5: {  	s21 =	simm.s32 $0xD00;
	s22 =	simm.s32 $0x5A00;
	s23 =	simm.s32 $0xD80  }
0x6: {  	s24 =	simm.s32 $0x7E00;
	s25 =	simm.s32 $0x1;
	s28 =	simm.s32 $0x2  }
0x7: {  	v0 =	vlaneseq.u32;
	s29 =	simm.s32 $0x3;
	s30 =	simm.s32 $0x0;
	s1 =	sand.u32 $0x1, s1  }
0x8: {  	s4 =	sshll.u32 s3, $0x1;
	s3 =	simm.s32 $0x0;
	s5 =	sadd.s32 $0x1800, s0;
	v0 =	vmul.u32 $0x2, v0  }
0x9: {  	s9 =	sor.u32 s1, s4;
	[smem:$0x7FF] =	sst s3;
	s1 =	ssub.s32 $0x2, s1  }
0xa: {  	s4 =	sadd.s32 $0x17800, s0;
	s7 =	smul.u32 $0x384000, s9;
	s26 =	sshrl.u32 s1, $0x1;
	v1 =	vor.u32 $0x1, v0;
	v2 =	vor.u32 $0x20, v0;
	v3 =	vor.u32 $0x21, v0  }
0xb: {  	s6 =	smul.u32 $0x3200, s9;
	_ =	strace $0x80000047;
	v4 =	vor.u32 $0x40, v0;
	v5 =	vor.u32 $0x41, v0;
	v6 =	vor.u32 $0x60, v0;
	s0 =	ssub.s32 s1, s26  }
0xc: {  	v7 =	vor.u32 $0x61, v0;
	v8 =	vor.u32 $0x80, v0;
	v9 =	vor.u32 $0x81, v0;
	s26 =	simm.s32 $0xA200;
	s31 =	sshrl.u32 s7, $0x3;
	s7 =	smul.u32 $0x190, s9  }
0xd: {  	v10 =	vor.u32 $0xA0, v0;
	v11 =	vor.u32 $0xA1, v0;
	v12 =	vor.u32 $0xC0, v0;
	s6 =	sadd.s32 s4, s6;
	s9 =	smul.u32 $0x19000, s9;
	s1 =	sadd.s32 s2, s31  }
0xe: {  	v13 =	vor.u32 $0xC1, v0;
	v14 =	vor.u32 $0xE0, v0;
	v15 =	vor.u32 $0xE1, v0;
	s11 =	smax.u32 s0, $0x1;
	s8 =	sadd.s32 $0x80, s6;
	s10 =	sadd.s32 $0x6F600, s1  }
.LBB2_1:
0xf: {  	[tilespmem:s3], [sflag:$0x1] =	stream.linear.gather [hbm4b:s6+s3], $0x400, $0x38;
	[tilespmem:$0x13200] =	vst v63  }
0x10: {  	s0 =	simm.s32 $0x400  }
0x11: {  	[tilespmem:s0], [sflag:$0x1] =	stream.linear.gather [hbm4b:s8+s3], $0x400, $0x38;
	[tilespmem:$0x13200] =	vst v63  }
0x12: {  	_ =	swait.ge [sflag:s25], $0x400  }
0x13: {  	[sflag:s25] =	ssyncset.done $0x0  }
0x14: {  	[sflag:s25] =	ssyncadd.s32 $0xFFFFFC00  }
0x15: {  	v16 =	vld.idx.msk [tilespmem:v0+s3+$0x0], $0xffff;
	_ =	sdelay $0x1  }
0x16: {  	v17 =	vld.idx.msk [tilespmem:v1+s3+$0x0], $0xffff;
	_ =	sdelay $0x2  }
0x17: {  	v16 =	vmul.u32 $0x64, v16;
	_ =	sdelay $0x1  }
0x18: {  	v16 =	vadd.s32 v17, v16  }
0x19: {  	[tilespmem:$0xC00] =	vst v16  }
0x1a: {  	v16 =	vld.idx.msk [tilespmem:v2+s3+$0x0], $0xffff;
	_ =	sdelay $0x1  }
0x1b: {  	v17 =	vld.idx.msk [tilespmem:v3+s3+$0x0], $0xffff;
	_ =	sdelay $0x2  }
0x1c: {  	v16 =	vmul.u32 $0x64, v16;
	_ =	sdelay $0x1  }
0x1d: {  	v16 =	vadd.s32 v17, v16  }
0x1e: {  	[tilespmem:$0xC10] =	vst v16  }
0x1f: {  	v16 =	vld.idx.msk [tilespmem:v4+s3+$0x0], $0xffff;
	_ =	sdelay $0x1  }
0x20: {  	v17 =	vld.idx.msk [tilespmem:v5+s3+$0x0], $0xffff;
	_ =	sdelay $0x2  }
0x21: {  	v16 =	vmul.u32 $0x64, v16;
	_ =	sdelay $0x1  }
0x22: {  	v16 =	vadd.s32 v17, v16  }
0x23: {  	[tilespmem:$0xC20] =	vst v16  }
0x24: {  	v16 =	vld.idx.msk [tilespmem:v6+s3+$0x0], $0xffff;
	_ =	sdelay $0x1  }
0x25: {  	v17 =	vld.idx.msk [tilespmem:v7+s3+$0x0], $0xffff;
	_ =	sdelay $0x2  }
0x26: {  	v16 =	vmul.u32 $0x64, v16;
	_ =	sdelay $0x1  }
0x27: {  	v16 =	vadd.s32 v17, v16  }
0x28: {  	[tilespmem:$0xC30] =	vst v16  }
0x29: {  	v16 =	vld.idx.msk [tilespmem:v8+s3+$0x0], $0xffff;
	_ =	sdelay $0x1  }
0x2a: {  	v17 =	vld.idx.msk [tilespmem:v9+s3+$0x0], $0xffff;
	_ =	sdelay $0x2  }
0x2b: {  	v16 =	vmul.u32 $0x64, v16;
	_ =	sdelay $0x1  }
0x2c: {  	v16 =	vadd.s32 v17, v16  }
0x2d: {  	[tilespmem:$0xC40] =	vst v16  }
0x2e: {  	v16 =	vld.idx.msk [tilespmem:v10+s3+$0x0], $0xffff;
	_ =	sdelay $0x1  }
0x2f: {  	v17 =	vld.idx.msk [tilespmem:v11+s3+$0x0], $0xffff;
	_ =	sdelay $0x2  }
0x30: {  	v16 =	vmul.u32 $0x64, v16;
	_ =	sdelay $0x1  }
0x31: {  	v16 =	vadd.s32 v17, v16  }
0x32: {  	[tilespmem:$0xC50] =	vst v16  }
0x33: {  	v16 =	vld.idx.msk [tilespmem:v12+s3+$0x0], $0xffff;
	_ =	sdelay $0x1  }
0x34: {  	v17 =	vld.idx.msk [tilespmem:v13+s3+$0x0], $0xffff;
	_ =	sdelay $0x2  }
0x35: {  	v16 =	vmul.u32 $0x64, v16;
	_ =	sdelay $0x1  }
0x36: {  	v16 =	vadd.s32 v17, v16  }
0x37: {  	[tilespmem:$0xC60] =	vst v16  }
0x38: {  	v16 =	vld.idx.msk [tilespmem:v14+s3+$0x0], $0xffff;
	_ =	sdelay $0x1  }
0x39: {  	v17 =	vld.idx.msk [tilespmem:v15+s3+$0x0], $0xffff;
	_ =	sdelay $0x2  }
0x3a: {  	v16 =	vmul.u32 $0x64, v16;
	_ =	sdelay $0x1  }
0x3b: {  	v16 =	vadd.s32 v17, v16  }
0x3c: {  	[tilespmem:$0xC70] =	vst v16  }
0x3d: {  	v16 =	vld.idx.msk [tilespmem:v0+s13+$0x0], $0xffff;
	_ =	sdelay $0x1  }
0x3e: {  	v17 =	vld.idx.msk [tilespmem:v1+s13+$0x0], $0xffff;
	_ =	sdelay $0x2  }
0x3f: {  	v16 =	vmul.u32 $0x64, v16;
	_ =	sdelay $0x1  }
0x40: {  	v16 =	vadd.s32 v17, v16  }
0x41: {  	[tilespmem:$0xC80] =	vst v16  }
0x42: {  	v16 =	vld.idx.msk [tilespmem:v2+s13+$0x0], $0xffff;
	_ =	sdelay $0x1  }
0x43: {  	v17 =	vld.idx.msk [tilespmem:v3+s13+$0x0], $0xffff;
	_ =	sdelay $0x2  }
0x44: {  	v16 =	vmul.u32 $0x64, v16;
	_ =	sdelay $0x1  }
0x45: {  	v16 =	vadd.s32 v17, v16  }
0x46: {  	[tilespmem:$0xC90] =	vst v16  }
0x47: {  	v16 =	vld.idx.msk [tilespmem:v4+s13+$0x0], $0xffff;
	_ =	sdelay $0x1  }
0x48: {  	v17 =	vld.idx.msk [tilespmem:v5+s13+$0x0], $0xffff;
	_ =	sdelay $0x2  }
0x49: {  	v16 =	vmul.u32 $0x64, v16;
	_ =	sdelay $0x1  }
0x4a: {  	v16 =	vadd.s32 v17, v16  }
0x4b: {  	[tilespmem:$0xCA0] =	vst v16  }
0x4c: {  	v16 =	vld.idx.msk [tilespmem:v6+s13+$0x0], $0xffff;
	_ =	sdelay $0x1  }
0x4d: {  	v17 =	vld.idx.msk [tilespmem:v7+s13+$0x0], $0xffff;
	_ =	sdelay $0x2  }
0x4e: {  	v16 =	vmul.u32 $0x64, v16;
	_ =	sdelay $0x1  }
0x4f: {  	v16 =	vadd.s32 v17, v16  }
0x50: {  	[tilespmem:$0xCB0] =	vst v16  }
0x51: {  	v16 =	vld.idx.msk [tilespmem:v8+s13+$0x0], $0xffff;
	_ =	sdelay $0x1  }
0x52: {  	v17 =	vld.idx.msk [tilespmem:v9+s13+$0x0], $0xffff;
	_ =	sdelay $0x2  }
0x53: {  	v16 =	vmul.u32 $0x64, v16;
	_ =	sdelay $0x1  }
0x54: {  	v16 =	vadd.s32 v17, v16  }
0x55: {  	[tilespmem:$0xCC0] =	vst v16  }
0x56: {  	v16 =	vld.idx.msk [tilespmem:v10+s13+$0x0], $0xffff;
	_ =	sdelay $0x1  }
0x57: {  	v17 =	vld.idx.msk [tilespmem:v11+s13+$0x0], $0xffff;
	_ =	sdelay $0x2  }
0x58: {  	v16 =	vmul.u32 $0x64, v16;
	_ =	sdelay $0x1  }
0x59: {  	v16 =	vadd.s32 v17, v16  }
0x5a: {  	[tilespmem:$0xCD0] =	vst v16  }
0x5b: {  	v16 =	vld.idx.msk [tilespmem:v12+s13+$0x0], $0xffff;
	_ =	sdelay $0x1  }
0x5c: {  	v17 =	vld.idx.msk [tilespmem:v13+s13+$0x0], $0xffff;
	_ =	sdelay $0x2  }
0x5d: {  	v16 =	vmul.u32 $0x64, v16;
	_ =	sdelay $0x1  }
0x5e: {  	v16 =	vadd.s32 v17, v16  }
0x5f: {  	[tilespmem:$0xCE0] =	vst v16  }
0x60: {  	v16 =	vld.idx.msk [tilespmem:v14+s13+$0x0], $0xffff;
	_ =	sdelay $0x1  }
0x61: {  	v17 =	vld.idx.msk [tilespmem:v15+s13+$0x0], $0xffff;
	_ =	sdelay $0x2  }
0x62: {  	v16 =	vmul.u32 $0x64, v16;
	_ =	sdelay $0x1  }
0x63: {  	v16 =	vadd.s32 v17, v16  }
0x64: {  	[tilespmem:$0xCF0] =	vst v16  }
0x65: {  	v16 =	vld.idx.msk [tilespmem:v0+s14+$0x0], $0xffff;
	_ =	sdelay $0x1  }
0x66: {  	v17 =	vld.idx.msk [tilespmem:v1+s14+$0x0], $0xffff;
	_ =	sdelay $0x2  }
0x67: {  	v16 =	vmul.u32 $0x64, v16;
	_ =	sdelay $0x1  }
0x68: {  	v16 =	vadd.s32 v17, v16  }
0x69: {  	[tilespmem:$0xD00] =	vst v16  }
0x6a: {  	v16 =	vld.idx.msk [tilespmem:v2+s14+$0x0], $0xffff;
	_ =	sdelay $0x1  }
0x6b: {  	v17 =	vld.idx.msk [tilespmem:v3+s14+$0x0], $0xffff;
	_ =	sdelay $0x2  }
0x6c: {  	v16 =	vmul.u32 $0x64, v16;
	_ =	sdelay $0x1  }
0x6d: {  	v16 =	vadd.s32 v17, v16  }
0x6e: {  	[tilespmem:$0xD10] =	vst v16  }
0x6f: {  	v16 =	vld.idx.msk [tilespmem:v4+s14+$0x0], $0xffff;
	_ =	sdelay $0x1  }
0x70: {  	v17 =	vld.idx.msk [tilespmem:v5+s14+$0x0], $0xffff;
	_ =	sdelay $0x2  }
0x71: {  	v16 =	vmul.u32 $0x64, v16;
	_ =	sdelay $0x1  }
0x72: {  	v16 =	vadd.s32 v17, v16  }
0x73: {  	[tilespmem:$0xD20] =	vst v16  }
0x74: {  	v16 =	vld.idx.msk [tilespmem:v6+s14+$0x0], $0xffff;
	_ =	sdelay $0x1  }
0x75: {  	v17 =	vld.idx.msk [tilespmem:v7+s14+$0x0], $0xffff;
	_ =	sdelay $0x2  }
0x76: {  	v16 =	vmul.u32 $0x64, v16;
	_ =	sdelay $0x1  }
0x77: {  	v16 =	vadd.s32 v17, v16  }
0x78: {  	[tilespmem:$0xD30] =	vst v16  }
0x79: {  	v16 =	vld.idx.msk [tilespmem:v8+s14+$0x0], $0xffff;
	_ =	sdelay $0x1  }
0x7a: {  	v17 =	vld.idx.msk [tilespmem:v9+s14+$0x0], $0xffff;
	_ =	sdelay $0x2  }
0x7b: {  	v16 =	vmul.u32 $0x64, v16;
	_ =	sdelay $0x1  }
0x7c: {  	v16 =	vadd.s32 v17, v16  }
0x7d: {  	[tilespmem:$0xD40] =	vst v16  }
0x7e: {  	v16 =	vld.idx.msk [tilespmem:v10+s14+$0x0], $0xffff;
	_ =	sdelay $0x1  }
0x7f: {  	v17 =	vld.idx.msk [tilespmem:v11+s14+$0x0], $0xffff;
	_ =	sdelay $0x2  }
0x80: {  	v16 =	vmul.u32 $0x64, v16;
	_ =	sdelay $0x1  }
0x81: {  	v16 =	vadd.s32 v17, v16  }
0x82: {  	[tilespmem:$0xD50] =	vst v16  }
0x83: {  	v16 =	vld.idx.msk [tilespmem:v12+s14+$0x0], $0xffff;
	_ =	sdelay $0x1  }
0x84: {  	v17 =	vld.idx.msk [tilespmem:v13+s14+$0x0], $0xffff;
	_ =	sdelay $0x2  }
0x85: {  	v16 =	vmul.u32 $0x64, v16;
	_ =	sdelay $0x1  }
0x86: {  	v16 =	vadd.s32 v17, v16  }
0x87: {  	[tilespmem:$0xD60] =	vst v16  }
0x88: {  	v16 =	vld.idx.msk [tilespmem:v14+s14+$0x0], $0xffff;
	_ =	sdelay $0x1  }
0x89: {  	v17 =	vld.idx.msk [tilespmem:v15+s14+$0x0], $0xffff;
	_ =	sdelay $0x2  }
0x8a: {  	v16 =	vmul.u32 $0x64, v16;
	_ =	sdelay $0x1  }
0x8b: {  	v16 =	vadd.s32 v17, v16  }
0x8c: {  	[tilespmem:$0xD70] =	vst v16  }
0x8d: {  	v16 =	vld.idx.msk [tilespmem:v0+s15+$0x0], $0xffff;
	_ =	sdelay $0x1  }
0x8e: {  	v17 =	vld.idx.msk [tilespmem:v1+s15+$0x0], $0xffff;
	_ =	sdelay $0x2  }
0x8f: {  	v16 =	vmul.u32 $0x64, v16;
	_ =	sdelay $0x1  }
0x90: {  	v16 =	vadd.s32 v17, v16  }
0x91: {  	[tilespmem:$0xD80] =	vst v16  }
0x92: {  	v16 =	vld.idx.msk [tilespmem:v2+s15+$0x0], $0xffff;
	_ =	sdelay $0x1  }
0x93: {  	v17 =	vld.idx.msk [tilespmem:v3+s15+$0x0], $0xffff;
	_ =	sdelay $0x2  }
0x94: {  	v16 =	vmul.u32 $0x64, v16;
	_ =	sdelay $0x1  }
0x95: {  	v16 =	vadd.s32 v17, v16  }
0x96: {  	[tilespmem:$0xD90] =	vst v16  }
0x97: {  	v16 =	vld.idx.msk [tilespmem:v4+s15+$0x0], $0xffff;
	_ =	sdelay $0x1  }
0x98: {  	v17 =	vld.idx.msk [tilespmem:v5+s15+$0x0], $0xffff;
	_ =	sdelay $0x2  }
0x99: {  	v16 =	vmul.u32 $0x64, v16;
	_ =	sdelay $0x1  }
0x9a: {  	v16 =	vadd.s32 v17, v16  }
0x9b: {  	[tilespmem:$0xDA0] =	vst v16  }
0x9c: {  	v16 =	vld.idx.msk [tilespmem:v6+s15+$0x0], $0xffff;
	_ =	sdelay $0x1  }
0x9d: {  	v17 =	vld.idx.msk [tilespmem:v7+s15+$0x0], $0xffff;
	_ =	sdelay $0x2  }
0x9e: {  	v16 =	vmul.u32 $0x64, v16;
	_ =	sdelay $0x1  }
0x9f: {  	v16 =	vadd.s32 v17, v16  }
0xa0: {  	[tilespmem:$0xDB0] =	vst v16  }
0xa1: {  	v16 =	vld.idx.msk [tilespmem:v8+s15+$0x0], $0xffff;
	_ =	sdelay $0x1  }
0xa2: {  	v17 =	vld.idx.msk [tilespmem:v9+s15+$0x0], $0xffff;
	_ =	sdelay $0x2  }
0xa3: {  	v16 =	vmul.u32 $0x64, v16;
	_ =	sdelay $0x1  }
0xa4: {  	v16 =	vadd.s32 v17, v16  }
0xa5: {  	[tilespmem:$0xDC0] =	vst v16  }
0xa6: {  	v16 =	vld.idx.msk [tilespmem:v10+s15+$0x0], $0xffff;
	_ =	sdelay $0x1  }
0xa7: {  	v17 =	vld.idx.msk [tilespmem:v11+s15+$0x0], $0xffff;
	_ =	sdelay $0x2  }
0xa8: {  	v16 =	vmul.u32 $0x64, v16;
	_ =	sdelay $0x1  }
0xa9: {  	v16 =	vadd.s32 v17, v16  }
0xaa: {  	[tilespmem:$0xDD0] =	vst v16  }
0xab: {  	v16 =	vld.idx.msk [tilespmem:v12+s15+$0x0], $0xffff;
	_ =	sdelay $0x1  }
0xac: {  	v17 =	vld.idx.msk [tilespmem:v13+s15+$0x0], $0xffff;
	_ =	sdelay $0x2  }
0xad: {  	v16 =	vmul.u32 $0x64, v16;
	_ =	sdelay $0x1  }
0xae: {  	v16 =	vadd.s32 v17, v16  }
0xaf: {  	[tilespmem:$0xDE0] =	vst v16  }
0xb0: {  	v16 =	vld.idx.msk [tilespmem:v14+s15+$0x0], $0xffff;
	_ =	sdelay $0x1  }
0xb1: {  	v17 =	vld.idx.msk [tilespmem:v15+s15+$0x0], $0xffff;
	_ =	sdelay $0x2  }
0xb2: {  	v16 =	vmul.u32 $0x64, v16;
	_ =	sdelay $0x1  }
0xb3: {  	v16 =	vadd.s32 v17, v16  }
0xb4: {  	s17 =	simm.s32 $0xC00;
	[tilespmem:$0xDF0] =	vst v16  }
0xb5: {  	[tilespmem:s18], [sflag:$0x2] =	stream.indirect.gather [hbm4b:s5+s16], $0x48, s17, s16, $0xb8;
	[tilespmem:$0x13200] =	vst v63  }
0xb6: {  	_ = 	snop  }
0xb7: {  	[tilespmem:s20], [sflag:$0x2] =	stream.indirect.gather [hbm4b:s5+s16], $0x48, s19, s16, $0xb8;
	[tilespmem:$0x13200] =	vst v63  }
0xb8: {  	_ = 	snop  }
0xb9: {  	[tilespmem:s22], [sflag:$0x2] =	stream.indirect.gather [hbm4b:s5+s16], $0x48, s21, s16, $0xb8;
	[tilespmem:$0x13200] =	vst v63  }
0xba: {  	s31 =	simm.s32 $0x1  }
0xbb: {  	[tilespmem:s24], [sflag:$0x2] =	stream.indirect.gather [hbm4b:s5+s16], $0x48, s23, s16, $0xb8;
	[tilespmem:$0x13200] =	vst v63  }
.LBB2_2:
0xbc: {  	s0 =	smul.u32 $0xAB, s31;
	_ =	sdelay $0x1  }
0xbd: {  	s0 =	sshrl.u32 s0, $0x9  }
0xbe: {  	s0 =	sand.u32 $0x7F, s0  }
0xbf: {  	s0 =	smul.u32 $0x3, s0;
	_ =	sdelay $0x1  }
0xc0: {  	_ =	swait.ge [sflag:s25], $0x400;
	s0 =	ssub.s32 s31, s0  }
0xc1: {  	[sflag:s25] =	ssyncset.done $0x0;
	s1 =	sand.u32 $0xFF, s0  }
0xc2: {  	[sflag:s25] =	ssyncadd.s32 $0xFFFFFC00;
	s0 =	sshll.u32 s1, $0xA  }
0xc3: {  	v16 =	vld.idx.msk [tilespmem:v0+s0+$0x0], $0xffff;
	_ =	sdelay $0x1  }
0xc4: {  	v17 =	vld.idx.msk [tilespmem:v1+s0+$0x0], $0xffff;
	_ =	sdelay $0x2  }
0xc5: {  	v16 =	vmul.u32 $0x64, v16;
	_ =	sdelay $0x1  }
0xc6: {  	s1 =	sshll.u32 s1, $0x9;
	v16 =	vadd.s32 v17, v16  }
0xc7: {  	[tilespmem:s1+$0xC00] =	vst v16  }
0xc8: {  	v16 =	vld.idx.msk [tilespmem:v2+s0+$0x0], $0xffff;
	_ =	sdelay $0x1  }
0xc9: {  	v17 =	vld.idx.msk [tilespmem:v3+s0+$0x0], $0xffff;
	_ =	sdelay $0x2  }
0xca: {  	v16 =	vmul.u32 $0x64, v16;
	_ =	sdelay $0x1  }
0xcb: {  	v16 =	vadd.s32 v17, v16  }
0xcc: {  	[tilespmem:s1+$0xC10] =	vst v16  }
0xcd: {  	v16 =	vld.idx.msk [tilespmem:v4+s0+$0x0], $0xffff;
	_ =	sdelay $0x1  }
0xce: {  	v17 =	vld.idx.msk [tilespmem:v5+s0+$0x0], $0xffff;
	_ =	sdelay $0x2  }
0xcf: {  	v16 =	vmul.u32 $0x64, v16;
	_ =	sdelay $0x1  }
0xd0: {  	v16 =	vadd.s32 v17, v16  }
0xd1: {  	[tilespmem:s1+$0xC20] =	vst v16  }
0xd2: {  	v16 =	vld.idx.msk [tilespmem:v6+s0+$0x0], $0xffff;
	_ =	sdelay $0x1  }
0xd3: {  	v17 =	vld.idx.msk [tilespmem:v7+s0+$0x0], $0xffff;
	_ =	sdelay $0x2  }
0xd4: {  	v16 =	vmul.u32 $0x64, v16;
	_ =	sdelay $0x1  }
0xd5: {  	v16 =	vadd.s32 v17, v16  }
0xd6: {  	[tilespmem:s1+$0xC30] =	vst v16  }
0xd7: {  	v16 =	vld.idx.msk [tilespmem:v8+s0+$0x0], $0xffff;
	_ =	sdelay $0x1  }
0xd8: {  	v17 =	vld.idx.msk [tilespmem:v9+s0+$0x0], $0xffff;
	_ =	sdelay $0x2  }
0xd9: {  	v16 =	vmul.u32 $0x64, v16;
	_ =	sdelay $0x1  }
0xda: {  	v16 =	vadd.s32 v17, v16  }
0xdb: {  	[tilespmem:s1+$0xC40] =	vst v16  }
0xdc: {  	v16 =	vld.idx.msk [tilespmem:v10+s0+$0x0], $0xffff;
	_ =	sdelay $0x1  }
0xdd: {  	v17 =	vld.idx.msk [tilespmem:v11+s0+$0x0], $0xffff;
	_ =	sdelay $0x2  }
0xde: {  	v16 =	vmul.u32 $0x64, v16;
	_ =	sdelay $0x1  }
0xdf: {  	v16 =	vadd.s32 v17, v16  }
0xe0: {  	[tilespmem:s1+$0xC50] =	vst v16  }
0xe1: {  	v16 =	vld.idx.msk [tilespmem:v12+s0+$0x0], $0xffff;
	_ =	sdelay $0x1  }
0xe2: {  	v17 =	vld.idx.msk [tilespmem:v13+s0+$0x0], $0xffff;
	_ =	sdelay $0x2  }
0xe3: {  	v16 =	vmul.u32 $0x64, v16;
	_ =	sdelay $0x1  }
0xe4: {  	v16 =	vadd.s32 v17, v16  }
0xe5: {  	[tilespmem:s1+$0xC60] =	vst v16  }
0xe6: {  	v16 =	vld.idx.msk [tilespmem:v14+s0+$0x0], $0xffff;
	_ =	sdelay $0x1  }
0xe7: {  	v17 =	vld.idx.msk [tilespmem:v15+s0+$0x0], $0xffff;
	_ =	sdelay $0x2  }
0xe8: {  	v16 =	vmul.u32 $0x64, v16;
	_ =	sdelay $0x1  }
0xe9: {  	v16 =	vadd.s32 v17, v16  }
0xea: {  	s12 =	sor.u32 $0x100, s0;
	[tilespmem:s1+$0xC70] =	vst v16  }
0xeb: {  	v16 =	vld.idx.msk [tilespmem:v0+s12+$0x0], $0xffff;
	_ =	sdelay $0x1  }
0xec: {  	v17 =	vld.idx.msk [tilespmem:v1+s12+$0x0], $0xffff;
	_ =	sdelay $0x2  }
0xed: {  	v16 =	vmul.u32 $0x64, v16;
	_ =	sdelay $0x1  }
0xee: {  	v16 =	vadd.s32 v17, v16  }
0xef: {  	[tilespmem:s1+$0xC80] =	vst v16  }
0xf0: {  	v16 =	vld.idx.msk [tilespmem:v2+s12+$0x0], $0xffff;
	_ =	sdelay $0x1  }
0xf1: {  	v17 =	vld.idx.msk [tilespmem:v3+s12+$0x0], $0xffff;
	_ =	sdelay $0x2  }
0xf2: {  	v16 =	vmul.u32 $0x64, v16;
	_ =	sdelay $0x1  }
0xf3: {  	v16 =	vadd.s32 v17, v16  }
0xf4: {  	[tilespmem:s1+$0xC90] =	vst v16  }
0xf5: {  	v16 =	vld.idx.msk [tilespmem:v4+s12+$0x0], $0xffff;
	_ =	sdelay $0x1  }
0xf6: {  	v17 =	vld.idx.msk [tilespmem:v5+s12+$0x0], $0xffff;
	_ =	sdelay $0x2  }
0xf7: {  	v16 =	vmul.u32 $0x64, v16;
	_ =	sdelay $0x1  }
0xf8: {  	v16 =	vadd.s32 v17, v16  }
0xf9: {  	[tilespmem:s1+$0xCA0] =	vst v16  }
0xfa: {  	v16 =	vld.idx.msk [tilespmem:v6+s12+$0x0], $0xffff;
	_ =	sdelay $0x1  }
0xfb: {  	v17 =	vld.idx.msk [tilespmem:v7+s12+$0x0], $0xffff;
	_ =	sdelay $0x2  }
0xfc: {  	v16 =	vmul.u32 $0x64, v16;
	_ =	sdelay $0x1  }
0xfd: {  	v16 =	vadd.s32 v17, v16  }
0xfe: {  	[tilespmem:s1+$0xCB0] =	vst v16  }
0xff: {  	v16 =	vld.idx.msk [tilespmem:v8+s12+$0x0], $0xffff;
	_ =	sdelay $0x1  }
0x100: {  	v17 =	vld.idx.msk [tilespmem:v9+s12+$0x0], $0xffff;
	_ =	sdelay $0x2  }
0x101: {  	v16 =	vmul.u32 $0x64, v16;
	_ =	sdelay $0x1  }
0x102: {  	v16 =	vadd.s32 v17, v16  }
0x103: {  	[tilespmem:s1+$0xCC0] =	vst v16  }
0x104: {  	v16 =	vld.idx.msk [tilespmem:v10+s12+$0x0], $0xffff;
	_ =	sdelay $0x1  }
0x105: {  	v17 =	vld.idx.msk [tilespmem:v11+s12+$0x0], $0xffff;
	_ =	sdelay $0x2  }
0x106: {  	v16 =	vmul.u32 $0x64, v16;
	_ =	sdelay $0x1  }
0x107: {  	v16 =	vadd.s32 v17, v16  }
0x108: {  	[tilespmem:s1+$0xCD0] =	vst v16  }
0x109: {  	v16 =	vld.idx.msk [tilespmem:v12+s12+$0x0], $0xffff;
	_ =	sdelay $0x1  }
0x10a: {  	v17 =	vld.idx.msk [tilespmem:v13+s12+$0x0], $0xffff;
	_ =	sdelay $0x2  }
0x10b: {  	v16 =	vmul.u32 $0x64, v16;
	_ =	sdelay $0x1  }
0x10c: {  	v16 =	vadd.s32 v17, v16  }
0x10d: {  	[tilespmem:s1+$0xCE0] =	vst v16  }
0x10e: {  	v16 =	vld.idx.msk [tilespmem:v14+s12+$0x0], $0xffff;
	_ =	sdelay $0x1  }
0x10f: {  	v17 =	vld.idx.msk [tilespmem:v15+s12+$0x0], $0xffff;
	_ =	sdelay $0x2  }
0x110: {  	v16 =	vmul.u32 $0x64, v16;
	_ =	sdelay $0x1  }
0x111: {  	v16 =	vadd.s32 v17, v16  }
0x112: {  	s17 =	sor.u32 $0x200, s0;
	[tilespmem:s1+$0xCF0] =	vst v16  }
0x113: {  	v16 =	vld.idx.msk [tilespmem:v0+s17+$0x0], $0xffff;
	_ =	sdelay $0x1  }
0x114: {  	v17 =	vld.idx.msk [tilespmem:v1+s17+$0x0], $0xffff;
	_ =	sdelay $0x2  }
0x115: {  	v16 =	vmul.u32 $0x64, v16;
	_ =	sdelay $0x1  }
0x116: {  	v16 =	vadd.s32 v17, v16  }
0x117: {  	[tilespmem:s1+$0xD00] =	vst v16  }
0x118: {  	v16 =	vld.idx.msk [tilespmem:v2+s17+$0x0], $0xffff;
	_ =	sdelay $0x1  }
0x119: {  	v17 =	vld.idx.msk [tilespmem:v3+s17+$0x0], $0xffff;
	_ =	sdelay $0x2  }
0x11a: {  	v16 =	vmul.u32 $0x64, v16;
	_ =	sdelay $0x1  }
0x11b: {  	v16 =	vadd.s32 v17, v16  }
0x11c: {  	[tilespmem:s1+$0xD10] =	vst v16  }
0x11d: {  	v16 =	vld.idx.msk [tilespmem:v4+s17+$0x0], $0xffff;
	_ =	sdelay $0x1  }
0x11e: {  	v17 =	vld.idx.msk [tilespmem:v5+s17+$0x0], $0xffff;
	_ =	sdelay $0x2  }
0x11f: {  	v16 =	vmul.u32 $0x64, v16;
	_ =	sdelay $0x1  }
0x120: {  	v16 =	vadd.s32 v17, v16  }
0x121: {  	[tilespmem:s1+$0xD20] =	vst v16  }
0x122: {  	v16 =	vld.idx.msk [tilespmem:v6+s17+$0x0], $0xffff;
	_ =	sdelay $0x1  }
0x123: {  	v17 =	vld.idx.msk [tilespmem:v7+s17+$0x0], $0xffff;
	_ =	sdelay $0x2  }
0x124: {  	v16 =	vmul.u32 $0x64, v16;
	_ =	sdelay $0x1  }
0x125: {  	v16 =	vadd.s32 v17, v16  }
0x126: {  	[tilespmem:s1+$0xD30] =	vst v16  }
0x127: {  	v16 =	vld.idx.msk [tilespmem:v8+s17+$0x0], $0xffff;
	_ =	sdelay $0x1  }
0x128: {  	v17 =	vld.idx.msk [tilespmem:v9+s17+$0x0], $0xffff;
	_ =	sdelay $0x2  }
0x129: {  	v16 =	vmul.u32 $0x64, v16;
	_ =	sdelay $0x1  }
0x12a: {  	v16 =	vadd.s32 v17, v16  }
0x12b: {  	[tilespmem:s1+$0xD40] =	vst v16  }
0x12c: {  	v16 =	vld.idx.msk [tilespmem:v10+s17+$0x0], $0xffff;
	_ =	sdelay $0x1  }
0x12d: {  	v17 =	vld.idx.msk [tilespmem:v11+s17+$0x0], $0xffff;
	_ =	sdelay $0x2  }
0x12e: {  	v16 =	vmul.u32 $0x64, v16;
	_ =	sdelay $0x1  }
0x12f: {  	v16 =	vadd.s32 v17, v16  }
0x130: {  	[tilespmem:s1+$0xD50] =	vst v16  }
0x131: {  	v16 =	vld.idx.msk [tilespmem:v12+s17+$0x0], $0xffff;
	_ =	sdelay $0x1  }
0x132: {  	v17 =	vld.idx.msk [tilespmem:v13+s17+$0x0], $0xffff;
	_ =	sdelay $0x2  }
0x133: {  	v16 =	vmul.u32 $0x64, v16;
	_ =	sdelay $0x1  }
0x134: {  	v16 =	vadd.s32 v17, v16  }
0x135: {  	[tilespmem:s1+$0xD60] =	vst v16  }
0x136: {  	v16 =	vld.idx.msk [tilespmem:v14+s17+$0x0], $0xffff;
	_ =	sdelay $0x1  }
0x137: {  	v17 =	vld.idx.msk [tilespmem:v15+s17+$0x0], $0xffff;
	_ =	sdelay $0x2  }
0x138: {  	v16 =	vmul.u32 $0x64, v16;
	_ =	sdelay $0x1  }
0x139: {  	v16 =	vadd.s32 v17, v16  }
0x13a: {  	s0 =	sor.u32 $0x300, s0;
	[tilespmem:s1+$0xD70] =	vst v16  }
0x13b: {  	v16 =	vld.idx.msk [tilespmem:v0+s0+$0x0], $0xffff;
	_ =	sdelay $0x1  }
0x13c: {  	v17 =	vld.idx.msk [tilespmem:v1+s0+$0x0], $0xffff;
	_ =	sdelay $0x2  }
0x13d: {  	v16 =	vmul.u32 $0x64, v16;
	_ =	sdelay $0x1  }
0x13e: {  	v16 =	vadd.s32 v17, v16  }
0x13f: {  	[tilespmem:s1+$0xD80] =	vst v16  }
0x140: {  	v16 =	vld.idx.msk [tilespmem:v2+s0+$0x0], $0xffff;
	_ =	sdelay $0x1  }
0x141: {  	v17 =	vld.idx.msk [tilespmem:v3+s0+$0x0], $0xffff;
	_ =	sdelay $0x2  }
0x142: {  	v16 =	vmul.u32 $0x64, v16;
	_ =	sdelay $0x1  }
0x143: {  	v16 =	vadd.s32 v17, v16  }
0x144: {  	[tilespmem:s1+$0xD90] =	vst v16  }
0x145: {  	v16 =	vld.idx.msk [tilespmem:v4+s0+$0x0], $0xffff;
	_ =	sdelay $0x1  }
0x146: {  	v17 =	vld.idx.msk [tilespmem:v5+s0+$0x0], $0xffff;
	_ =	sdelay $0x2  }
0x147: {  	v16 =	vmul.u32 $0x64, v16;
	_ =	sdelay $0x1  }
0x148: {  	v16 =	vadd.s32 v17, v16  }
0x149: {  	[tilespmem:s1+$0xDA0] =	vst v16  }
0x14a: {  	v16 =	vld.idx.msk [tilespmem:v6+s0+$0x0], $0xffff;
	_ =	sdelay $0x1  }
0x14b: {  	v17 =	vld.idx.msk [tilespmem:v7+s0+$0x0], $0xffff;
	_ =	sdelay $0x2  }
0x14c: {  	v16 =	vmul.u32 $0x64, v16;
	_ =	sdelay $0x1  }
0x14d: {  	v16 =	vadd.s32 v17, v16  }
0x14e: {  	[tilespmem:s1+$0xDB0] =	vst v16  }
0x14f: {  	v16 =	vld.idx.msk [tilespmem:v8+s0+$0x0], $0xffff;
	_ =	sdelay $0x1  }
0x150: {  	v17 =	vld.idx.msk [tilespmem:v9+s0+$0x0], $0xffff;
	_ =	sdelay $0x2  }
0x151: {  	v16 =	vmul.u32 $0x64, v16;
	_ =	sdelay $0x1  }
0x152: {  	v16 =	vadd.s32 v17, v16  }
0x153: {  	[tilespmem:s1+$0xDC0] =	vst v16  }
0x154: {  	v16 =	vld.idx.msk [tilespmem:v10+s0+$0x0], $0xffff;
	_ =	sdelay $0x1  }
0x155: {  	v17 =	vld.idx.msk [tilespmem:v11+s0+$0x0], $0xffff;
	_ =	sdelay $0x2  }
0x156: {  	v16 =	vmul.u32 $0x64, v16;
	_ =	sdelay $0x1  }
0x157: {  	v16 =	vadd.s32 v17, v16  }
0x158: {  	[tilespmem:s1+$0xDD0] =	vst v16  }
0x159: {  	v16 =	vld.idx.msk [tilespmem:v12+s0+$0x0], $0xffff;
	_ =	sdelay $0x1  }
0x15a: {  	v17 =	vld.idx.msk [tilespmem:v13+s0+$0x0], $0xffff;
	_ =	sdelay $0x2  }
0x15b: {  	v16 =	vmul.u32 $0x64, v16;
	_ =	sdelay $0x1  }
0x15c: {  	v16 =	vadd.s32 v17, v16  }
0x15d: {  	[tilespmem:s1+$0xDE0] =	vst v16  }
0x15e: {  	v16 =	vld.idx.msk [tilespmem:v14+s0+$0x0], $0xffff;
	_ =	sdelay $0x1  }
0x15f: {  	v17 =	vld.idx.msk [tilespmem:v15+s0+$0x0], $0xffff;
	_ =	sdelay $0x2  }
0x160: {  	v16 =	vmul.u32 $0x64, v16;
	_ =	sdelay $0x1  }
0x161: {  	p0 =	slt.u32 s31, $0x2;
	v16 =	vadd.s32 v17, v16  }
0x162: {  	s17 =	sand.u32 $0x1, s31;
	s0 =	simm.s32 @!p0 $0x3;
	[tilespmem:s1+$0xDF0] =	vst v16  }
0x163: {  	s12 =	simm.s32 $0x9000;
	p1 =	seq.s32 s17, $0x1;
	_ =	swait.ge @!p0 [sflag:s0], $0x9000  }
0x164: {  	s12 =	simm.s32 @!p1 $0x0;
	[sflag:s0] =	ssyncset.done @!p0 $0x0  }
0x165: {  	s17 =	sadd.s32 $0xC00, s1;
	[sflag:s0] =	ssyncadd.s32 @!p0 $0xFFFF7000;
	s0 =	sadd.s32 $0x1200, s12  }
0x166: {  	[tilespmem:s0], [sflag:$0x2] =	stream.indirect.gather [hbm4b:s5+s16], $0x48, s17, s16, $0xb8;
	[tilespmem:$0x13200] =	vst v63  }
0x167: {  	s0 =	sadd.s32 $0xC80, s1;
	s17 =	sadd.s32 $0x3600, s12  }
0x168: {  	[tilespmem:s17], [sflag:$0x2] =	stream.indirect.gather [hbm4b:s5+s16], $0x48, s0, s16, $0xb8;
	[tilespmem:$0x13200] =	vst v63  }
0x169: {  	p0 =	seq.s32 s31, $0x63;
	s0 =	sadd.s32 $0xD00, s1;
	s17 =	sadd.s32 $0x5A00, s12  }
0x16a: {  	[tilespmem:s17], [sflag:$0x2] =	stream.indirect.gather [hbm4b:s5+s16], $0x48, s0, s16, $0xb8;
	[tilespmem:$0x13200] =	vst v63  }
0x16b: {  	s0 =	sadd.s32 $0xFFFFFFFF, s31;
	s31 =	sadd.s32 @!p0 $0x1, s31  }
0x16c: {  	s1 =	sadd.s32 $0xD80, s1;
	s12 =	sadd.s32 $0x7E00, s12;
	s17 =	smul.u32 @!p0 $0xAB, s31  }
0x16d: {  	[tilespmem:s12], [sflag:$0x2] =	stream.indirect.gather [hbm4b:s5+s16], $0x48, s1, s16, $0xb8;
	[tilespmem:$0x13200] =	vst v63  }
0x16e: {  	s1 =	sshrl.u32 @!p0 s17, $0x9  }
0x16f: {  	s1 =	sand.u32 @!p0 $0x7F, s1  }
0x170: {  	s1 =	smul.u32 @!p0 $0x3, s1  }
0x171: {  	s12 =	sshll.u32 @!p0 s31, $0xA  }
0x172: {  	s12 =	sadd.s32 @!p0 s9, s12;
	s1 =	ssub.s32 @!p0 s31, s1  }
0x173: {  	s12 =	sshrl.u32 @!p0 s12, $0x3;
	s1 =	sand.u32 @!p0 $0xFF, s1  }
0x174: {  	s17 =	simm.s32 @!p0 $0x0;
	s12 =	sadd.s32 @!p0 s4, s12;
	s1 =	sshll.u32 @!p0 s1, $0xA  }
0x175: {  	[tilespmem:s1], [sflag:$0x1] =	stream.linear.gather @!p0 [hbm4b:s12+s17], $0x400, $0x38;
	[tilespmem:$0x13200] =	vst v63  }
0x176: {  	s31 =	simm.s32 @p0 $0x64;
	s17 =	sshll.u32 s0, $0x2;
	s0 =	sand.u32 $0x1, s0  }
0x177: {  	s1 =	sadd.s32 s7, s17;
	p0 =	seq.s32 s0, $0x1;
	s0 =	simm.s32 $0xA200  }
0x178: {  	s1 =	smul.u32 $0x2400, s1;
	s0 =	simm.s32 @!p0 $0x1200;
	p0 =	sne.s32 s31, $0x64  }
.Ltmp0:
0x179: {  	_ = 	snop;
	(pc) =	sbr.rel @p0 .LBB2_2-.Ltmp0, $4  }
0x17a: {  	_ =	swait.ge [sflag:s28], $0x9000  }
0x17b: {  	[sflag:s28] =	ssyncset.done $0x0;
	s1 =	sshrl.u32 s1, $0x3  }
0x17c: {  	[sflag:s28] =	ssyncadd.s32 $0xFFFF7000;
	s1 =	sadd.s32 s2, s1  }
0x17d: {  	[hbm4b:s1+s3] =	stream.linear.scatter [tilespmem:s0], [sflag:$0x3], $0x9000, $0x38;
	[tilespmem:$0x13200] =	vst v63  }
0x17e: {  	_ =	swait.ge [sflag:s28], $0x9000  }
0x17f: {  	[sflag:s28] =	ssyncset.done $0x0  }
0x180: {  	s30 =	sadd.s32 $0x1, s30;
	[sflag:s28] =	ssyncadd.s32 $0xFFFF7000  }
0x181: {  	[hbm4b:s10+s3] =	stream.linear.scatter [tilespmem:s26], [sflag:$0x3], $0x9000, $0x38;
	[tilespmem:$0x13200] =	vst v63  }
0x182: {  	p0 =	sne.s32 s30, s11;
	_ =	swait.ge [sflag:s29], $0x9000  }
.Ltmp1:
0x183: {  	[sflag:s29] =	ssyncset.done $0x0;
	(pc) =	sbr.rel @p0 .LBB2_1-.Ltmp1, $4  }
0x184: {  	[sflag:s29] =	ssyncadd.s32 $0xFFFF7000  }
0x185: {  	_ =	swait.ge [sflag:s29], $0x9000  }
0x186: {  	[sflag:s29] =	ssyncset.done $0x0  }
0x187: {  	[sflag:s29] =	ssyncadd.s32 $0xFFFF7000  }
0x188: {  	_ =	sfence.sel $0x180000  }
0x189: {  	[bflag:$0x0] =	sbarrier.arrive $0xFFFF  }
0x18a: {  	_ =	strace $0x90000047  }
0x18b: {  	s0 =	stileid.u32;
	[bflag:$0x2] =	sbarrier.arrive $0xFFFF  }
0x18c: {  	p0 =	sne.s32 s0, $0x0;
	s0 =	rddreg [dreg:$0x2]  }
0x18d: {  	s0 =	sadd.s32 @!p0 $0x100000, s0  }
0x18e: {  	[sflag:s0] =	ssyncadd.tile.s32 @!p0 $0x1;
	_ =	shalt  }
.Lfunc_end2:
_tile_overlayer_lowered:
.L_overlay_start_2:
0x18f: {  	(tag) =	ssettag $0x2  }
0x190: {  	s0 =	rddreg [dreg:$0x0];
	s2 =	stileid.u32  }
0x191: {  	s1 =	rddreg [dreg:$0x1];
	p0 =	sne.s32 s2, $0x0  }
0x192: {  	s3 =	rddreg [dreg:$0x2];
	[bflag:$0x3] =	sbarrier.arrive $0xFFFF;
	s2 =	simm.s32 @!p0 $0x1C04  }
0x193: {  	[timem:s3], [sflag:s2] =	dma.local @!p0 [hbm:s0], s1  }
0x194: {  	s0 =	simm.s32 @!p0 $0x4  }
0x195: {  	_ =	swait.ge @!p0 [sflag:s0], s1  }
0x196: {  	s1 =	ssub.s32 @!p0 $0x0, s1;
	[sflag:s0] =	ssyncset.done @!p0 $0x0  }
0x197: {  	[sflag:s0] =	ssyncadd.s32 @!p0 s1  }
0x198: {  	[bflag:$0x3] =	sbarrier.arrive $0xFFFF  }
0x199: {  	_ =	shalt  }

// kernel: sparse-core-data-format-call.cloned.1.call-start
scs
called_computation_lowered:
.L_overlay_start_0:
0x0: {  	s2 =	sld [smem:$0x3FD9]  }
0x1: {  	s3 =	sld [smem:$0x3FFE];
	_ =	sdelay $0x1  }
0x2: {  	s1 =	srdreg.scid  }
0x3: {  	s0 =	sand.u32 $0x1, s1  }
0x4: {  	s18 =	sshll.u32 s0, $0xA;
	s2 =	sadd.s32 s3, s2  }
0x5: {  	s2 =	sadd.s32 s2, s18  }
0x6: {  	[smem:$0x3FC6] =	sst s2  }
0x7: {  	_ = 	snop  }
0x8: {  	s2 =	sld [smem:$0x3FD0];
	(tm) =	ssettm $0x1  }
0x9: {  	s19 =	sld [smem:$0x3FFB];
	_ =	sdelay $0x3  }
0xa: {  	_ =	strace s19  }
0xb: {  	s3 =	sld [smem:$0x3FFC];
	_ =	sdelay $0x3  }
0xc: {  	_ =	strace s3  }
0xd: {  	s3 =	sld [smem:$0x3FFD];
	_ =	sdelay $0x3  }
0xe: {  	_ =	strace s3  }
0xf: {  	_ =	strace $0x8FFFFFFF  }
0x10: {  	s20 =	sld [smem:$0x3FDB];
	_ =	sdelay $0x1  }
0x11: {  	s4 =	simm.s32 $_scs_section_size  }
0x12: {  	s5 =	simm.s32 $_size__tile_overlayer_lowered;
	s6 =	simm.s32 $_tile_overlayer_lowered  }
0x13: {  	s23 =	simm.s32 $0x1BFF;
	s22 =	sshll.u32 s6, $0x1;
	s3 =	sadd.s32 s4, s20  }
0x14: {  	s7 =	simm.s32 $0x0;
	s21 =	sshll.u32 s5, $0x1;
	s5 =	sadd.s32 s22, s3  }
0x15: {  	[timem:s7], [sflag:s23] =	dma.local [hbm:s5], s21  }
0x16: {  	_ =	swait.ge [sflag:s23], s21  }
0x17: {  	s4 =	ssub.s32 $0x0, s21;
	[sflag:s23] =	ssyncset.done $0x0  }
0x18: {  	[sflag:s23] =	ssyncadd.s32 s4;
	_ =	sdelay $0x1  }
0x19: {  	s24 =	simm.s32 $0x1B8B  }
0x1a: {  	_ =	swait.ge [sflag:s24], $0x1  }
0x1b: {  	[sflag:s24] =	ssyncset.done $0x0  }
0x1c: {  	s26 =	simm.s32 $0x1B8E;
	s25 =	sld [smem:$0x3FFE];
	[sflag:s24] =	ssyncadd.s32 $0xFFFFFFFF  }
0x1d: {  	s27 =	simm.s32 $execute0_lowered;
	[smem:$0x3FD2] =	sst s26  }
0x1e: {  	s5 =	sshll.u32 s27, $0x1;
	_ =	strace $0x80000049;
	[dreg:$0x1] =	wrdreg $0xFFFFFFFF  }
0x1f: {  	s28 =	simm.s32 $_size_execute0_lowered;
	s3 =	sadd.s32 s3, s5;
	[dreg:$0x0] =	wrdreg $0x0  }
0x20: {  	s5 =	sshll.u32 s28, $0x1;
	[dreg:$0x2] =	wrdreg s3  }
0x21: {  	[dreg:$0x3] =	wrdreg s5  }
0x22: {  	[dreg:$0x4] =	wrdreg $0xC0  }
0x23: {  	_ =	task [dreg:s7], $0x5FFFF  }
0x24: {  	[dreg:$0x1] =	wrdreg $0xFFFFFFFF  }
0x25: {  	[dreg:$0x0] =	wrdreg $0x60  }
0x26: {  	[dreg:$0x2] =	wrdreg s25  }
0x27: {  	[dreg:$0x3] =	wrdreg s2  }
0x28: {  	[dreg:$0x4] =	wrdreg $0x9  }
0x29: {  	_ =	task.clear_ibuf [dreg:s7], $0x5FFFF;
	_ =	strace $0x90000049  }
0x2a: {  	s29 =	simm.s32 $0x9;
	_ =	strace $0x8000004B  }
0x2b: {  	_ =	swait.ge [sflag:s29], $0x1  }
0x2c: {  	[sflag:s29] =	ssyncadd.s32 $0xFFFFFFFF  }
0x2d: {  	_ =	strace $0x9000004B  }
0x2e: {  	_ =	sfence  }
0x2f: {  	s30 =	sld [smem:$0x0];
	_ =	sdelay $0x2  }
0x30: {  	s31 =	sshll.u32 s1, $0xD;
	s1 =	sshrl.u32 s1, $0x2  }
0x31: {  	s3 =	sand.u32 $0x4000, s31;
	s1 =	sadd.s32 s1, s30  }
0x32: {  	s0 =	sor.u32 s3, s0;
	s1 =	sshll.u32 s1, $0x11  }
0x33: {  	s0 =	sor.u32 s1, s0  }
0x34: {  	s0 =	sadd.s32 $0x8F2B, s0  }
0x35: {  	[sflag:s0] =	ssyncadd.remote.s32 $0x1  }
0x36: {  	_ =	sfence.sel $0xFFFF  }
0x37: {  	[dreg:$0x0] =	wrdreg $0xFFFFFFFF;
	(pc) =	sbr.abs _section_cstart, $3  }
0x38: {  	[dreg:$0x1] =	wrdreg $0xFFFFFFFF  }
0x39: {  	_ =	task.clear_ibuf [dreg:s7], $0x2FFFF;
	_ =	strace $0x9FFFFFFF  }
0x3a: {  	(tm) =	ssettm $0x7FFFFFFF  }
0x3b: {  	_ =	shalt  }
tec
execute0_lowered:
.L_overlay_start_1:
0x0: {  	(tag) =	ssettag $0x1  }
0x1: {  	s0 =	srdreg.scid  }
0x2: {  	s1 =	sshll.u32 s0, $0x4  }
0x3: {  	s6 =	rddreg [dreg:$0x0];
	s0 =	stileid.u32;
	s1 =	sand.u32 $0x10, s1  }
0x4: {  	s3 =	rddreg [dreg:$0x1];
	s1 =	sor.u32 s0, s1  }
0x5: {  	s5 =	simm.s32 $0x1;
	s31 =	simm.s32 $0x2;
	s2 =	sshll.u32 s1, $0x7  }
0x6: {  	s15 =	simm.s32 $0x0;
	s8 =	simm.s32 $0x320000;
	s4 =	ssub.s32 $0x4000, s2  }
0x7: {  	s14 =	simm.s32 $0x0;
	s9 =	simm.s32 $0x0;
	s30 =	sand.u32 $0xF80, s4  }
0x8: {  	s10 =	simm.s32 $0x0;
	s11 =	simm.s32 $0x0;
	p0 =	sne.s32 s30, $0x0  }
.Ltmp0:
0x9: {  	s7 =	sshrl.u32 s4, $0xC;
	s5 =	simm.s32 @!p0 $0x0;
	(pc) =	sbr.rel .LBB1_1-.Ltmp0, $4  }
0xa: {  	s13 =	simm.s32 $0x0;
	s1 =	rddreg [dreg:$0x2];
	s5 =	sadd.s32 s5, s7  }
0xb: {  	_ =	strace $0x8000004A;
	s4 =	simm.s32 $0x1;
	s5 =	smul.u32 $0xC8, s5  }
0xc: {  	s6 =	sadd.s32 $0x1800, s6;
	s12 =	smov.u32 s2;
	[sflag:s4] =	ssyncpa.u1 $0x0  }
0xd: {  	[sflag:s31] =	ssyncpa.u1 $0x0;
	p0 =	por $0x0, $0x0;
	s7 =	sor.u32 $0x1, s5  }
.LBB1_4:
0xe: {  	s18 =	sshll.u32 s9, $0xE;
	s19 =	sand.u32 $0x78, s10;
	s20 =	sshll.u32 s10, $0x3  }
0xf: {  	s22 =	sshll.u32 s9, $0x7;
	p1 =	sgt.s32 s9, $0xC7;
	s25 =	sshra.s32 s9, $0x1F  }
0x10: {  	s23 =	smov.u32 s10;
	s24 =	sshra.s32 s10, $0x1F;
	s29 =	sand.u32 $0x7, s10  }
0x11: {  	s18 =	sand.u32 $0xFFFE0000, s18;
	s21 =	sand.u32 $0xFFFFFC00, s20;
	s20 =	sand.u32 $0x3C00, s20  }
0x12: {  	s30 =	sand.u32 $0x380, s22;
	s22 =	sand.u32 s25, s9;
	s18 =	sadd.s32 s21, s18  }
0x13: {  	s19 =	sor.u32 s19, s20;
	s20 =	smov.u32 s9;
	s18 =	sshrl.u32 s18, $0xE  }
0x14: {  	s20 =	simm.s32 @!p1 $0xC7;
	p1 =	sgt.s32 s10, $0x3F80;
	s31 =	smulhi.u32 $0x147AE15, s18  }
0x15: {  	s26 =	sand.u32 s24, s10;
	s20 =	ssub.s32 s20, s22;
	s23 =	simm.s32 @!p1 $0x3F80  }
0x16: {  	s27 =	ssub.s32 $0xC8, s20;
	s22 =	ssub.s32 s23, s26;
	s21 =	smul.u32 $0xC8, s31  }
0x17: {  	s20 =	sadd.s32 $0xFFFFFF39, s20;
	s23 =	smul.u32 $0x24, s27;
	s28 =	sadd.s32 $0xFFFFC080, s22  }
0x18: {  	p1 =	sgt.s32 s20, $0x0;
	s20 =	ssub.s32 $0x4000, s22;
	p2 =	sgt.s32 s28, $0x7F  }
0x19: {  	s19 =	sor.u32 s30, s19;
	s23 =	simm.s32 @p1 $0x0;
	s20 =	simm.s32 @p2 $0x0  }
0x1a: {  	[tilespmem:s17+$0x810 ss:$0x81] =	vst.msk $0xffff, v2;
	s19 =	sshrl.u32 s19, $0x3;
	s18 =	ssub.s32 s18, s21;
	s20 =	smul.u32 s20, s23  }
0x1b: {  	[tilespmem:s17+$0x1020 ss:$0x81] =	vst.msk $0xffff, v0;
	s19 =	sadd.s32 s3, s19;
	s21 =	sshll.u32 s29, $0x12;
	s18 =	sshll.u32 s18, $0xB  }
0x1c: {  	[tilespmem:s17+$0x0 ss:$0x81] =	vst.msk $0xffff, v1;
	s31 =	sor.u32 $0x80, s21;
	s18 =	sadd.s32 s18, s19;
	s30 =	sand.u32 $0x3FFFFFFC, s20  }
0x1d: {  	[hbm4b:s18+s31] =	stream.strided.scatter [tilespmem:s16], [sflag:$0x2], s30, s8, s31, $0x20;
	[tilespmem:$0x8080] =	vst v63  }
.LBB1_5:
0x1e: {  	p1 =	slt.u32 s13, $0x2  }
0x1f: {  	s17 =	smov.u32 s15;
	p2 =	sgt.s32 @!p1 s15, $0xC7;
	s16 =	sshra.s32 @!p1 s15, $0x1F  }
0x20: {  	p3 =	sgt.s32 @!p1 s14, $0x3F80;
	s18 =	sshra.s32 @!p1 s14, $0x1F;
	p2 =	por !p2, p1  }
0x21: {  	s15 =	sand.u32 @!p1 s16, s15;
	p3 =	por !p3, p1;
	s16 =	smov.u32 s14  }
0x22: {  	s14 =	sand.u32 @!p1 s18, s14;
	s17 =	simm.s32 @p2 $0xC7;
	s16 =	simm.s32 @p3 $0x3F80  }
0x23: {  	s18 =	smov.u32 s12;
	s15 =	ssub.s32 @!p1 s17, s15;
	s14 =	ssub.s32 @!p1 s16, s14  }
0x24: {  	s16 =	sadd.s32 @!p1 $0xFFFFFF39, s15;
	s15 =	ssub.s32 @!p1 $0xC8, s15;
	s17 =	sadd.s32 @!p1 $0xFFFFC080, s14  }
0x25: {  	p2 =	sgt.s32 @!p1 s16, $0x0;
	s15 =	smul.u32 @!p1 $0x24, s15;
	p3 =	sgt.s32 @!p1 s17, $0x7F  }
0x26: {  	s14 =	ssub.s32 @!p1 $0x4000, s14;
	p2 =	por !p2, p1;
	p3 =	por !p3, p1  }
0x27: {  	s16 =	sadd.s32 $0x1, s11;
	s15 =	simm.s32 @!p2 $0x0;
	s14 =	simm.s32 @!p3 $0x0  }
0x28: {  	p2 =	sgt.s32 s16, $0xC7;
	s14 =	smul.u32 @!p1 s14, s15;
	s15 =	sadd.s32 $0x1000, s12  }
0x29: {  	s18 =	smov.u32 @p2 s15  }
0x2a: {  	s16 =	simm.s32 @p2 $0x0;
	p2 =	sgt.s32 s18, $0x3FFF  }
0x2b: {  	s18 =	smov.u32 @p2 s2;
	p2 =	sne.s32 s13, s7  }
.Ltmp1:
0x2c: {  	p0 =	por !p0, !p0;
	s17 =	simm.s32 @!p1 $0x2;
	(pc) =	sbr.rel @!p2 .LBB1_6-.Ltmp1, $4  }
0x2d: {  	s15 =	smov.u32 s9;
	s9 =	smov.u32 s11;
	s14 =	sand.u32 @!p1 $0x3FFFFFFC, s14  }
0x2e: {  	s11 =	smov.u32 s16;
	_ =	swait.ge @!p1 [sflag:s17], s14;
	s19 =	ssub.s32 @!p1 $0x0, s14  }
0x2f: {  	s14 =	smov.u32 s10;
	s13 =	sadd.s32 $0x1, s13;
	[sflag:s17] =	ssyncset.done @!p1 $0x0  }
0x30: {  	s10 =	smov.u32 s12;
	s12 =	smov.u32 s18;
	[sflag:s17] =	ssyncadd.s32 @!p1 s19  }
.LBB1_1:
0x31: {  	p1 =	sge.u32 s13, s5  }
0x32: {  	s16 =	sand.u32 @!p1 $0x1FFFFFF, s11  }
0x33: {  	s17 =	smulhi.u32 @!p1 $0x147AE15, s16;
	_ =	sdelay $0x1  }
0x34: {  	s17 =	smul.u32 @!p1 $0xC8, s17  }
0x35: {  	s18 =	sxor.u32 @!p1 $0xFFFFFFFF, s13;
	s19 =	smul.u32 @!p1 $0xC80, s12  }
0x36: {  	s31 =	sadd.s32 $0xFFFFFFFF, s13;
	s18 =	sshll.u32 @!p1 s18, $0xD;
	s16 =	ssub.s32 @!p1 s16, s17  }
0x37: {  	s17 =	sand.u32 @!p1 $0x2000, s18;
	s18 =	sadd.s32 @!p1 s6, s19;
	s16 =	sshll.u32 @!p1 s16, $0x4  }
0x38: {  	s19 =	simm.s32 @!p1 $0x6400;
	s16 =	sadd.s32 @!p1 s16, s18;
	s18 =	simm.s32 @!p1 $0x40  }
0x39: {  	[tilespmem:s17], [sflag:$0x1] =	stream.strided.gather @!p1 [hbm4b:s16+s18], $0x2000, s19, s18, $0x38;
	[tilespmem:$0x8080] =	vst v63  }
0x3a: {  	p1 =	sge.u32 s31, s5  }
.Ltmp2:
0x3b: {  	_ = 	snop;
	(pc) =	sbr.rel @p1 .LBB1_5-.Ltmp2, $1  }
0x3c: {  	_ =	sdelay $0x3  }
0x3d: {  	s16 =	simm.s32 $0x1  }
0x3e: {  	_ =	swait.ge [sflag:s4], $0x2000;
	s16 =	simm.s32 @!p0 $0x0  }
0x3f: {  	[sflag:s4] =	ssyncset.done $0x0;
	s17 =	sshll.u32 s16, $0xD  }
0x40: {  	[sflag:s4] =	ssyncadd.s32 $0xFFFFE000;
	s20 =	sor.u32 $0x20, s17  }
0x41: {  	s16 =	smul.u32 $0x8100, s16;
	v3 =	vld [tilespmem:s20+$0x10]  }
0x42: {  	s30 =	sand.u32 $0x1, s13;
	v2 =	vld [tilespmem:s20+$0xFFFFFFF0]  }
0x43: {  	s17 =	smul.u32 $0x8100, s30;
	s16 =	sshrl.u32 s16, $0x2;
	v0 =	vld [tilespmem:s20+$0x0]  }
0x44: {  	v1 =	vld [tilespmem:s20+$0xFFFFFFE0];
	s18 =	sor.u32 $0x4000, s16  }
0x45: {  	s31 =	sshrl.u32 s17, $0x2;
	s17 =	sadd.s32 $0x0, s18  }
0x46: {  	s19 =	simm.s32 $0x4;
	s20 =	sadd.s32 $0x40, s20;
	s16 =	sor.u32 $0x4000, s31;
	[tilespmem:s17+$0x1830 ss:$0x81] =	vst.msk $0xffff, v3  }
.LBB1_3:
0x47: {  	v3 =	vld [tilespmem:s20+$0x10];
	p1 =	sne.s32 s19, $0x1FC;
	[tilespmem:s17+$0x810 ss:$0x81] =	vst.msk $0xffff, v2;
	s21 =	smov.u32 s19;
	s19 =	sadd.s32 $0x4, s19  }
.Ltmp3:
0x48: {  	v2 =	vld [tilespmem:s20+$0xFFFFFFF0];
	[tilespmem:s17+$0x1020 ss:$0x81] =	vst.msk $0xffff, v0;
	(pc) =	sbr.rel @p1 .LBB1_3-.Ltmp3, $4  }
0x49: {  	v0 =	vld [tilespmem:s20+$0x0];
	[tilespmem:s17+$0x0 ss:$0x81] =	vst.msk $0xffff, v1  }
0x4a: {  	s17 =	sshra.s32 s21, $0x2;
	v1 =	vld [tilespmem:s20+$0xFFFFFFE0]  }
0x4b: {  	s17 =	sadd.s32 s17, s18  }
0x4c: {  	s20 =	sadd.s32 $0x40, s20;
	[tilespmem:s17+$0x1830 ss:$0x81] =	vst.msk $0xffff, v3  }
.Ltmp4:
0x4d: {  	_ = 	snop;
	(pc) =	sbr.rel .LBB1_4-.Ltmp4, $1  }
0x4e: {  	_ =	sdelay $0x3  }
.LBB1_6:
0x4f: {  	_ =	sfence.sel $0x180000  }
0x50: {  	s2 =	simm.s32 $0x1;
	[bflag:$0x0] =	sbarrier.arrive $0xFFFF  }
0x51: {  	s31 =	simm.s32 $0x2;
	[sflag:s2] =	ssyncpa.u1 $0x1  }
0x52: {  	[sflag:s31] =	ssyncpa.u1 $0x1  }
0x53: {  	p0 =	sne.s32 s0, $0x0;
	_ =	strace $0x9000004A  }
0x54: {  	s0 =	sadd.s32 @!p0 $0x100000, s1;
	[bflag:$0x2] =	sbarrier.arrive $0xFFFF  }
0x55: {  	[sflag:s0] =	ssyncadd.tile.s32 @!p0 $0x1;
	_ =	shalt  }
.Lfunc_end1:
_tile_overlayer_lowered:
.L_overlay_start_2:
0x56: {  	(tag) =	ssettag $0x2  }
0x57: {  	s0 =	rddreg [dreg:$0x0];
	s2 =	stileid.u32  }
0x58: {  	s1 =	rddreg [dreg:$0x1];
	p0 =	sne.s32 s2, $0x0  }
0x59: {  	s3 =	rddreg [dreg:$0x2];
	[bflag:$0x3] =	sbarrier.arrive $0xFFFF;
	s2 =	simm.s32 @!p0 $0x1C01  }
0x5a: {  	[timem:s3], [sflag:s2] =	dma.local @!p0 [hbm:s0], s1  }
0x5b: {  	s0 =	simm.s32 @!p0 $0x1  }
0x5c: {  	_ =	swait.ge @!p0 [sflag:s0], s1  }
0x5d: {  	s1 =	ssub.s32 @!p0 $0x0, s1;
	[sflag:s0] =	ssyncset.done @!p0 $0x0  }
0x5e: {  	[sflag:s0] =	ssyncadd.s32 @!p0 s1  }
0x5f: {  	[bflag:$0x3] =	sbarrier.arrive $0xFFFF  }
0x60: {  	_ =	shalt  }

</sc_bundles>
